<compile_context>
chip_gen: v7x
topology: tpu7x:2x2x1
jax: 0.10.2.dev20260603
libtpu: 0.0.44.dev20260713+nightly
codegen_flags: <defaults>
</compile_context>

<pallas_src>
import functools

import jax
import jax.numpy as jnp
from jax import lax
from jax.experimental import pallas as pl
from jax.experimental.pallas import tpu as pltpu
from jax.experimental.pallas import tpu_sc as plsc

NC = 2
NS = 16
NW = NC * NS
LANES = 16
C = 80


def _sc_body(nch, s_cnt, d, idx_hbm, feat_hbm, out_hbm,
             idx_v, sbufs_v, abufs_v, sem_i, sem_sg, sem_ag, sem_sw,
             sem_aw):
    cid = lax.axis_index("c")
    sid = lax.axis_index("s")
    wid = sid * NC + cid
    base = wid * (C * nch)
    rows_per_chunk = 1 + s_cnt

    pltpu.sync_copy(idx_hbm.at[wid], idx_v)

    self_g = []
    acc_g = []
    for k in range(nch):
        r0 = k * rows_per_chunk
        self_g.append(pltpu.async_copy(
            feat_hbm.at[idx_v.at[r0]], sbufs_v.at[k], sem_sg.at[k]))
        acc_g.append(pltpu.async_copy(
            feat_hbm.at[idx_v.at[r0 + 1]], abufs_v.at[k], sem_ag.at[k]))
    add_cp = []
    for k in range(nch):
        r0 = k * rows_per_chunk
        acc_g[k].wait()
        for s in range(1, s_cnt):
            add_cp.append(pltpu.async_copy(
                feat_hbm.at[idx_v.at[r0 + 1 + s]], abufs_v.at[k],
                sem_ag.at[k], add=True))
    self_w = []
    acc_w = []
    for k in range(nch):
        b0 = base + k * C
        self_g[k].wait()
        self_w.append(pltpu.async_copy(
            sbufs_v.at[k], out_hbm.at[pl.ds(b0, C), pl.ds(0, d)],
            sem_sw.at[k]))
    for k in range(nch):
        for s in range(1, s_cnt):
            add_cp[k * (s_cnt - 1) + s - 1].wait()
        b0 = base + k * C
        acc_w.append(pltpu.async_copy(
            abufs_v.at[k], out_hbm.at[pl.ds(b0, C), pl.ds(d, d)],
            sem_aw.at[k]))
    for k in range(nch):
        self_w[k].wait()
        acc_w[k].wait()


def _tc_body(x_ref, w_ref, o_ref):
    y = lax.dot_general(x_ref[...], w_ref[...], (((1,), (1,)), ((), ())),
                        preferred_element_type=jnp.float32)
    o_ref[...] = jnp.maximum(y, 0.0)


def kernel(nodes, features, neigh_idx, W):
    b_cnt, s_cnt = neigh_idx.shape
    n_nodes, d = features.shape
    nch = -(-b_cnt // (NW * C))
    bp = NW * C * nch
    pad = bp - b_cnt

    pad_nodes = jnp.arange(pad, dtype=jnp.int32) % n_nodes
    pad_neigh = (jnp.arange(pad * s_cnt, dtype=jnp.int32)
                 % n_nodes).reshape(pad, s_cnt)
    nodes_p = jnp.concatenate([nodes.astype(jnp.int32), pad_nodes])
    neigh_p = jnp.concatenate(
        [neigh_idx.astype(jnp.int32), pad_neigh], axis=0)
    self_part = nodes_p.reshape(NW, nch, 1, C)
    neigh_part = neigh_p.reshape(NW, nch, C, s_cnt).transpose(0, 1, 3, 2)
    idx_all = jnp.concatenate([self_part, neigh_part], axis=2)
    idx_all = idx_all.reshape(NW, nch * (1 + s_cnt), C)

    mesh = plsc.VectorSubcoreMesh(core_axis_name="c", subcore_axis_name="s")
    sc = pl.kernel(
        functools.partial(_sc_body, nch, s_cnt, d),
        out_type=jax.ShapeDtypeStruct((bp, 2 * d), jnp.float32),
        mesh=mesh,
        scratch_types=[
            pltpu.VMEM((nch * (1 + s_cnt), C), jnp.int32),
            pltpu.VMEM((nch, C, d), jnp.float32),
            pltpu.VMEM((nch, C, d), jnp.float32),
            pltpu.SemaphoreType.DMA,
            pltpu.SemaphoreType.DMA((nch,)),
            pltpu.SemaphoreType.DMA((nch,)),
            pltpu.SemaphoreType.DMA((nch,)),
            pltpu.SemaphoreType.DMA((nch,)),
        ],
    )
    combined = sc(idx_all, features)

    w_scaled = jnp.concatenate([W[:, :d], W[:, d:] * (1.0 / s_cnt)], axis=1)

    bm = 2048
    out = pl.pallas_call(
        _tc_body,
        grid=(bp // bm,),
        in_specs=[
            pl.BlockSpec((bm, 2 * d), lambda i: (i, 0)),
            pl.BlockSpec((d, 2 * d), lambda i: (0, 0)),
        ],
        out_specs=pl.BlockSpec((bm, d), lambda i: (i, 0)),
        out_shape=jax.ShapeDtypeStruct((b_cnt, d), jnp.float32),
    )(combined, w_scaled)
    return out

# --- scband reference (transcript-rebuilt; emitter-appended) ---
"""Pipeline reference for scband-encoder-1924145349130 (READ-ONLY COPY).

The authoritative reference and input builder live on the scoring server;
editing this copy changes nothing except your own understanding.
"""

import jax, jax.numpy as jnp
import numpy as np

N_NODES = 100000
D_FEAT = 128
EMBED_DIM = 128
BATCH = 10000
NUM_SAMPLE = 10


def setup_inputs(seed: int = 0) -> dict:
    key = jax.random.key(seed)
    k1, k2, k3, k4 = jax.random.split(key, 4)
    nodes = jax.random.randint(k1, (BATCH,), 0, N_NODES, dtype=jnp.int64 if jax.config.jax_enable_x64 else jnp.int32)
    features = jax.random.normal(k2, (N_NODES, D_FEAT), dtype=jnp.float32)
    neigh_idx = jax.random.randint(k3, (BATCH, NUM_SAMPLE), 0, N_NODES, dtype=jnp.int64 if jax.config.jax_enable_x64 else jnp.int32)
    # xavier-uniform init for weight [embed_dim, 2*feat_dim] (non-gcn MeanAggregator)
    fan_in, fan_out = 2 * D_FEAT, EMBED_DIM
    limit = float(np.sqrt(6.0 / (fan_in + fan_out)))
    W = jax.random.uniform(k4, (EMBED_DIM, 2 * D_FEAT), minval=-limit, maxval=limit, dtype=jnp.float32)
    return {"nodes": nodes, "features": features, "neigh_idx": neigh_idx, "W": W}


def reference(nodes, features, neigh_idx, W):
    # MeanAggregator: gather sampled neighbor features and mean over samples
    neigh_feats = jnp.mean(jnp.take(features, neigh_idx, axis=0), axis=1)  # [B, d_feat]
    # self features (gcn=False path)
    self_feats = jnp.take(features, nodes, axis=0)  # [B, d_feat]
    combined = jnp.concatenate([self_feats, neigh_feats], axis=1)  # [B, 2*d_feat]
    out = jax.nn.relu(W @ combined.T)  # [embed_dim, B]
    return out.T  # [B, embed_dim]

if __name__ == "__main__":
    import jax
    _d = setup_inputs()
    print(jax.jit(kernel)(*tuple(_d.values())))

</pallas_src>

<mosaic_0001>
#map = affine_map<(d0, d1) -> (0, 0, 0)>
#map1 = affine_map<(d0, d1) -> (0, 0)>
module attributes {stable_mosaic.version = 14 : i64} {
  func.func @_sc_body(%arg0: i32, %arg1: i32, %arg2: memref<32x44x80xi32, #tpu.memory_space<hbm>>, %arg3: memref<100000x128xf32, #tpu.memory_space<hbm>>, %arg4: memref<10240x256xf32, #tpu.memory_space<hbm>>, %arg5: memref<44x80xi32, #tpu.memory_space<vmem>>, %arg6: memref<4x80x128xf32, #tpu.memory_space<vmem>>, %arg7: memref<4x80x128xf32, #tpu.memory_space<vmem>>, %arg8: memref<!tpu.dma_semaphore, #tpu.memory_space<semaphore_mem>>, %arg9: memref<4x!tpu.dma_semaphore, #tpu.memory_space<semaphore_mem>>, %arg10: memref<4x!tpu.dma_semaphore, #tpu.memory_space<semaphore_mem>>, %arg11: memref<4x!tpu.dma_semaphore, #tpu.memory_space<semaphore_mem>>, %arg12: memref<4x!tpu.dma_semaphore, #tpu.memory_space<semaphore_mem>>) attributes {dimension_semantics = [#tpu.dimension_semantics<core_parallel>, #tpu.dimension_semantics<subcore_parallel>], iteration_bounds = array<i64: 2, 16>, scalar_prefetch = 0 : i64, scratch_operands = 8 : i64, tpu.core_type = #tpu.core_type<sc_vector_subcore>, window_params = [{transform_indices = #map}, {transform_indices = #map1}, {transform_indices = #map1}]} {
    %mul3A = arith.constant 2 : i32
    %mul3A_0 = arith.muli %arg1, %mul3A : i32
    %add3A = arith.addi %mul3A_0, %arg0 : i32
    %mul3A_1 = arith.constant 320 : i32
    %mul3A_2 = arith.muli %add3A, %mul3A_1 : i32
    "tpu.region"() ({
      %run_scoped3A = tpu.sem_alloc : memref<!tpu.dma_semaphore, #tpu.memory_space<semaphore_mem>>
      %dma_start3A_1593 = arith.constant 0 : i32
      %dma_start3A_1594 = arith.constant 0 : i32
      %dma_start3A_1595 = tpu.memref_slice %arg2[%add3A, %dma_start3A_1593, %dma_start3A_1594] : memref<32x44x80xi32, #tpu.memory_space<hbm>> -> memref<1x44x80xi32, #tpu.memory_space<hbm>>
      %dma_start3A_1596 = tpu.memref_squeeze %dma_start3A_1595 : memref<1x44x80xi32, #tpu.memory_space<hbm>> -> memref<44x80xi32, #tpu.memory_space<hbm>>
      %dma_start3A_1597 = arith.constant 0 : i32
      %dma_start3A_1598 = arith.constant 0 : i32
      %dma_start3A_1599 = tpu.memref_slice %arg2[%add3A, %dma_start3A_1597, %dma_start3A_1598] : memref<32x44x80xi32, #tpu.memory_space<hbm>> -> memref<1x44x80xi32, #tpu.memory_space<hbm>>
      %dma_start3A_1600 = tpu.memref_squeeze %dma_start3A_1599 : memref<1x44x80xi32, #tpu.memory_space<hbm>> -> memref<44x80xi32, #tpu.memory_space<hbm>>
      tpu.enqueue_dma source(%dma_start3A_1600 : memref<44x80xi32, #tpu.memory_space<hbm>>) target(%arg5 : memref<44x80xi32, #tpu.memory_space<vmem>>) target_semaphore(%run_scoped3A : memref<!tpu.dma_semaphore, #tpu.memory_space<semaphore_mem>>)
      %dma_wait3A_1601 = arith.constant 0 : i32
      %dma_wait3A_1602 = arith.constant 0 : i32
      %dma_wait3A_1603 = tpu.memref_slice %arg2[%add3A, %dma_wait3A_1601, %dma_wait3A_1602] : memref<32x44x80xi32, #tpu.memory_space<hbm>> -> memref<1x44x80xi32, #tpu.memory_space<hbm>>
      %dma_wait3A_1604 = tpu.memref_squeeze %dma_wait3A_1603 : memref<1x44x80xi32, #tpu.memory_space<hbm>> -> memref<44x80xi32, #tpu.memory_space<hbm>>
      %dma_wait3A_1605 = arith.constant 0 : i32
      %dma_wait3A_1606 = arith.constant 0 : i32
      %dma_wait3A_1607 = tpu.memref_slice %arg2[%add3A, %dma_wait3A_1605, %dma_wait3A_1606] : memref<32x44x80xi32, #tpu.memory_space<hbm>> -> memref<1x44x80xi32, #tpu.memory_space<hbm>>
      %dma_wait3A_1608 = tpu.memref_squeeze %dma_wait3A_1607 : memref<1x44x80xi32, #tpu.memory_space<hbm>> -> memref<44x80xi32, #tpu.memory_space<hbm>>
      tpu.wait_dma2 semaphore(%run_scoped3A : memref<!tpu.dma_semaphore, #tpu.memory_space<semaphore_mem>>) src(%dma_wait3A_1608 : memref<44x80xi32, #tpu.memory_space<hbm>>) dst(%arg5 : memref<44x80xi32, #tpu.memory_space<vmem>>)
      tpu.yield
    }) : () -> ()
    %dma_start3A = arith.constant 0 : i32
    %dma_start3A_3 = arith.constant 0 : i32
    %dma_start3A_4 = arith.constant 0 : i32
    %dma_start3A_5 = arith.constant 0 : i32
    %dma_start3A_6 = arith.constant 0 : i32
    %dma_start3A_7 = tpu.memref_slice %arg6[%dma_start3A_3, %dma_start3A_5, %dma_start3A_6] : memref<4x80x128xf32, #tpu.memory_space<vmem>> -> memref<1x80x128xf32, #tpu.memory_space<vmem>>
    %dma_start3A_8 = tpu.memref_squeeze %dma_start3A_7 : memref<1x80x128xf32, #tpu.memory_space<vmem>> -> memref<80x128xf32, #tpu.memory_space<vmem>>
    %dma_start3A_9 = arith.constant 0 : i32
    %dma_start3A_10 = tpu.memref_slice %arg5[%dma_start3A, %dma_start3A_9] : memref<44x80xi32, #tpu.memory_space<vmem>> -> memref<1x80xi32, #tpu.memory_space<vmem>>
    %dma_start3A_11 = tpu.memref_squeeze %dma_start3A_10 : memref<1x80xi32, #tpu.memory_space<vmem>> -> memref<80xi32, #tpu.memory_space<vmem>>
    %dma_start3A_12 = arith.constant 0 : i32
    %dma_start3A_13 = arith.constant 0 : i32
    %dma_start3A_14 = tpu.memref_slice %arg3[%dma_start3A_12, %dma_start3A_13] : memref<100000x128xf32, #tpu.memory_space<hbm>> -> memref<100000x128xf32, #tpu.memory_space<hbm>>
    %dma_start3A_15 = tpu.memref_slice %arg9[%dma_start3A_4] : memref<4x!tpu.dma_semaphore, #tpu.memory_space<semaphore_mem>> -> memref<1x!tpu.dma_semaphore, #tpu.memory_space<semaphore_mem>>
    %dma_start3A_16 = tpu.memref_squeeze %dma_start3A_15 : memref<1x!tpu.dma_semaphore, #tpu.memory_space<semaphore_mem>> -> memref<!tpu.dma_semaphore, #tpu.memory_space<semaphore_mem>>
    tpu.enqueue_indirect_dma source(%dma_start3A_14 : memref<100000x128xf32, #tpu.memory_space<hbm>>) target(%dma_start3A_8 : memref<80x128xf32, #tpu.memory_space<vmem>>) offsets(%dma_start3A_11 : memref<80xi32, #tpu.memory_space<vmem>>) semaphore(%dma_start3A_16 : memref<!tpu.dma_semaphore, #tpu.memory_space<semaphore_mem>>)
    %dma_start3A_17 = arith.constant 1 : i32
    %dma_start3A_18 = arith.constant 0 : i32
    %dma_start3A_19 = arith.constant 0 : i32
    %dma_start3A_20 = arith.constant 0 : i32
    %dma_start3A_21 = arith.constant 0 : i32
    %dma_start3A_22 = tpu.memref_slice %arg7[%dma_start3A_18, %dma_start3A_20, %dma_start3A_21] : memref<4x80x128xf32, #tpu.memory_space<vmem>> -> memref<1x80x128xf32, #tpu.memory_space<vmem>>
    %dma_start3A_23 = tpu.memref_squeeze %dma_start3A_22 : memref<1x80x128xf32, #tpu.memory_space<vmem>> -> memref<80x128xf32, #tpu.memory_space<vmem>>
    %dma_start3A_24 = arith.constant 0 : i32
    %dma_start3A_25 = tpu.memref_slice %arg5[%dma_start3A_17, %dma_start3A_24] : memref<44x80xi32, #tpu.memory_space<vmem>> -> memref<1x80xi32, #tpu.memory_space<vmem>>
    %dma_start3A_26 = tpu.memref_squeeze %dma_start3A_25 : memref<1x80xi32, #tpu.memory_space<vmem>> -> memref<80xi32, #tpu.memory_space<vmem>>
    %dma_start3A_27 = arith.constant 0 : i32
    %dma_start3A_28 = arith.constant 0 : i32
    %dma_start3A_29 = tpu.memref_slice %arg3[%dma_start3A_27, %dma_start3A_28] : memref<100000x128xf32, #tpu.memory_space<hbm>> -> memref<100000x128xf32, #tpu.memory_space<hbm>>
    %dma_start3A_30 = tpu.memref_slice %arg10[%dma_start3A_19] : memref<4x!tpu.dma_semaphore, #tpu.memory_space<semaphore_mem>> -> memref<1x!tpu.dma_semaphore, #tpu.memory_space<semaphore_mem>>
    %dma_start3A_31 = tpu.memref_squeeze %dma_start3A_30 : memref<1x!tpu.dma_semaphore, #tpu.memory_space<semaphore_mem>> -> memref<!tpu.dma_semaphore, #tpu.memory_space<semaphore_mem>>
    tpu.enqueue_indirect_dma source(%dma_start3A_29 : memref<100000x128xf32, #tpu.memory_space<hbm>>) target(%dma_start3A_23 : memref<80x128xf32, #tpu.memory_space<vmem>>) offsets(%dma_start3A_26 : memref<80xi32, #tpu.memory_space<vmem>>) semaphore(%dma_start3A_31 : memref<!tpu.dma_semaphore, #tpu.memory_space<semaphore_mem>>)
    %dma_start3A_32 = arith.constant 11 : i32
    %dma_start3A_33 = arith.constant 1 : i32
    %dma_start3A_34 = arith.constant 1 : i32
    %dma_start3A_35 = arith.constant 0 : i32
    %dma_start3A_36 = arith.constant 0 : i32
    %dma_start3A_37 = tpu.memref_slice %arg6[%dma_start3A_33, %dma_start3A_35, %dma_start3A_36] : memref<4x80x128xf32, #tpu.memory_space<vmem>> -> memref<1x80x128xf32, #tpu.memory_space<vmem>>
    %dma_start3A_38 = tpu.memref_squeeze %dma_start3A_37 : memref<1x80x128xf32, #tpu.memory_space<vmem>> -> memref<80x128xf32, #tpu.memory_space<vmem>>
    %dma_start3A_39 = arith.constant 0 : i32
    %dma_start3A_40 = tpu.memref_slice %arg5[%dma_start3A_32, %dma_start3A_39] : memref<44x80xi32, #tpu.memory_space<vmem>> -> memref<1x80xi32, #tpu.memory_space<vmem>>
    %dma_start3A_41 = tpu.memref_squeeze %dma_start3A_40 : memref<1x80xi32, #tpu.memory_space<vmem>> -> memref<80xi32, #tpu.memory_space<vmem>>
    %dma_start3A_42 = arith.constant 0 : i32
    %dma_start3A_43 = arith.constant 0 : i32
    %dma_start3A_44 = tpu.memref_slice %arg3[%dma_start3A_42, %dma_start3A_43] : memref<100000x128xf32, #tpu.memory_space<hbm>> -> memref<100000x128xf32, #tpu.memory_space<hbm>>
    %dma_start3A_45 = tpu.memref_slice %arg9[%dma_start3A_34] : memref<4x!tpu.dma_semaphore, #tpu.memory_space<semaphore_mem>> -> memref<1x!tpu.dma_semaphore, #tpu.memory_space<semaphore_mem>>
    %dma_start3A_46 = tpu.memref_squeeze %dma_start3A_45 : memref<1x!tpu.dma_semaphore, #tpu.memory_space<semaphore_mem>> -> memref<!tpu.dma_semaphore, #tpu.memory_space<semaphore_mem>>
    tpu.enqueue_indirect_dma source(%dma_start3A_44 : memref<100000x128xf32, #tpu.memory_space<hbm>>) target(%dma_start3A_38 : memref<80x128xf32, #tpu.memory_space<vmem>>) offsets(%dma_start3A_41 : memref<80xi32, #tpu.memory_space<vmem>>) semaphore(%dma_start3A_46 : memref<!tpu.dma_semaphore, #tpu.memory_space<semaphore_mem>>)
    %dma_start3A_47 = arith.constant 12 : i32
    %dma_start3A_48 = arith.constant 1 : i32
    %dma_start3A_49 = arith.constant 1 : i32
    %dma_start3A_50 = arith.constant 0 : i32
    %dma_start3A_51 = arith.constant 0 : i32
    %dma_start3A_52 = tpu.memref_slice %arg7[%dma_start3A_48, %dma_start3A_50, %dma_start3A_51] : memref<4x80x128xf32, #tpu.memory_space<vmem>> -> memref<1x80x128xf32, #tpu.memory_space<vmem>>
    %dma_start3A_53 = tpu.memref_squeeze %dma_start3A_52 : memref<1x80x128xf32, #tpu.memory_space<vmem>> -> memref<80x128xf32, #tpu.memory_space<vmem>>
    %dma_start3A_54 = arith.constant 0 : i32
    %dma_start3A_55 = tpu.memref_slice %arg5[%dma_start3A_47, %dma_start3A_54] : memref<44x80xi32, #tpu.memory_space<vmem>> -> memref<1x80xi32, #tpu.memory_space<vmem>>
    %dma_start3A_56 = tpu.memref_squeeze %dma_start3A_55 : memref<1x80xi32, #tpu.memory_space<vmem>> -> memref<80xi32, #tpu.memory_space<vmem>>
    %dma_start3A_57 = arith.constant 0 : i32
    %dma_start3A_58 = arith.constant 0 : i32
    %dma_start3A_59 = tpu.memref_slice %arg3[%dma_start3A_57, %dma_start3A_58] : memref<100000x128xf32, #tpu.memory_space<hbm>> -> memref<100000x128xf32, #tpu.memory_space<hbm>>
    %dma_start3A_60 = tpu.memref_slice %arg10[%dma_start3A_49] : memref<4x!tpu.dma_semaphore, #tpu.memory_space<semaphore_mem>> -> memref<1x!tpu.dma_semaphore, #tpu.memory_space<semaphore_mem>>
    %dma_start3A_61 = tpu.memref_squeeze %dma_start3A_60 : memref<1x!tpu.dma_semaphore, #tpu.memory_space<semaphore_mem>> -> memref<!tpu.dma_semaphore, #tpu.memory_space<semaphore_mem>>
    tpu.enqueue_indirect_dma source(%dma_start3A_59 : memref<100000x128xf32, #tpu.memory_space<hbm>>) target(%dma_start3A_53 : memref<80x128xf32, #tpu.memory_space<vmem>>) offsets(%dma_start3A_56 : memref<80xi32, #tpu.memory_space<vmem>>) semaphore(%dma_start3A_61 : memref<!tpu.dma_semaphore, #tpu.memory_space<semaphore_mem>>)
    %dma_start3A_62 = arith.constant 22 : i32
    %dma_start3A_63 = arith.constant 2 : i32
    %dma_start3A_64 = arith.constant 2 : i32
    %dma_start3A_65 = arith.constant 0 : i32
    %dma_start3A_66 = arith.constant 0 : i32
    %dma_start3A_67 = tpu.memref_slice %arg6[%dma_start3A_63, %dma_start3A_65, %dma_start3A_66] : memref<4x80x128xf32, #tpu.memory_space<vmem>> -> memref<1x80x128xf32, #tpu.memory_space<vmem>>
    %dma_start3A_68 = tpu.memref_squeeze %dma_start3A_67 : memref<1x80x128xf32, #tpu.memory_space<vmem>> -> memref<80x128xf32, #tpu.memory_space<vmem>>
    %dma_start3A_69 = arith.constant 0 : i32
    %dma_start3A_70 = tpu.memref_slice %arg5[%dma_start3A_62, %dma_start3A_69] : memref<44x80xi32, #tpu.memory_space<vmem>> -> memref<1x80xi32, #tpu.memory_space<vmem>>
    %dma_start3A_71 = tpu.memref_squeeze %dma_start3A_70 : memref<1x80xi32, #tpu.memory_space<vmem>> -> memref<80xi32, #tpu.memory_space<vmem>>
    %dma_start3A_72 = arith.constant 0 : i32
    %dma_start3A_73 = arith.constant 0 : i32
    %dma_start3A_74 = tpu.memref_slice %arg3[%dma_start3A_72, %dma_start3A_73] : memref<100000x128xf32, #tpu.memory_space<hbm>> -> memref<100000x128xf32, #tpu.memory_space<hbm>>
    %dma_start3A_75 = tpu.memref_slice %arg9[%dma_start3A_64] : memref<4x!tpu.dma_semaphore, #tpu.memory_space<semaphore_mem>> -> memref<1x!tpu.dma_semaphore, #tpu.memory_space<semaphore_mem>>
    %dma_start3A_76 = tpu.memref_squeeze %dma_start3A_75 : memref<1x!tpu.dma_semaphore, #tpu.memory_space<semaphore_mem>> -> memref<!tpu.dma_semaphore, #tpu.memory_space<semaphore_mem>>
    tpu.enqueue_indirect_dma source(%dma_start3A_74 : memref<100000x128xf32, #tpu.memory_space<hbm>>) target(%dma_start3A_68 : memref<80x128xf32, #tpu.memory_space<vmem>>) offsets(%dma_start3A_71 : memref<80xi32, #tpu.memory_space<vmem>>) semaphore(%dma_start3A_76 : memref<!tpu.dma_semaphore, #tpu.memory_space<semaphore_mem>>)
    %dma_start3A_77 = arith.constant 23 : i32
    %dma_start3A_78 = arith.constant 2 : i32
    %dma_start3A_79 = arith.constant 2 : i32
    %dma_start3A_80 = arith.constant 0 : i32
    %dma_start3A_81 = arith.constant 0 : i32
    %dma_start3A_82 = tpu.memref_slice %arg7[%dma_start3A_78, %dma_start3A_80, %dma_start3A_81] : memref<4x80x128xf32, #tpu.memory_space<vmem>> -> memref<1x80x128xf32, #tpu.memory_space<vmem>>
    %dma_start3A_83 = tpu.memref_squeeze %dma_start3A_82 : memref<1x80x128xf32, #tpu.memory_space<vmem>> -> memref<80x128xf32, #tpu.memory_space<vmem>>
    %dma_start3A_84 = arith.constant 0 : i32
    %dma_start3A_85 = tpu.memref_slice %arg5[%dma_start3A_77, %dma_start3A_84] : memref<44x80xi32, #tpu.memory_space<vmem>> -> memref<1x80xi32, #tpu.memory_space<vmem>>
    %dma_start3A_86 = tpu.memref_squeeze %dma_start3A_85 : memref<1x80xi32, #tpu.memory_space<vmem>> -> memref<80xi32, #tpu.memory_space<vmem>>
    %dma_start3A_87 = arith.constant 0 : i32
    %dma_start3A_88 = arith.constant 0 : i32
    %dma_start3A_89 = tpu.memref_slice %arg3[%dma_start3A_87, %dma_start3A_88] : memref<100000x128xf32, #tpu.memory_space<hbm>> -> memref<100000x128xf32, #tpu.memory_space<hbm>>
    %dma_start3A_90 = tpu.memref_slice %arg10[%dma_start3A_79] : memref<4x!tpu.dma_semaphore, #tpu.memory_space<semaphore_mem>> -> memref<1x!tpu.dma_semaphore, #tpu.memory_space<semaphore_mem>>
    %dma_start3A_91 = tpu.memref_squeeze %dma_start3A_90 : memref<1x!tpu.dma_semaphore, #tpu.memory_space<semaphore_mem>> -> memref<!tpu.dma_semaphore, #tpu.memory_space<semaphore_mem>>
    tpu.enqueue_indirect_dma source(%dma_start3A_89 : memref<100000x128xf32, #tpu.memory_space<hbm>>) target(%dma_start3A_83 : memref<80x128xf32, #tpu.memory_space<vmem>>) offsets(%dma_start3A_86 : memref<80xi32, #tpu.memory_space<vmem>>) semaphore(%dma_start3A_91 : memref<!tpu.dma_semaphore, #tpu.memory_space<semaphore_mem>>)
    %dma_start3A_92 = arith.constant 33 : i32
    %dma_start3A_93 = arith.constant 3 : i32
    %dma_start3A_94 = arith.constant 3 : i32
    %dma_start3A_95 = arith.constant 0 : i32
    %dma_start3A_96 = arith.constant 0 : i32
    %dma_start3A_97 = tpu.memref_slice %arg6[%dma_start3A_93, %dma_start3A_95, %dma_start3A_96] : memref<4x80x128xf32, #tpu.memory_space<vmem>> -> memref<1x80x128xf32, #tpu.memory_space<vmem>>
    %dma_start3A_98 = tpu.memref_squeeze %dma_start3A_97 : memref<1x80x128xf32, #tpu.memory_space<vmem>> -> memref<80x128xf32, #tpu.memory_space<vmem>>
    %dma_start3A_99 = arith.constant 0 : i32
    %dma_start3A_100 = tpu.memref_slice %arg5[%dma_start3A_92, %dma_start3A_99] : memref<44x80xi32, #tpu.memory_space<vmem>> -> memref<1x80xi32, #tpu.memory_space<vmem>>
    %dma_start3A_101 = tpu.memref_squeeze %dma_start3A_100 : memref<1x80xi32, #tpu.memory_space<vmem>> -> memref<80xi32, #tpu.memory_space<vmem>>
    %dma_start3A_102 = arith.constant 0 : i32
    %dma_start3A_103 = arith.constant 0 : i32
    %dma_start3A_104 = tpu.memref_slice %arg3[%dma_start3A_102, %dma_start3A_103] : memref<100000x128xf32, #tpu.memory_space<hbm>> -> memref<100000x128xf32, #tpu.memory_space<hbm>>
    %dma_start3A_105 = tpu.memref_slice %arg9[%dma_start3A_94] : memref<4x!tpu.dma_semaphore, #tpu.memory_space<semaphore_mem>> -> memref<1x!tpu.dma_semaphore, #tpu.memory_space<semaphore_mem>>
    %dma_start3A_106 = tpu.memref_squeeze %dma_start3A_105 : memref<1x!tpu.dma_semaphore, #tpu.memory_space<semaphore_mem>> -> memref<!tpu.dma_semaphore, #tpu.memory_space<semaphore_mem>>
    tpu.enqueue_indirect_dma source(%dma_start3A_104 : memref<100000x128xf32, #tpu.memory_space<hbm>>) target(%dma_start3A_98 : memref<80x128xf32, #tpu.memory_space<vmem>>) offsets(%dma_start3A_101 : memref<80xi32, #tpu.memory_space<vmem>>) semaphore(%dma_start3A_106 : memref<!tpu.dma_semaphore, #tpu.memory_space<semaphore_mem>>)
    %dma_start3A_107 = arith.constant 34 : i32
    %dma_start3A_108 = arith.constant 3 : i32
    %dma_start3A_109 = arith.constant 3 : i32
    %dma_start3A_110 = arith.constant 0 : i32
    %dma_start3A_111 = arith.constant 0 : i32
    %dma_start3A_112 = tpu.memref_slice %arg7[%dma_start3A_108, %dma_start3A_110, %dma_start3A_111] : memref<4x80x128xf32, #tpu.memory_space<vmem>> -> memref<1x80x128xf32, #tpu.memory_space<vmem>>
    %dma_start3A_113 = tpu.memref_squeeze %dma_start3A_112 : memref<1x80x128xf32, #tpu.memory_space<vmem>> -> memref<80x128xf32, #tpu.memory_space<vmem>>
    %dma_start3A_114 = arith.constant 0 : i32
    %dma_start3A_115 = tpu.memref_slice %arg5[%dma_start3A_107, %dma_start3A_114] : memref<44x80xi32, #tpu.memory_space<vmem>> -> memref<1x80xi32, #tpu.memory_space<vmem>>
    %dma_start3A_116 = tpu.memref_squeeze %dma_start3A_115 : memref<1x80xi32, #tpu.memory_space<vmem>> -> memref<80xi32, #tpu.memory_space<vmem>>
    %dma_start3A_117 = arith.constant 0 : i32
    %dma_start3A_118 = arith.constant 0 : i32
    %dma_start3A_119 = tpu.memref_slice %arg3[%dma_start3A_117, %dma_start3A_118] : memref<100000x128xf32, #tpu.memory_space<hbm>> -> memref<100000x128xf32, #tpu.memory_space<hbm>>
    %dma_start3A_120 = tpu.memref_slice %arg10[%dma_start3A_109] : memref<4x!tpu.dma_semaphore, #tpu.memory_space<semaphore_mem>> -> memref<1x!tpu.dma_semaphore, #tpu.memory_space<semaphore_mem>>
    %dma_start3A_121 = tpu.memref_squeeze %dma_start3A_120 : memref<1x!tpu.dma_semaphore, #tpu.memory_space<semaphore_mem>> -> memref<!tpu.dma_semaphore, #tpu.memory_space<semaphore_mem>>
    tpu.enqueue_indirect_dma source(%dma_start3A_119 : memref<100000x128xf32, #tpu.memory_space<hbm>>) target(%dma_start3A_113 : memref<80x128xf32, #tpu.memory_space<vmem>>) offsets(%dma_start3A_116 : memref<80xi32, #tpu.memory_space<vmem>>) semaphore(%dma_start3A_121 : memref<!tpu.dma_semaphore, #tpu.memory_space<semaphore_mem>>)
    %dma_wait3A = arith.constant 1 : i32
    %dma_wait3A_122 = arith.constant 0 : i32
    %dma_wait3A_123 = arith.constant 0 : i32
    %dma_wait3A_124 = arith.constant 0 : i32
    %dma_wait3A_125 = arith.constant 0 : i32
    %dma_wait3A_126 = tpu.memref_slice %arg7[%dma_wait3A_122, %dma_wait3A_124, %dma_wait3A_125] : memref<4x80x128xf32, #tpu.memory_space<vmem>> -> memref<1x80x128xf32, #tpu.memory_space<vmem>>
    %dma_wait3A_127 = tpu.memref_squeeze %dma_wait3A_126 : memref<1x80x128xf32, #tpu.memory_space<vmem>> -> memref<80x128xf32, #tpu.memory_space<vmem>>
    %dma_wait3A_128 = arith.constant 0 : i32
    %dma_wait3A_129 = tpu.memref_slice %arg5[%dma_wait3A, %dma_wait3A_128] : memref<44x80xi32, #tpu.memory_space<vmem>> -> memref<1x80xi32, #tpu.memory_space<vmem>>
    %dma_wait3A_130 = tpu.memref_squeeze %dma_wait3A_129 : memref<1x80xi32, #tpu.memory_space<vmem>> -> memref<80xi32, #tpu.memory_space<vmem>>
    %dma_wait3A_131 = arith.constant 0 : i32
    %dma_wait3A_132 = arith.constant 0 : i32
    %dma_wait3A_133 = tpu.memref_slice %arg3[%dma_wait3A_131, %dma_wait3A_132] : memref<100000x128xf32, #tpu.memory_space<hbm>> -> memref<100000x128xf32, #tpu.memory_space<hbm>>
    %dma_wait3A_134 = tpu.memref_slice %arg10[%dma_wait3A_123] : memref<4x!tpu.dma_semaphore, #tpu.memory_space<semaphore_mem>> -> memref<1x!tpu.dma_semaphore, #tpu.memory_space<semaphore_mem>>
    %dma_wait3A_135 = tpu.memref_squeeze %dma_wait3A_134 : memref<1x!tpu.dma_semaphore, #tpu.memory_space<semaphore_mem>> -> memref<!tpu.dma_semaphore, #tpu.memory_space<semaphore_mem>>
    tpu.wait_indirect_dma semaphore(%dma_wait3A_135 : memref<!tpu.dma_semaphore, #tpu.memory_space<semaphore_mem>>) src(%dma_wait3A_133 : memref<100000x128xf32, #tpu.memory_space<hbm>>) dst(%dma_wait3A_127 : memref<80x128xf32, #tpu.memory_space<vmem>>)
    %dma_start3A_136 = arith.constant 2 : i32
    %dma_start3A_137 = arith.constant 0 : i32
    %dma_start3A_138 = arith.constant 0 : i32
    %dma_start3A_139 = arith.constant 0 : i32
    %dma_start3A_140 = arith.constant 0 : i32
    %dma_start3A_141 = tpu.memref_slice %arg7[%dma_start3A_137, %dma_start3A_139, %dma_start3A_140] : memref<4x80x128xf32, #tpu.memory_space<vmem>> -> memref<1x80x128xf32, #tpu.memory_space<vmem>>
    %dma_start3A_142 = tpu.memref_squeeze %dma_start3A_141 : memref<1x80x128xf32, #tpu.memory_space<vmem>> -> memref<80x128xf32, #tpu.memory_space<vmem>>
    %dma_start3A_143 = arith.constant 0 : i32
    %dma_start3A_144 = tpu.memref_slice %arg5[%dma_start3A_136, %dma_start3A_143] : memref<44x80xi32, #tpu.memory_space<vmem>> -> memref<1x80xi32, #tpu.memory_space<vmem>>
    %dma_start3A_145 = tpu.memref_squeeze %dma_start3A_144 : memref<1x80xi32, #tpu.memory_space<vmem>> -> memref<80xi32, #tpu.memory_space<vmem>>
    %dma_start3A_146 = arith.constant 0 : i32
    %dma_start3A_147 = arith.constant 0 : i32
    %dma_start3A_148 = tpu.memref_slice %arg3[%dma_start3A_146, %dma_start3A_147] : memref<100000x128xf32, #tpu.memory_space<hbm>> -> memref<100000x128xf32, #tpu.memory_space<hbm>>
    %dma_start3A_149 = tpu.memref_slice %arg10[%dma_start3A_138] : memref<4x!tpu.dma_semaphore, #tpu.memory_space<semaphore_mem>> -> memref<1x!tpu.dma_semaphore, #tpu.memory_space<semaphore_mem>>
    %dma_start3A_150 = tpu.memref_squeeze %dma_start3A_149 : memref<1x!tpu.dma_semaphore, #tpu.memory_space<semaphore_mem>> -> memref<!tpu.dma_semaphore, #tpu.memory_space<semaphore_mem>>
    tpu.enqueue_indirect_dma source(%dma_start3A_148 : memref<100000x128xf32, #tpu.memory_space<hbm>>) target(%dma_start3A_142 : memref<80x128xf32, #tpu.memory_space<vmem>>) offsets(%dma_start3A_145 : memref<80xi32, #tpu.memory_space<vmem>>) semaphore(%dma_start3A_150 : memref<!tpu.dma_semaphore, #tpu.memory_space<semaphore_mem>>) {add = true}
    %dma_start3A_151 = arith.constant 3 : i32
    %dma_start3A_152 = arith.constant 0 : i32
    %dma_start3A_153 = arith.constant 0 : i32
    %dma_start3A_154 = arith.constant 0 : i32
    %dma_start3A_155 = arith.constant 0 : i32
    %dma_start3A_156 = tpu.memref_slice %arg7[%dma_start3A_152, %dma_start3A_154, %dma_start3A_155] : memref<4x80x128xf32, #tpu.memory_space<vmem>> -> memref<1x80x128xf32, #tpu.memory_space<vmem>>
    %dma_start3A_157 = tpu.memref_squeeze %dma_start3A_156 : memref<1x80x128xf32, #tpu.memory_space<vmem>> -> memref<80x128xf32, #tpu.memory_space<vmem>>
    %dma_start3A_158 = arith.constant 0 : i32
    %dma_start3A_159 = tpu.memref_slice %arg5[%dma_start3A_151, %dma_start3A_158] : memref<44x80xi32, #tpu.memory_space<vmem>> -> memref<1x80xi32, #tpu.memory_space<vmem>>
    %dma_start3A_160 = tpu.memref_squeeze %dma_start3A_159 : memref<1x80xi32, #tpu.memory_space<vmem>> -> memref<80xi32, #tpu.memory_space<vmem>>
    %dma_start3A_161 = arith.constant 0 : i32
    %dma_start3A_162 = arith.constant 0 : i32
    %dma_start3A_163 = tpu.memref_slice %arg3[%dma_start3A_161, %dma_start3A_162] : memref<100000x128xf32, #tpu.memory_space<hbm>> -> memref<100000x128xf32, #tpu.memory_space<hbm>>
    %dma_start3A_164 = tpu.memref_slice %arg10[%dma_start3A_153] : memref<4x!tpu.dma_semaphore, #tpu.memory_space<semaphore_mem>> -> memref<1x!tpu.dma_semaphore, #tpu.memory_space<semaphore_mem>>
    %dma_start3A_165 = tpu.memref_squeeze %dma_start3A_164 : memref<1x!tpu.dma_semaphore, #tpu.memory_space<semaphore_mem>> -> memref<!tpu.dma_semaphore, #tpu.memory_space<semaphore_mem>>
    tpu.enqueue_indirect_dma source(%dma_start3A_163 : memref<100000x128xf32, #tpu.memory_space<hbm>>) target(%dma_start3A_157 : memref<80x128xf32, #tpu.memory_space<vmem>>) offsets(%dma_start3A_160 : memref<80xi32, #tpu.memory_space<vmem>>) semaphore(%dma_start3A_165 : memref<!tpu.dma_semaphore, #tpu.memory_space<semaphore_mem>>) {add = true}
    %dma_start3A_166 = arith.constant 4 : i32
    %dma_start3A_167 = arith.constant 0 : i32
    %dma_start3A_168 = arith.constant 0 : i32
    %dma_start3A_169 = arith.constant 0 : i32
    %dma_start3A_170 = arith.constant 0 : i32
    %dma_start3A_171 = tpu.memref_slice %arg7[%dma_start3A_167, %dma_start3A_169, %dma_start3A_170] : memref<4x80x128xf32, #tpu.memory_space<vmem>> -> memref<1x80x128xf32, #tpu.memory_space<vmem>>
    %dma_start3A_172 = tpu.memref_squeeze %dma_start3A_171 : memref<1x80x128xf32, #tpu.memory_space<vmem>> -> memref<80x128xf32, #tpu.memory_space<vmem>>
    %dma_start3A_173 = arith.constant 0 : i32
    %dma_start3A_174 = tpu.memref_slice %arg5[%dma_start3A_166, %dma_start3A_173] : memref<44x80xi32, #tpu.memory_space<vmem>> -> memref<1x80xi32, #tpu.memory_space<vmem>>
    %dma_start3A_175 = tpu.memref_squeeze %dma_start3A_174 : memref<1x80xi32, #tpu.memory_space<vmem>> -> memref<80xi32, #tpu.memory_space<vmem>>
    %dma_start3A_176 = arith.constant 0 : i32
    %dma_start3A_177 = arith.constant 0 : i32
    %dma_start3A_178 = tpu.memref_slice %arg3[%dma_start3A_176, %dma_start3A_177] : memref<100000x128xf32, #tpu.memory_space<hbm>> -> memref<100000x128xf32, #tpu.memory_space<hbm>>
    %dma_start3A_179 = tpu.memref_slice %arg10[%dma_start3A_168] : memref<4x!tpu.dma_semaphore, #tpu.memory_space<semaphore_mem>> -> memref<1x!tpu.dma_semaphore, #tpu.memory_space<semaphore_mem>>
    %dma_start3A_180 = tpu.memref_squeeze %dma_start3A_179 : memref<1x!tpu.dma_semaphore, #tpu.memory_space<semaphore_mem>> -> memref<!tpu.dma_semaphore, #tpu.memory_space<semaphore_mem>>
    tpu.enqueue_indirect_dma source(%dma_start3A_178 : memref<100000x128xf32, #tpu.memory_space<hbm>>) target(%dma_start3A_172 : memref<80x128xf32, #tpu.memory_space<vmem>>) offsets(%dma_start3A_175 : memref<80xi32, #tpu.memory_space<vmem>>) semaphore(%dma_start3A_180 : memref<!tpu.dma_semaphore, #tpu.memory_space<semaphore_mem>>) {add = true}
    %dma_start3A_181 = arith.constant 5 : i32
    %dma_start3A_182 = arith.constant 0 : i32
    %dma_start3A_183 = arith.constant 0 : i32
    %dma_start3A_184 = arith.constant 0 : i32
    %dma_start3A_185 = arith.constant 0 : i32
    %dma_start3A_186 = tpu.memref_slice %arg7[%dma_start3A_182, %dma_start3A_184, %dma_start3A_185] : memref<4x80x128xf32, #tpu.memory_space<vmem>> -> memref<1x80x128xf32, #tpu.memory_space<vmem>>
    %dma_start3A_187 = tpu.memref_squeeze %dma_start3A_186 : memref<1x80x128xf32, #tpu.memory_space<vmem>> -> memref<80x128xf32, #tpu.memory_space<vmem>>
    %dma_start3A_188 = arith.constant 0 : i32
    %dma_start3A_189 = tpu.memref_slice %arg5[%dma_start3A_181, %dma_start3A_188] : memref<44x80xi32, #tpu.memory_space<vmem>> -> memref<1x80xi32, #tpu.memory_space<vmem>>
    %dma_start3A_190 = tpu.memref_squeeze %dma_start3A_189 : memref<1x80xi32, #tpu.memory_space<vmem>> -> memref<80xi32, #tpu.memory_space<vmem>>
    %dma_start3A_191 = arith.constant 0 : i32
    %dma_start3A_192 = arith.constant 0 : i32
    %dma_start3A_193 = tpu.memref_slice %arg3[%dma_start3A_191, %dma_start3A_192] : memref<100000x128xf32, #tpu.memory_space<hbm>> -> memref<100000x128xf32, #tpu.memory_space<hbm>>
    %dma_start3A_194 = tpu.memref_slice %arg10[%dma_start3A_183] : memref<4x!tpu.dma_semaphore, #tpu.memory_space<semaphore_mem>> -> memref<1x!tpu.dma_semaphore, #tpu.memory_space<semaphore_mem>>
    %dma_start3A_195 = tpu.memref_squeeze %dma_start3A_194 : memref<1x!tpu.dma_semaphore, #tpu.memory_space<semaphore_mem>> -> memref<!tpu.dma_semaphore, #tpu.memory_space<semaphore_mem>>
    tpu.enqueue_indirect_dma source(%dma_start3A_193 : memref<100000x128xf32, #tpu.memory_space<hbm>>) target(%dma_start3A_187 : memref<80x128xf32, #tpu.memory_space<vmem>>) offsets(%dma_start3A_190 : memref<80xi32, #tpu.memory_space<vmem>>) semaphore(%dma_start3A_195 : memref<!tpu.dma_semaphore, #tpu.memory_space<semaphore_mem>>) {add = true}
    %dma_start3A_196 = arith.constant 6 : i32
    %dma_start3A_197 = arith.constant 0 : i32
    %dma_start3A_198 = arith.constant 0 : i32
    %dma_start3A_199 = arith.constant 0 : i32
    %dma_start3A_200 = arith.constant 0 : i32
    %dma_start3A_201 = tpu.memref_slice %arg7[%dma_start3A_197, %dma_start3A_199, %dma_start3A_200] : memref<4x80x128xf32, #tpu.memory_space<vmem>> -> memref<1x80x128xf32, #tpu.memory_space<vmem>>
    %dma_start3A_202 = tpu.memref_squeeze %dma_start3A_201 : memref<1x80x128xf32, #tpu.memory_space<vmem>> -> memref<80x128xf32, #tpu.memory_space<vmem>>
    %dma_start3A_203 = arith.constant 0 : i32
    %dma_start3A_204 = tpu.memref_slice %arg5[%dma_start3A_196, %dma_start3A_203] : memref<44x80xi32, #tpu.memory_space<vmem>> -> memref<1x80xi32, #tpu.memory_space<vmem>>
    %dma_start3A_205 = tpu.memref_squeeze %dma_start3A_204 : memref<1x80xi32, #tpu.memory_space<vmem>> -> memref<80xi32, #tpu.memory_space<vmem>>
    %dma_start3A_206 = arith.constant 0 : i32
    %dma_start3A_207 = arith.constant 0 : i32
    %dma_start3A_208 = tpu.memref_slice %arg3[%dma_start3A_206, %dma_start3A_207] : memref<100000x128xf32, #tpu.memory_space<hbm>> -> memref<100000x128xf32, #tpu.memory_space<hbm>>
    %dma_start3A_209 = tpu.memref_slice %arg10[%dma_start3A_198] : memref<4x!tpu.dma_semaphore, #tpu.memory_space<semaphore_mem>> -> memref<1x!tpu.dma_semaphore, #tpu.memory_space<semaphore_mem>>
    %dma_start3A_210 = tpu.memref_squeeze %dma_start3A_209 : memref<1x!tpu.dma_semaphore, #tpu.memory_space<semaphore_mem>> -> memref<!tpu.dma_semaphore, #tpu.memory_space<semaphore_mem>>
    tpu.enqueue_indirect_dma source(%dma_start3A_208 : memref<100000x128xf32, #tpu.memory_space<hbm>>) target(%dma_start3A_202 : memref<80x128xf32, #tpu.memory_space<vmem>>) offsets(%dma_start3A_205 : memref<80xi32, #tpu.memory_space<vmem>>) semaphore(%dma_start3A_210 : memref<!tpu.dma_semaphore, #tpu.memory_space<semaphore_mem>>) {add = true}
    %dma_start3A_211 = arith.constant 7 : i32
    %dma_start3A_212 = arith.constant 0 : i32
    %dma_start3A_213 = arith.constant 0 : i32
    %dma_start3A_214 = arith.constant 0 : i32
    %dma_start3A_215 = arith.constant 0 : i32
    %dma_start3A_216 = tpu.memref_slice %arg7[%dma_start3A_212, %dma_start3A_214, %dma_start3A_215] : memref<4x80x128xf32, #tpu.memory_space<vmem>> -> memref<1x80x128xf32, #tpu.memory_space<vmem>>
    %dma_start3A_217 = tpu.memref_squeeze %dma_start3A_216 : memref<1x80x128xf32, #tpu.memory_space<vmem>> -> memref<80x128xf32, #tpu.memory_space<vmem>>
    %dma_start3A_218 = arith.constant 0 : i32
    %dma_start3A_219 = tpu.memref_slice %arg5[%dma_start3A_211, %dma_start3A_218] : memref<44x80xi32, #tpu.memory_space<vmem>> -> memref<1x80xi32, #tpu.memory_space<vmem>>
    %dma_start3A_220 = tpu.memref_squeeze %dma_start3A_219 : memref<1x80xi32, #tpu.memory_space<vmem>> -> memref<80xi32, #tpu.memory_space<vmem>>
    %dma_start3A_221 = arith.constant 0 : i32
    %dma_start3A_222 = arith.constant 0 : i32
    %dma_start3A_223 = tpu.memref_slice %arg3[%dma_start3A_221, %dma_start3A_222] : memref<100000x128xf32, #tpu.memory_space<hbm>> -> memref<100000x128xf32, #tpu.memory_space<hbm>>
    %dma_start3A_224 = tpu.memref_slice %arg10[%dma_start3A_213] : memref<4x!tpu.dma_semaphore, #tpu.memory_space<semaphore_mem>> -> memref<1x!tpu.dma_semaphore, #tpu.memory_space<semaphore_mem>>
    %dma_start3A_225 = tpu.memref_squeeze %dma_start3A_224 : memref<1x!tpu.dma_semaphore, #tpu.memory_space<semaphore_mem>> -> memref<!tpu.dma_semaphore, #tpu.memory_space<semaphore_mem>>
    tpu.enqueue_indirect_dma source(%dma_start3A_223 : memref<100000x128xf32, #tpu.memory_space<hbm>>) target(%dma_start3A_217 : memref<80x128xf32, #tpu.memory_space<vmem>>) offsets(%dma_start3A_220 : memref<80xi32, #tpu.memory_space<vmem>>) semaphore(%dma_start3A_225 : memref<!tpu.dma_semaphore, #tpu.memory_space<semaphore_mem>>) {add = true}
    %dma_start3A_226 = arith.constant 8 : i32
    %dma_start3A_227 = arith.constant 0 : i32
    %dma_start3A_228 = arith.constant 0 : i32
    %dma_start3A_229 = arith.constant 0 : i32
    %dma_start3A_230 = arith.constant 0 : i32
    %dma_start3A_231 = tpu.memref_slice %arg7[%dma_start3A_227, %dma_start3A_229, %dma_start3A_230] : memref<4x80x128xf32, #tpu.memory_space<vmem>> -> memref<1x80x128xf32, #tpu.memory_space<vmem>>
    %dma_start3A_232 = tpu.memref_squeeze %dma_start3A_231 : memref<1x80x128xf32, #tpu.memory_space<vmem>> -> memref<80x128xf32, #tpu.memory_space<vmem>>
    %dma_start3A_233 = arith.constant 0 : i32
    %dma_start3A_234 = tpu.memref_slice %arg5[%dma_start3A_226, %dma_start3A_233] : memref<44x80xi32, #tpu.memory_space<vmem>> -> memref<1x80xi32, #tpu.memory_space<vmem>>
    %dma_start3A_235 = tpu.memref_squeeze %dma_start3A_234 : memref<1x80xi32, #tpu.memory_space<vmem>> -> memref<80xi32, #tpu.memory_space<vmem>>
    %dma_start3A_236 = arith.constant 0 : i32
    %dma_start3A_237 = arith.constant 0 : i32
    %dma_start3A_238 = tpu.memref_slice %arg3[%dma_start3A_236, %dma_start3A_237] : memref<100000x128xf32, #tpu.memory_space<hbm>> -> memref<100000x128xf32, #tpu.memory_space<hbm>>
    %dma_start3A_239 = tpu.memref_slice %arg10[%dma_start3A_228] : memref<4x!tpu.dma_semaphore, #tpu.memory_space<semaphore_mem>> -> memref<1x!tpu.dma_semaphore, #tpu.memory_space<semaphore_mem>>
    %dma_start3A_240 = tpu.memref_squeeze %dma_start3A_239 : memref<1x!tpu.dma_semaphore, #tpu.memory_space<semaphore_mem>> -> memref<!tpu.dma_semaphore, #tpu.memory_space<semaphore_mem>>
    tpu.enqueue_indirect_dma source(%dma_start3A_238 : memref<100000x128xf32, #tpu.memory_space<hbm>>) target(%dma_start3A_232 : memref<80x128xf32, #tpu.memory_space<vmem>>) offsets(%dma_start3A_235 : memref<80xi32, #tpu.memory_space<vmem>>) semaphore(%dma_start3A_240 : memref<!tpu.dma_semaphore, #tpu.memory_space<semaphore_mem>>) {add = true}
    %dma_start3A_241 = arith.constant 9 : i32
    %dma_start3A_242 = arith.constant 0 : i32
    %dma_start3A_243 = arith.constant 0 : i32
    %dma_start3A_244 = arith.constant 0 : i32
    %dma_start3A_245 = arith.constant 0 : i32
    %dma_start3A_246 = tpu.memref_slice %arg7[%dma_start3A_242, %dma_start3A_244, %dma_start3A_245] : memref<4x80x128xf32, #tpu.memory_space<vmem>> -> memref<1x80x128xf32, #tpu.memory_space<vmem>>
    %dma_start3A_247 = tpu.memref_squeeze %dma_start3A_246 : memref<1x80x128xf32, #tpu.memory_space<vmem>> -> memref<80x128xf32, #tpu.memory_space<vmem>>
    %dma_start3A_248 = arith.constant 0 : i32
    %dma_start3A_249 = tpu.memref_slice %arg5[%dma_start3A_241, %dma_start3A_248] : memref<44x80xi32, #tpu.memory_space<vmem>> -> memref<1x80xi32, #tpu.memory_space<vmem>>
    %dma_start3A_250 = tpu.memref_squeeze %dma_start3A_249 : memref<1x80xi32, #tpu.memory_space<vmem>> -> memref<80xi32, #tpu.memory_space<vmem>>
    %dma_start3A_251 = arith.constant 0 : i32
    %dma_start3A_252 = arith.constant 0 : i32
    %dma_start3A_253 = tpu.memref_slice %arg3[%dma_start3A_251, %dma_start3A_252] : memref<100000x128xf32, #tpu.memory_space<hbm>> -> memref<100000x128xf32, #tpu.memory_space<hbm>>
    %dma_start3A_254 = tpu.memref_slice %arg10[%dma_start3A_243] : memref<4x!tpu.dma_semaphore, #tpu.memory_space<semaphore_mem>> -> memref<1x!tpu.dma_semaphore, #tpu.memory_space<semaphore_mem>>
    %dma_start3A_255 = tpu.memref_squeeze %dma_start3A_254 : memref<1x!tpu.dma_semaphore, #tpu.memory_space<semaphore_mem>> -> memref<!tpu.dma_semaphore, #tpu.memory_space<semaphore_mem>>
    tpu.enqueue_indirect_dma source(%dma_start3A_253 : memref<100000x128xf32, #tpu.memory_space<hbm>>) target(%dma_start3A_247 : memref<80x128xf32, #tpu.memory_space<vmem>>) offsets(%dma_start3A_250 : memref<80xi32, #tpu.memory_space<vmem>>) semaphore(%dma_start3A_255 : memref<!tpu.dma_semaphore, #tpu.memory_space<semaphore_mem>>) {add = true}
    %dma_start3A_256 = arith.constant 10 : i32
    %dma_start3A_257 = arith.constant 0 : i32
    %dma_start3A_258 = arith.constant 0 : i32
    %dma_start3A_259 = arith.constant 0 : i32
    %dma_start3A_260 = arith.constant 0 : i32
    %dma_start3A_261 = tpu.memref_slice %arg7[%dma_start3A_257, %dma_start3A_259, %dma_start3A_260] : memref<4x80x128xf32, #tpu.memory_space<vmem>> -> memref<1x80x128xf32, #tpu.memory_space<vmem>>
    %dma_start3A_262 = tpu.memref_squeeze %dma_start3A_261 : memref<1x80x128xf32, #tpu.memory_space<vmem>> -> memref<80x128xf32, #tpu.memory_space<vmem>>
    %dma_start3A_263 = arith.constant 0 : i32
    %dma_start3A_264 = tpu.memref_slice %arg5[%dma_start3A_256, %dma_start3A_263] : memref<44x80xi32, #tpu.memory_space<vmem>> -> memref<1x80xi32, #tpu.memory_space<vmem>>
    %dma_start3A_265 = tpu.memref_squeeze %dma_start3A_264 : memref<1x80xi32, #tpu.memory_space<vmem>> -> memref<80xi32, #tpu.memory_space<vmem>>
    %dma_start3A_266 = arith.constant 0 : i32
    %dma_start3A_267 = arith.constant 0 : i32
    %dma_start3A_268 = tpu.memref_slice %arg3[%dma_start3A_266, %dma_start3A_267] : memref<100000x128xf32, #tpu.memory_space<hbm>> -> memref<100000x128xf32, #tpu.memory_space<hbm>>
    %dma_start3A_269 = tpu.memref_slice %arg10[%dma_start3A_258] : memref<4x!tpu.dma_semaphore, #tpu.memory_space<semaphore_mem>> -> memref<1x!tpu.dma_semaphore, #tpu.memory_space<semaphore_mem>>
    %dma_start3A_270 = tpu.memref_squeeze %dma_start3A_269 : memref<1x!tpu.dma_semaphore, #tpu.memory_space<semaphore_mem>> -> memref<!tpu.dma_semaphore, #tpu.memory_space<semaphore_mem>>
    tpu.enqueue_indirect_dma source(%dma_start3A_268 : memref<100000x128xf32, #tpu.memory_space<hbm>>) target(%dma_start3A_262 : memref<80x128xf32, #tpu.memory_space<vmem>>) offsets(%dma_start3A_265 : memref<80xi32, #tpu.memory_space<vmem>>) semaphore(%dma_start3A_270 : memref<!tpu.dma_semaphore, #tpu.memory_space<semaphore_mem>>) {add = true}
    %dma_wait3A_271 = arith.constant 12 : i32
    %dma_wait3A_272 = arith.constant 1 : i32
    %dma_wait3A_273 = arith.constant 1 : i32
    %dma_wait3A_274 = arith.constant 0 : i32
    %dma_wait3A_275 = arith.constant 0 : i32
    %dma_wait3A_276 = tpu.memref_slice %arg7[%dma_wait3A_272, %dma_wait3A_274, %dma_wait3A_275] : memref<4x80x128xf32, #tpu.memory_space<vmem>> -> memref<1x80x128xf32, #tpu.memory_space<vmem>>
    %dma_wait3A_277 = tpu.memref_squeeze %dma_wait3A_276 : memref<1x80x128xf32, #tpu.memory_space<vmem>> -> memref<80x128xf32, #tpu.memory_space<vmem>>
    %dma_wait3A_278 = arith.constant 0 : i32
    %dma_wait3A_279 = tpu.memref_slice %arg5[%dma_wait3A_271, %dma_wait3A_278] : memref<44x80xi32, #tpu.memory_space<vmem>> -> memref<1x80xi32, #tpu.memory_space<vmem>>
    %dma_wait3A_280 = tpu.memref_squeeze %dma_wait3A_279 : memref<1x80xi32, #tpu.memory_space<vmem>> -> memref<80xi32, #tpu.memory_space<vmem>>
    %dma_wait3A_281 = arith.constant 0 : i32
    %dma_wait3A_282 = arith.constant 0 : i32
    %dma_wait3A_283 = tpu.memref_slice %arg3[%dma_wait3A_281, %dma_wait3A_282] : memref<100000x128xf32, #tpu.memory_space<hbm>> -> memref<100000x128xf32, #tpu.memory_space<hbm>>
    %dma_wait3A_284 = tpu.memref_slice %arg10[%dma_wait3A_273] : memref<4x!tpu.dma_semaphore, #tpu.memory_space<semaphore_mem>> -> memref<1x!tpu.dma_semaphore, #tpu.memory_space<semaphore_mem>>
    %dma_wait3A_285 = tpu.memref_squeeze %dma_wait3A_284 : memref<1x!tpu.dma_semaphore, #tpu.memory_space<semaphore_mem>> -> memref<!tpu.dma_semaphore, #tpu.memory_space<semaphore_mem>>
    tpu.wait_indirect_dma semaphore(%dma_wait3A_285 : memref<!tpu.dma_semaphore, #tpu.memory_space<semaphore_mem>>) src(%dma_wait3A_283 : memref<100000x128xf32, #tpu.memory_space<hbm>>) dst(%dma_wait3A_277 : memref<80x128xf32, #tpu.memory_space<vmem>>)
    %dma_start3A_286 = arith.constant 13 : i32
    %dma_start3A_287 = arith.constant 1 : i32
    %dma_start3A_288 = arith.constant 1 : i32
    %dma_start3A_289 = arith.constant 0 : i32
    %dma_start3A_290 = arith.constant 0 : i32
    %dma_start3A_291 = tpu.memref_slice %arg7[%dma_start3A_287, %dma_start3A_289, %dma_start3A_290] : memref<4x80x128xf32, #tpu.memory_space<vmem>> -> memref<1x80x128xf32, #tpu.memory_space<vmem>>
    %dma_start3A_292 = tpu.memref_squeeze %dma_start3A_291 : memref<1x80x128xf32, #tpu.memory_space<vmem>> -> memref<80x128xf32, #tpu.memory_space<vmem>>
    %dma_start3A_293 = arith.constant 0 : i32
    %dma_start3A_294 = tpu.memref_slice %arg5[%dma_start3A_286, %dma_start3A_293] : memref<44x80xi32, #tpu.memory_space<vmem>> -> memref<1x80xi32, #tpu.memory_space<vmem>>
    %dma_start3A_295 = tpu.memref_squeeze %dma_start3A_294 : memref<1x80xi32, #tpu.memory_space<vmem>> -> memref<80xi32, #tpu.memory_space<vmem>>
    %dma_start3A_296 = arith.constant 0 : i32
    %dma_start3A_297 = arith.constant 0 : i32
    %dma_start3A_298 = tpu.memref_slice %arg3[%dma_start3A_296, %dma_start3A_297] : memref<100000x128xf32, #tpu.memory_space<hbm>> -> memref<100000x128xf32, #tpu.memory_space<hbm>>
    %dma_start3A_299 = tpu.memref_slice %arg10[%dma_start3A_288] : memref<4x!tpu.dma_semaphore, #tpu.memory_space<semaphore_mem>> -> memref<1x!tpu.dma_semaphore, #tpu.memory_space<semaphore_mem>>
    %dma_start3A_300 = tpu.memref_squeeze %dma_start3A_299 : memref<1x!tpu.dma_semaphore, #tpu.memory_space<semaphore_mem>> -> memref<!tpu.dma_semaphore, #tpu.memory_space<semaphore_mem>>
    tpu.enqueue_indirect_dma source(%dma_start3A_298 : memref<100000x128xf32, #tpu.memory_space<hbm>>) target(%dma_start3A_292 : memref<80x128xf32, #tpu.memory_space<vmem>>) offsets(%dma_start3A_295 : memref<80xi32, #tpu.memory_space<vmem>>) semaphore(%dma_start3A_300 : memref<!tpu.dma_semaphore, #tpu.memory_space<semaphore_mem>>) {add = true}
    %dma_start3A_301 = arith.constant 14 : i32
    %dma_start3A_302 = arith.constant 1 : i32
    %dma_start3A_303 = arith.constant 1 : i32
    %dma_start3A_304 = arith.constant 0 : i32
    %dma_start3A_305 = arith.constant 0 : i32
    %dma_start3A_306 = tpu.memref_slice %arg7[%dma_start3A_302, %dma_start3A_304, %dma_start3A_305] : memref<4x80x128xf32, #tpu.memory_space<vmem>> -> memref<1x80x128xf32, #tpu.memory_space<vmem>>
    %dma_start3A_307 = tpu.memref_squeeze %dma_start3A_306 : memref<1x80x128xf32, #tpu.memory_space<vmem>> -> memref<80x128xf32, #tpu.memory_space<vmem>>
    %dma_start3A_308 = arith.constant 0 : i32
    %dma_start3A_309 = tpu.memref_slice %arg5[%dma_start3A_301, %dma_start3A_308] : memref<44x80xi32, #tpu.memory_space<vmem>> -> memref<1x80xi32, #tpu.memory_space<vmem>>
    %dma_start3A_310 = tpu.memref_squeeze %dma_start3A_309 : memref<1x80xi32, #tpu.memory_space<vmem>> -> memref<80xi32, #tpu.memory_space<vmem>>
    %dma_start3A_311 = arith.constant 0 : i32
    %dma_start3A_312 = arith.constant 0 : i32
    %dma_start3A_313 = tpu.memref_slice %arg3[%dma_start3A_311, %dma_start3A_312] : memref<100000x128xf32, #tpu.memory_space<hbm>> -> memref<100000x128xf32, #tpu.memory_space<hbm>>
    %dma_start3A_314 = tpu.memref_slice %arg10[%dma_start3A_303] : memref<4x!tpu.dma_semaphore, #tpu.memory_space<semaphore_mem>> -> memref<1x!tpu.dma_semaphore, #tpu.memory_space<semaphore_mem>>
    %dma_start3A_315 = tpu.memref_squeeze %dma_start3A_314 : memref<1x!tpu.dma_semaphore, #tpu.memory_space<semaphore_mem>> -> memref<!tpu.dma_semaphore, #tpu.memory_space<semaphore_mem>>
    tpu.enqueue_indirect_dma source(%dma_start3A_313 : memref<100000x128xf32, #tpu.memory_space<hbm>>) target(%dma_start3A_307 : memref<80x128xf32, #tpu.memory_space<vmem>>) offsets(%dma_start3A_310 : memref<80xi32, #tpu.memory_space<vmem>>) semaphore(%dma_start3A_315 : memref<!tpu.dma_semaphore, #tpu.memory_space<semaphore_mem>>) {add = true}
    %dma_start3A_316 = arith.constant 15 : i32
    %dma_start3A_317 = arith.constant 1 : i32
    %dma_start3A_318 = arith.constant 1 : i32
    %dma_start3A_319 = arith.constant 0 : i32
    %dma_start3A_320 = arith.constant 0 : i32
    %dma_start3A_321 = tpu.memref_slice %arg7[%dma_start3A_317, %dma_start3A_319, %dma_start3A_320] : memref<4x80x128xf32, #tpu.memory_space<vmem>> -> memref<1x80x128xf32, #tpu.memory_space<vmem>>
    %dma_start3A_322 = tpu.memref_squeeze %dma_start3A_321 : memref<1x80x128xf32, #tpu.memory_space<vmem>> -> memref<80x128xf32, #tpu.memory_space<vmem>>
    %dma_start3A_323 = arith.constant 0 : i32
    %dma_start3A_324 = tpu.memref_slice %arg5[%dma_start3A_316, %dma_start3A_323] : memref<44x80xi32, #tpu.memory_space<vmem>> -> memref<1x80xi32, #tpu.memory_space<vmem>>
    %dma_start3A_325 = tpu.memref_squeeze %dma_start3A_324 : memref<1x80xi32, #tpu.memory_space<vmem>> -> memref<80xi32, #tpu.memory_space<vmem>>
    %dma_start3A_326 = arith.constant 0 : i32
    %dma_start3A_327 = arith.constant 0 : i32
    %dma_start3A_328 = tpu.memref_slice %arg3[%dma_start3A_326, %dma_start3A_327] : memref<100000x128xf32, #tpu.memory_space<hbm>> -> memref<100000x128xf32, #tpu.memory_space<hbm>>
    %dma_start3A_329 = tpu.memref_slice %arg10[%dma_start3A_318] : memref<4x!tpu.dma_semaphore, #tpu.memory_space<semaphore_mem>> -> memref<1x!tpu.dma_semaphore, #tpu.memory_space<semaphore_mem>>
    %dma_start3A_330 = tpu.memref_squeeze %dma_start3A_329 : memref<1x!tpu.dma_semaphore, #tpu.memory_space<semaphore_mem>> -> memref<!tpu.dma_semaphore, #tpu.memory_space<semaphore_mem>>
    tpu.enqueue_indirect_dma source(%dma_start3A_328 : memref<100000x128xf32, #tpu.memory_space<hbm>>) target(%dma_start3A_322 : memref<80x128xf32, #tpu.memory_space<vmem>>) offsets(%dma_start3A_325 : memref<80xi32, #tpu.memory_space<vmem>>) semaphore(%dma_start3A_330 : memref<!tpu.dma_semaphore, #tpu.memory_space<semaphore_mem>>) {add = true}
    %dma_start3A_331 = arith.constant 16 : i32
    %dma_start3A_332 = arith.constant 1 : i32
    %dma_start3A_333 = arith.constant 1 : i32
    %dma_start3A_334 = arith.constant 0 : i32
    %dma_start3A_335 = arith.constant 0 : i32
    %dma_start3A_336 = tpu.memref_slice %arg7[%dma_start3A_332, %dma_start3A_334, %dma_start3A_335] : memref<4x80x128xf32, #tpu.memory_space<vmem>> -> memref<1x80x128xf32, #tpu.memory_space<vmem>>
    %dma_start3A_337 = tpu.memref_squeeze %dma_start3A_336 : memref<1x80x128xf32, #tpu.memory_space<vmem>> -> memref<80x128xf32, #tpu.memory_space<vmem>>
    %dma_start3A_338 = arith.constant 0 : i32
    %dma_start3A_339 = tpu.memref_slice %arg5[%dma_start3A_331, %dma_start3A_338] : memref<44x80xi32, #tpu.memory_space<vmem>> -> memref<1x80xi32, #tpu.memory_space<vmem>>
    %dma_start3A_340 = tpu.memref_squeeze %dma_start3A_339 : memref<1x80xi32, #tpu.memory_space<vmem>> -> memref<80xi32, #tpu.memory_space<vmem>>
    %dma_start3A_341 = arith.constant 0 : i32
    %dma_start3A_342 = arith.constant 0 : i32
    %dma_start3A_343 = tpu.memref_slice %arg3[%dma_start3A_341, %dma_start3A_342] : memref<100000x128xf32, #tpu.memory_space<hbm>> -> memref<100000x128xf32, #tpu.memory_space<hbm>>
    %dma_start3A_344 = tpu.memref_slice %arg10[%dma_start3A_333] : memref<4x!tpu.dma_semaphore, #tpu.memory_space<semaphore_mem>> -> memref<1x!tpu.dma_semaphore, #tpu.memory_space<semaphore_mem>>
    %dma_start3A_345 = tpu.memref_squeeze %dma_start3A_344 : memref<1x!tpu.dma_semaphore, #tpu.memory_space<semaphore_mem>> -> memref<!tpu.dma_semaphore, #tpu.memory_space<semaphore_mem>>
    tpu.enqueue_indirect_dma source(%dma_start3A_343 : memref<100000x128xf32, #tpu.memory_space<hbm>>) target(%dma_start3A_337 : memref<80x128xf32, #tpu.memory_space<vmem>>) offsets(%dma_start3A_340 : memref<80xi32, #tpu.memory_space<vmem>>) semaphore(%dma_start3A_345 : memref<!tpu.dma_semaphore, #tpu.memory_space<semaphore_mem>>) {add = true}
    %dma_start3A_346 = arith.constant 17 : i32
    %dma_start3A_347 = arith.constant 1 : i32
    %dma_start3A_348 = arith.constant 1 : i32
    %dma_start3A_349 = arith.constant 0 : i32
    %dma_start3A_350 = arith.constant 0 : i32
    %dma_start3A_351 = tpu.memref_slice %arg7[%dma_start3A_347, %dma_start3A_349, %dma_start3A_350] : memref<4x80x128xf32, #tpu.memory_space<vmem>> -> memref<1x80x128xf32, #tpu.memory_space<vmem>>
    %dma_start3A_352 = tpu.memref_squeeze %dma_start3A_351 : memref<1x80x128xf32, #tpu.memory_space<vmem>> -> memref<80x128xf32, #tpu.memory_space<vmem>>
    %dma_start3A_353 = arith.constant 0 : i32
    %dma_start3A_354 = tpu.memref_slice %arg5[%dma_start3A_346, %dma_start3A_353] : memref<44x80xi32, #tpu.memory_space<vmem>> -> memref<1x80xi32, #tpu.memory_space<vmem>>
    %dma_start3A_355 = tpu.memref_squeeze %dma_start3A_354 : memref<1x80xi32, #tpu.memory_space<vmem>> -> memref<80xi32, #tpu.memory_space<vmem>>
    %dma_start3A_356 = arith.constant 0 : i32
    %dma_start3A_357 = arith.constant 0 : i32
    %dma_start3A_358 = tpu.memref_slice %arg3[%dma_start3A_356, %dma_start3A_357] : memref<100000x128xf32, #tpu.memory_space<hbm>> -> memref<100000x128xf32, #tpu.memory_space<hbm>>
    %dma_start3A_359 = tpu.memref_slice %arg10[%dma_start3A_348] : memref<4x!tpu.dma_semaphore, #tpu.memory_space<semaphore_mem>> -> memref<1x!tpu.dma_semaphore, #tpu.memory_space<semaphore_mem>>
    %dma_start3A_360 = tpu.memref_squeeze %dma_start3A_359 : memref<1x!tpu.dma_semaphore, #tpu.memory_space<semaphore_mem>> -> memref<!tpu.dma_semaphore, #tpu.memory_space<semaphore_mem>>
    tpu.enqueue_indirect_dma source(%dma_start3A_358 : memref<100000x128xf32, #tpu.memory_space<hbm>>) target(%dma_start3A_352 : memref<80x128xf32, #tpu.memory_space<vmem>>) offsets(%dma_start3A_355 : memref<80xi32, #tpu.memory_space<vmem>>) semaphore(%dma_start3A_360 : memref<!tpu.dma_semaphore, #tpu.memory_space<semaphore_mem>>) {add = true}
    %dma_start3A_361 = arith.constant 18 : i32
    %dma_start3A_362 = arith.constant 1 : i32
    %dma_start3A_363 = arith.constant 1 : i32
    %dma_start3A_364 = arith.constant 0 : i32
    %dma_start3A_365 = arith.constant 0 : i32
    %dma_start3A_366 = tpu.memref_slice %arg7[%dma_start3A_362, %dma_start3A_364, %dma_start3A_365] : memref<4x80x128xf32, #tpu.memory_space<vmem>> -> memref<1x80x128xf32, #tpu.memory_space<vmem>>
    %dma_start3A_367 = tpu.memref_squeeze %dma_start3A_366 : memref<1x80x128xf32, #tpu.memory_space<vmem>> -> memref<80x128xf32, #tpu.memory_space<vmem>>
    %dma_start3A_368 = arith.constant 0 : i32
    %dma_start3A_369 = tpu.memref_slice %arg5[%dma_start3A_361, %dma_start3A_368] : memref<44x80xi32, #tpu.memory_space<vmem>> -> memref<1x80xi32, #tpu.memory_space<vmem>>
    %dma_start3A_370 = tpu.memref_squeeze %dma_start3A_369 : memref<1x80xi32, #tpu.memory_space<vmem>> -> memref<80xi32, #tpu.memory_space<vmem>>
    %dma_start3A_371 = arith.constant 0 : i32
    %dma_start3A_372 = arith.constant 0 : i32
    %dma_start3A_373 = tpu.memref_slice %arg3[%dma_start3A_371, %dma_start3A_372] : memref<100000x128xf32, #tpu.memory_space<hbm>> -> memref<100000x128xf32, #tpu.memory_space<hbm>>
    %dma_start3A_374 = tpu.memref_slice %arg10[%dma_start3A_363] : memref<4x!tpu.dma_semaphore, #tpu.memory_space<semaphore_mem>> -> memref<1x!tpu.dma_semaphore, #tpu.memory_space<semaphore_mem>>
    %dma_start3A_375 = tpu.memref_squeeze %dma_start3A_374 : memref<1x!tpu.dma_semaphore, #tpu.memory_space<semaphore_mem>> -> memref<!tpu.dma_semaphore, #tpu.memory_space<semaphore_mem>>
    tpu.enqueue_indirect_dma source(%dma_start3A_373 : memref<100000x128xf32, #tpu.memory_space<hbm>>) target(%dma_start3A_367 : memref<80x128xf32, #tpu.memory_space<vmem>>) offsets(%dma_start3A_370 : memref<80xi32, #tpu.memory_space<vmem>>) semaphore(%dma_start3A_375 : memref<!tpu.dma_semaphore, #tpu.memory_space<semaphore_mem>>) {add = true}
    %dma_start3A_376 = arith.constant 19 : i32
    %dma_start3A_377 = arith.constant 1 : i32
    %dma_start3A_378 = arith.constant 1 : i32
    %dma_start3A_379 = arith.constant 0 : i32
    %dma_start3A_380 = arith.constant 0 : i32
    %dma_start3A_381 = tpu.memref_slice %arg7[%dma_start3A_377, %dma_start3A_379, %dma_start3A_380] : memref<4x80x128xf32, #tpu.memory_space<vmem>> -> memref<1x80x128xf32, #tpu.memory_space<vmem>>
    %dma_start3A_382 = tpu.memref_squeeze %dma_start3A_381 : memref<1x80x128xf32, #tpu.memory_space<vmem>> -> memref<80x128xf32, #tpu.memory_space<vmem>>
    %dma_start3A_383 = arith.constant 0 : i32
    %dma_start3A_384 = tpu.memref_slice %arg5[%dma_start3A_376, %dma_start3A_383] : memref<44x80xi32, #tpu.memory_space<vmem>> -> memref<1x80xi32, #tpu.memory_space<vmem>>
    %dma_start3A_385 = tpu.memref_squeeze %dma_start3A_384 : memref<1x80xi32, #tpu.memory_space<vmem>> -> memref<80xi32, #tpu.memory_space<vmem>>
    %dma_start3A_386 = arith.constant 0 : i32
    %dma_start3A_387 = arith.constant 0 : i32
    %dma_start3A_388 = tpu.memref_slice %arg3[%dma_start3A_386, %dma_start3A_387] : memref<100000x128xf32, #tpu.memory_space<hbm>> -> memref<100000x128xf32, #tpu.memory_space<hbm>>
    %dma_start3A_389 = tpu.memref_slice %arg10[%dma_start3A_378] : memref<4x!tpu.dma_semaphore, #tpu.memory_space<semaphore_mem>> -> memref<1x!tpu.dma_semaphore, #tpu.memory_space<semaphore_mem>>
    %dma_start3A_390 = tpu.memref_squeeze %dma_start3A_389 : memref<1x!tpu.dma_semaphore, #tpu.memory_space<semaphore_mem>> -> memref<!tpu.dma_semaphore, #tpu.memory_space<semaphore_mem>>
    tpu.enqueue_indirect_dma source(%dma_start3A_388 : memref<100000x128xf32, #tpu.memory_space<hbm>>) target(%dma_start3A_382 : memref<80x128xf32, #tpu.memory_space<vmem>>) offsets(%dma_start3A_385 : memref<80xi32, #tpu.memory_space<vmem>>) semaphore(%dma_start3A_390 : memref<!tpu.dma_semaphore, #tpu.memory_space<semaphore_mem>>) {add = true}
    %dma_start3A_391 = arith.constant 20 : i32
    %dma_start3A_392 = arith.constant 1 : i32
    %dma_start3A_393 = arith.constant 1 : i32
    %dma_start3A_394 = arith.constant 0 : i32
    %dma_start3A_395 = arith.constant 0 : i32
    %dma_start3A_396 = tpu.memref_slice %arg7[%dma_start3A_392, %dma_start3A_394, %dma_start3A_395] : memref<4x80x128xf32, #tpu.memory_space<vmem>> -> memref<1x80x128xf32, #tpu.memory_space<vmem>>
    %dma_start3A_397 = tpu.memref_squeeze %dma_start3A_396 : memref<1x80x128xf32, #tpu.memory_space<vmem>> -> memref<80x128xf32, #tpu.memory_space<vmem>>
    %dma_start3A_398 = arith.constant 0 : i32
    %dma_start3A_399 = tpu.memref_slice %arg5[%dma_start3A_391, %dma_start3A_398] : memref<44x80xi32, #tpu.memory_space<vmem>> -> memref<1x80xi32, #tpu.memory_space<vmem>>
    %dma_start3A_400 = tpu.memref_squeeze %dma_start3A_399 : memref<1x80xi32, #tpu.memory_space<vmem>> -> memref<80xi32, #tpu.memory_space<vmem>>
    %dma_start3A_401 = arith.constant 0 : i32
    %dma_start3A_402 = arith.constant 0 : i32
    %dma_start3A_403 = tpu.memref_slice %arg3[%dma_start3A_401, %dma_start3A_402] : memref<100000x128xf32, #tpu.memory_space<hbm>> -> memref<100000x128xf32, #tpu.memory_space<hbm>>
    %dma_start3A_404 = tpu.memref_slice %arg10[%dma_start3A_393] : memref<4x!tpu.dma_semaphore, #tpu.memory_space<semaphore_mem>> -> memref<1x!tpu.dma_semaphore, #tpu.memory_space<semaphore_mem>>
    %dma_start3A_405 = tpu.memref_squeeze %dma_start3A_404 : memref<1x!tpu.dma_semaphore, #tpu.memory_space<semaphore_mem>> -> memref<!tpu.dma_semaphore, #tpu.memory_space<semaphore_mem>>
    tpu.enqueue_indirect_dma source(%dma_start3A_403 : memref<100000x128xf32, #tpu.memory_space<hbm>>) target(%dma_start3A_397 : memref<80x128xf32, #tpu.memory_space<vmem>>) offsets(%dma_start3A_400 : memref<80xi32, #tpu.memory_space<vmem>>) semaphore(%dma_start3A_405 : memref<!tpu.dma_semaphore, #tpu.memory_space<semaphore_mem>>) {add = true}
    %dma_start3A_406 = arith.constant 21 : i32
    %dma_start3A_407 = arith.constant 1 : i32
    %dma_start3A_408 = arith.constant 1 : i32
    %dma_start3A_409 = arith.constant 0 : i32
    %dma_start3A_410 = arith.constant 0 : i32
    %dma_start3A_411 = tpu.memref_slice %arg7[%dma_start3A_407, %dma_start3A_409, %dma_start3A_410] : memref<4x80x128xf32, #tpu.memory_space<vmem>> -> memref<1x80x128xf32, #tpu.memory_space<vmem>>
    %dma_start3A_412 = tpu.memref_squeeze %dma_start3A_411 : memref<1x80x128xf32, #tpu.memory_space<vmem>> -> memref<80x128xf32, #tpu.memory_space<vmem>>
    %dma_start3A_413 = arith.constant 0 : i32
    %dma_start3A_414 = tpu.memref_slice %arg5[%dma_start3A_406, %dma_start3A_413] : memref<44x80xi32, #tpu.memory_space<vmem>> -> memref<1x80xi32, #tpu.memory_space<vmem>>
    %dma_start3A_415 = tpu.memref_squeeze %dma_start3A_414 : memref<1x80xi32, #tpu.memory_space<vmem>> -> memref<80xi32, #tpu.memory_space<vmem>>
    %dma_start3A_416 = arith.constant 0 : i32
    %dma_start3A_417 = arith.constant 0 : i32
    %dma_start3A_418 = tpu.memref_slice %arg3[%dma_start3A_416, %dma_start3A_417] : memref<100000x128xf32, #tpu.memory_space<hbm>> -> memref<100000x128xf32, #tpu.memory_space<hbm>>
    %dma_start3A_419 = tpu.memref_slice %arg10[%dma_start3A_408] : memref<4x!tpu.dma_semaphore, #tpu.memory_space<semaphore_mem>> -> memref<1x!tpu.dma_semaphore, #tpu.memory_space<semaphore_mem>>
    %dma_start3A_420 = tpu.memref_squeeze %dma_start3A_419 : memref<1x!tpu.dma_semaphore, #tpu.memory_space<semaphore_mem>> -> memref<!tpu.dma_semaphore, #tpu.memory_space<semaphore_mem>>
    tpu.enqueue_indirect_dma source(%dma_start3A_418 : memref<100000x128xf32, #tpu.memory_space<hbm>>) target(%dma_start3A_412 : memref<80x128xf32, #tpu.memory_space<vmem>>) offsets(%dma_start3A_415 : memref<80xi32, #tpu.memory_space<vmem>>) semaphore(%dma_start3A_420 : memref<!tpu.dma_semaphore, #tpu.memory_space<semaphore_mem>>) {add = true}
    %dma_wait3A_421 = arith.constant 23 : i32
    %dma_wait3A_422 = arith.constant 2 : i32
    %dma_wait3A_423 = arith.constant 2 : i32
    %dma_wait3A_424 = arith.constant 0 : i32
    %dma_wait3A_425 = arith.constant 0 : i32
    %dma_wait3A_426 = tpu.memref_slice %arg7[%dma_wait3A_422, %dma_wait3A_424, %dma_wait3A_425] : memref<4x80x128xf32, #tpu.memory_space<vmem>> -> memref<1x80x128xf32, #tpu.memory_space<vmem>>
    %dma_wait3A_427 = tpu.memref_squeeze %dma_wait3A_426 : memref<1x80x128xf32, #tpu.memory_space<vmem>> -> memref<80x128xf32, #tpu.memory_space<vmem>>
    %dma_wait3A_428 = arith.constant 0 : i32
    %dma_wait3A_429 = tpu.memref_slice %arg5[%dma_wait3A_421, %dma_wait3A_428] : memref<44x80xi32, #tpu.memory_space<vmem>> -> memref<1x80xi32, #tpu.memory_space<vmem>>
    %dma_wait3A_430 = tpu.memref_squeeze %dma_wait3A_429 : memref<1x80xi32, #tpu.memory_space<vmem>> -> memref<80xi32, #tpu.memory_space<vmem>>
    %dma_wait3A_431 = arith.constant 0 : i32
    %dma_wait3A_432 = arith.constant 0 : i32
    %dma_wait3A_433 = tpu.memref_slice %arg3[%dma_wait3A_431, %dma_wait3A_432] : memref<100000x128xf32, #tpu.memory_space<hbm>> -> memref<100000x128xf32, #tpu.memory_space<hbm>>
    %dma_wait3A_434 = tpu.memref_slice %arg10[%dma_wait3A_423] : memref<4x!tpu.dma_semaphore, #tpu.memory_space<semaphore_mem>> -> memref<1x!tpu.dma_semaphore, #tpu.memory_space<semaphore_mem>>
    %dma_wait3A_435 = tpu.memref_squeeze %dma_wait3A_434 : memref<1x!tpu.dma_semaphore, #tpu.memory_space<semaphore_mem>> -> memref<!tpu.dma_semaphore, #tpu.memory_space<semaphore_mem>>
    tpu.wait_indirect_dma semaphore(%dma_wait3A_435 : memref<!tpu.dma_semaphore, #tpu.memory_space<semaphore_mem>>) src(%dma_wait3A_433 : memref<100000x128xf32, #tpu.memory_space<hbm>>) dst(%dma_wait3A_427 : memref<80x128xf32, #tpu.memory_space<vmem>>)
    %dma_start3A_436 = arith.constant 24 : i32
    %dma_start3A_437 = arith.constant 2 : i32
    %dma_start3A_438 = arith.constant 2 : i32
    %dma_start3A_439 = arith.constant 0 : i32
    %dma_start3A_440 = arith.constant 0 : i32
    %dma_start3A_441 = tpu.memref_slice %arg7[%dma_start3A_437, %dma_start3A_439, %dma_start3A_440] : memref<4x80x128xf32, #tpu.memory_space<vmem>> -> memref<1x80x128xf32, #tpu.memory_space<vmem>>
    %dma_start3A_442 = tpu.memref_squeeze %dma_start3A_441 : memref<1x80x128xf32, #tpu.memory_space<vmem>> -> memref<80x128xf32, #tpu.memory_space<vmem>>
    %dma_start3A_443 = arith.constant 0 : i32
    %dma_start3A_444 = tpu.memref_slice %arg5[%dma_start3A_436, %dma_start3A_443] : memref<44x80xi32, #tpu.memory_space<vmem>> -> memref<1x80xi32, #tpu.memory_space<vmem>>
    %dma_start3A_445 = tpu.memref_squeeze %dma_start3A_444 : memref<1x80xi32, #tpu.memory_space<vmem>> -> memref<80xi32, #tpu.memory_space<vmem>>
    %dma_start3A_446 = arith.constant 0 : i32
    %dma_start3A_447 = arith.constant 0 : i32
    %dma_start3A_448 = tpu.memref_slice %arg3[%dma_start3A_446, %dma_start3A_447] : memref<100000x128xf32, #tpu.memory_space<hbm>> -> memref<100000x128xf32, #tpu.memory_space<hbm>>
    %dma_start3A_449 = tpu.memref_slice %arg10[%dma_start3A_438] : memref<4x!tpu.dma_semaphore, #tpu.memory_space<semaphore_mem>> -> memref<1x!tpu.dma_semaphore, #tpu.memory_space<semaphore_mem>>
    %dma_start3A_450 = tpu.memref_squeeze %dma_start3A_449 : memref<1x!tpu.dma_semaphore, #tpu.memory_space<semaphore_mem>> -> memref<!tpu.dma_semaphore, #tpu.memory_space<semaphore_mem>>
    tpu.enqueue_indirect_dma source(%dma_start3A_448 : memref<100000x128xf32, #tpu.memory_space<hbm>>) target(%dma_start3A_442 : memref<80x128xf32, #tpu.memory_space<vmem>>) offsets(%dma_start3A_445 : memref<80xi32, #tpu.memory_space<vmem>>) semaphore(%dma_start3A_450 : memref<!tpu.dma_semaphore, #tpu.memory_space<semaphore_mem>>) {add = true}
    %dma_start3A_451 = arith.constant 25 : i32
    %dma_start3A_452 = arith.constant 2 : i32
    %dma_start3A_453 = arith.constant 2 : i32
    %dma_start3A_454 = arith.constant 0 : i32
    %dma_start3A_455 = arith.constant 0 : i32
    %dma_start3A_456 = tpu.memref_slice %arg7[%dma_start3A_452, %dma_start3A_454, %dma_start3A_455] : memref<4x80x128xf32, #tpu.memory_space<vmem>> -> memref<1x80x128xf32, #tpu.memory_space<vmem>>
    %dma_start3A_457 = tpu.memref_squeeze %dma_start3A_456 : memref<1x80x128xf32, #tpu.memory_space<vmem>> -> memref<80x128xf32, #tpu.memory_space<vmem>>
    %dma_start3A_458 = arith.constant 0 : i32
    %dma_start3A_459 = tpu.memref_slice %arg5[%dma_start3A_451, %dma_start3A_458] : memref<44x80xi32, #tpu.memory_space<vmem>> -> memref<1x80xi32, #tpu.memory_space<vmem>>
    %dma_start3A_460 = tpu.memref_squeeze %dma_start3A_459 : memref<1x80xi32, #tpu.memory_space<vmem>> -> memref<80xi32, #tpu.memory_space<vmem>>
    %dma_start3A_461 = arith.constant 0 : i32
    %dma_start3A_462 = arith.constant 0 : i32
    %dma_start3A_463 = tpu.memref_slice %arg3[%dma_start3A_461, %dma_start3A_462] : memref<100000x128xf32, #tpu.memory_space<hbm>> -> memref<100000x128xf32, #tpu.memory_space<hbm>>
    %dma_start3A_464 = tpu.memref_slice %arg10[%dma_start3A_453] : memref<4x!tpu.dma_semaphore, #tpu.memory_space<semaphore_mem>> -> memref<1x!tpu.dma_semaphore, #tpu.memory_space<semaphore_mem>>
    %dma_start3A_465 = tpu.memref_squeeze %dma_start3A_464 : memref<1x!tpu.dma_semaphore, #tpu.memory_space<semaphore_mem>> -> memref<!tpu.dma_semaphore, #tpu.memory_space<semaphore_mem>>
    tpu.enqueue_indirect_dma source(%dma_start3A_463 : memref<100000x128xf32, #tpu.memory_space<hbm>>) target(%dma_start3A_457 : memref<80x128xf32, #tpu.memory_space<vmem>>) offsets(%dma_start3A_460 : memref<80xi32, #tpu.memory_space<vmem>>) semaphore(%dma_start3A_465 : memref<!tpu.dma_semaphore, #tpu.memory_space<semaphore_mem>>) {add = true}
    %dma_start3A_466 = arith.constant 26 : i32
    %dma_start3A_467 = arith.constant 2 : i32
    %dma_start3A_468 = arith.constant 2 : i32
    %dma_start3A_469 = arith.constant 0 : i32
    %dma_start3A_470 = arith.constant 0 : i32
    %dma_start3A_471 = tpu.memref_slice %arg7[%dma_start3A_467, %dma_start3A_469, %dma_start3A_470] : memref<4x80x128xf32, #tpu.memory_space<vmem>> -> memref<1x80x128xf32, #tpu.memory_space<vmem>>
    %dma_start3A_472 = tpu.memref_squeeze %dma_start3A_471 : memref<1x80x128xf32, #tpu.memory_space<vmem>> -> memref<80x128xf32, #tpu.memory_space<vmem>>
    %dma_start3A_473 = arith.constant 0 : i32
    %dma_start3A_474 = tpu.memref_slice %arg5[%dma_start3A_466, %dma_start3A_473] : memref<44x80xi32, #tpu.memory_space<vmem>> -> memref<1x80xi32, #tpu.memory_space<vmem>>
    %dma_start3A_475 = tpu.memref_squeeze %dma_start3A_474 : memref<1x80xi32, #tpu.memory_space<vmem>> -> memref<80xi32, #tpu.memory_space<vmem>>
    %dma_start3A_476 = arith.constant 0 : i32
    %dma_start3A_477 = arith.constant 0 : i32
    %dma_start3A_478 = tpu.memref_slice %arg3[%dma_start3A_476, %dma_start3A_477] : memref<100000x128xf32, #tpu.memory_space<hbm>> -> memref<100000x128xf32, #tpu.memory_space<hbm>>
    %dma_start3A_479 = tpu.memref_slice %arg10[%dma_start3A_468] : memref<4x!tpu.dma_semaphore, #tpu.memory_space<semaphore_mem>> -> memref<1x!tpu.dma_semaphore, #tpu.memory_space<semaphore_mem>>
    %dma_start3A_480 = tpu.memref_squeeze %dma_start3A_479 : memref<1x!tpu.dma_semaphore, #tpu.memory_space<semaphore_mem>> -> memref<!tpu.dma_semaphore, #tpu.memory_space<semaphore_mem>>
    tpu.enqueue_indirect_dma source(%dma_start3A_478 : memref<100000x128xf32, #tpu.memory_space<hbm>>) target(%dma_start3A_472 : memref<80x128xf32, #tpu.memory_space<vmem>>) offsets(%dma_start3A_475 : memref<80xi32, #tpu.memory_space<vmem>>) semaphore(%dma_start3A_480 : memref<!tpu.dma_semaphore, #tpu.memory_space<semaphore_mem>>) {add = true}
    %dma_start3A_481 = arith.constant 27 : i32
    %dma_start3A_482 = arith.constant 2 : i32
    %dma_start3A_483 = arith.constant 2 : i32
    %dma_start3A_484 = arith.constant 0 : i32
    %dma_start3A_485 = arith.constant 0 : i32
    %dma_start3A_486 = tpu.memref_slice %arg7[%dma_start3A_482, %dma_start3A_484, %dma_start3A_485] : memref<4x80x128xf32, #tpu.memory_space<vmem>> -> memref<1x80x128xf32, #tpu.memory_space<vmem>>
    %dma_start3A_487 = tpu.memref_squeeze %dma_start3A_486 : memref<1x80x128xf32, #tpu.memory_space<vmem>> -> memref<80x128xf32, #tpu.memory_space<vmem>>
    %dma_start3A_488 = arith.constant 0 : i32
    %dma_start3A_489 = tpu.memref_slice %arg5[%dma_start3A_481, %dma_start3A_488] : memref<44x80xi32, #tpu.memory_space<vmem>> -> memref<1x80xi32, #tpu.memory_space<vmem>>
    %dma_start3A_490 = tpu.memref_squeeze %dma_start3A_489 : memref<1x80xi32, #tpu.memory_space<vmem>> -> memref<80xi32, #tpu.memory_space<vmem>>
    %dma_start3A_491 = arith.constant 0 : i32
    %dma_start3A_492 = arith.constant 0 : i32
    %dma_start3A_493 = tpu.memref_slice %arg3[%dma_start3A_491, %dma_start3A_492] : memref<100000x128xf32, #tpu.memory_space<hbm>> -> memref<100000x128xf32, #tpu.memory_space<hbm>>
    %dma_start3A_494 = tpu.memref_slice %arg10[%dma_start3A_483] : memref<4x!tpu.dma_semaphore, #tpu.memory_space<semaphore_mem>> -> memref<1x!tpu.dma_semaphore, #tpu.memory_space<semaphore_mem>>
    %dma_start3A_495 = tpu.memref_squeeze %dma_start3A_494 : memref<1x!tpu.dma_semaphore, #tpu.memory_space<semaphore_mem>> -> memref<!tpu.dma_semaphore, #tpu.memory_space<semaphore_mem>>
    tpu.enqueue_indirect_dma source(%dma_start3A_493 : memref<100000x128xf32, #tpu.memory_space<hbm>>) target(%dma_start3A_487 : memref<80x128xf32, #tpu.memory_space<vmem>>) offsets(%dma_start3A_490 : memref<80xi32, #tpu.memory_space<vmem>>) semaphore(%dma_start3A_495 : memref<!tpu.dma_semaphore, #tpu.memory_space<semaphore_mem>>) {add = true}
    %dma_start3A_496 = arith.constant 28 : i32
    %dma_start3A_497 = arith.constant 2 : i32
    %dma_start3A_498 = arith.constant 2 : i32
    %dma_start3A_499 = arith.constant 0 : i32
    %dma_start3A_500 = arith.constant 0 : i32
    %dma_start3A_501 = tpu.memref_slice %arg7[%dma_start3A_497, %dma_start3A_499, %dma_start3A_500] : memref<4x80x128xf32, #tpu.memory_space<vmem>> -> memref<1x80x128xf32, #tpu.memory_space<vmem>>
    %dma_start3A_502 = tpu.memref_squeeze %dma_start3A_501 : memref<1x80x128xf32, #tpu.memory_space<vmem>> -> memref<80x128xf32, #tpu.memory_space<vmem>>
    %dma_start3A_503 = arith.constant 0 : i32
    %dma_start3A_504 = tpu.memref_slice %arg5[%dma_start3A_496, %dma_start3A_503] : memref<44x80xi32, #tpu.memory_space<vmem>> -> memref<1x80xi32, #tpu.memory_space<vmem>>
    %dma_start3A_505 = tpu.memref_squeeze %dma_start3A_504 : memref<1x80xi32, #tpu.memory_space<vmem>> -> memref<80xi32, #tpu.memory_space<vmem>>
    %dma_start3A_506 = arith.constant 0 : i32
    %dma_start3A_507 = arith.constant 0 : i32
    %dma_start3A_508 = tpu.memref_slice %arg3[%dma_start3A_506, %dma_start3A_507] : memref<100000x128xf32, #tpu.memory_space<hbm>> -> memref<100000x128xf32, #tpu.memory_space<hbm>>
    %dma_start3A_509 = tpu.memref_slice %arg10[%dma_start3A_498] : memref<4x!tpu.dma_semaphore, #tpu.memory_space<semaphore_mem>> -> memref<1x!tpu.dma_semaphore, #tpu.memory_space<semaphore_mem>>
    %dma_start3A_510 = tpu.memref_squeeze %dma_start3A_509 : memref<1x!tpu.dma_semaphore, #tpu.memory_space<semaphore_mem>> -> memref<!tpu.dma_semaphore, #tpu.memory_space<semaphore_mem>>
    tpu.enqueue_indirect_dma source(%dma_start3A_508 : memref<100000x128xf32, #tpu.memory_space<hbm>>) target(%dma_start3A_502 : memref<80x128xf32, #tpu.memory_space<vmem>>) offsets(%dma_start3A_505 : memref<80xi32, #tpu.memory_space<vmem>>) semaphore(%dma_start3A_510 : memref<!tpu.dma_semaphore, #tpu.memory_space<semaphore_mem>>) {add = true}
    %dma_start3A_511 = arith.constant 29 : i32
    %dma_start3A_512 = arith.constant 2 : i32
    %dma_start3A_513 = arith.constant 2 : i32
    %dma_start3A_514 = arith.constant 0 : i32
    %dma_start3A_515 = arith.constant 0 : i32
    %dma_start3A_516 = tpu.memref_slice %arg7[%dma_start3A_512, %dma_start3A_514, %dma_start3A_515] : memref<4x80x128xf32, #tpu.memory_space<vmem>> -> memref<1x80x128xf32, #tpu.memory_space<vmem>>
    %dma_start3A_517 = tpu.memref_squeeze %dma_start3A_516 : memref<1x80x128xf32, #tpu.memory_space<vmem>> -> memref<80x128xf32, #tpu.memory_space<vmem>>
    %dma_start3A_518 = arith.constant 0 : i32
    %dma_start3A_519 = tpu.memref_slice %arg5[%dma_start3A_511, %dma_start3A_518] : memref<44x80xi32, #tpu.memory_space<vmem>> -> memref<1x80xi32, #tpu.memory_space<vmem>>
    %dma_start3A_520 = tpu.memref_squeeze %dma_start3A_519 : memref<1x80xi32, #tpu.memory_space<vmem>> -> memref<80xi32, #tpu.memory_space<vmem>>
    %dma_start3A_521 = arith.constant 0 : i32
    %dma_start3A_522 = arith.constant 0 : i32
    %dma_start3A_523 = tpu.memref_slice %arg3[%dma_start3A_521, %dma_start3A_522] : memref<100000x128xf32, #tpu.memory_space<hbm>> -> memref<100000x128xf32, #tpu.memory_space<hbm>>
    %dma_start3A_524 = tpu.memref_slice %arg10[%dma_start3A_513] : memref<4x!tpu.dma_semaphore, #tpu.memory_space<semaphore_mem>> -> memref<1x!tpu.dma_semaphore, #tpu.memory_space<semaphore_mem>>
    %dma_start3A_525 = tpu.memref_squeeze %dma_start3A_524 : memref<1x!tpu.dma_semaphore, #tpu.memory_space<semaphore_mem>> -> memref<!tpu.dma_semaphore, #tpu.memory_space<semaphore_mem>>
    tpu.enqueue_indirect_dma source(%dma_start3A_523 : memref<100000x128xf32, #tpu.memory_space<hbm>>) target(%dma_start3A_517 : memref<80x128xf32, #tpu.memory_space<vmem>>) offsets(%dma_start3A_520 : memref<80xi32, #tpu.memory_space<vmem>>) semaphore(%dma_start3A_525 : memref<!tpu.dma_semaphore, #tpu.memory_space<semaphore_mem>>) {add = true}
    %dma_start3A_526 = arith.constant 30 : i32
    %dma_start3A_527 = arith.constant 2 : i32
    %dma_start3A_528 = arith.constant 2 : i32
    %dma_start3A_529 = arith.constant 0 : i32
    %dma_start3A_530 = arith.constant 0 : i32
    %dma_start3A_531 = tpu.memref_slice %arg7[%dma_start3A_527, %dma_start3A_529, %dma_start3A_530] : memref<4x80x128xf32, #tpu.memory_space<vmem>> -> memref<1x80x128xf32, #tpu.memory_space<vmem>>
    %dma_start3A_532 = tpu.memref_squeeze %dma_start3A_531 : memref<1x80x128xf32, #tpu.memory_space<vmem>> -> memref<80x128xf32, #tpu.memory_space<vmem>>
    %dma_start3A_533 = arith.constant 0 : i32
    %dma_start3A_534 = tpu.memref_slice %arg5[%dma_start3A_526, %dma_start3A_533] : memref<44x80xi32, #tpu.memory_space<vmem>> -> memref<1x80xi32, #tpu.memory_space<vmem>>
    %dma_start3A_535 = tpu.memref_squeeze %dma_start3A_534 : memref<1x80xi32, #tpu.memory_space<vmem>> -> memref<80xi32, #tpu.memory_space<vmem>>
    %dma_start3A_536 = arith.constant 0 : i32
    %dma_start3A_537 = arith.constant 0 : i32
    %dma_start3A_538 = tpu.memref_slice %arg3[%dma_start3A_536, %dma_start3A_537] : memref<100000x128xf32, #tpu.memory_space<hbm>> -> memref<100000x128xf32, #tpu.memory_space<hbm>>
    %dma_start3A_539 = tpu.memref_slice %arg10[%dma_start3A_528] : memref<4x!tpu.dma_semaphore, #tpu.memory_space<semaphore_mem>> -> memref<1x!tpu.dma_semaphore, #tpu.memory_space<semaphore_mem>>
    %dma_start3A_540 = tpu.memref_squeeze %dma_start3A_539 : memref<1x!tpu.dma_semaphore, #tpu.memory_space<semaphore_mem>> -> memref<!tpu.dma_semaphore, #tpu.memory_space<semaphore_mem>>
    tpu.enqueue_indirect_dma source(%dma_start3A_538 : memref<100000x128xf32, #tpu.memory_space<hbm>>) target(%dma_start3A_532 : memref<80x128xf32, #tpu.memory_space<vmem>>) offsets(%dma_start3A_535 : memref<80xi32, #tpu.memory_space<vmem>>) semaphore(%dma_start3A_540 : memref<!tpu.dma_semaphore, #tpu.memory_space<semaphore_mem>>) {add = true}
    %dma_start3A_541 = arith.constant 31 : i32
    %dma_start3A_542 = arith.constant 2 : i32
    %dma_start3A_543 = arith.constant 2 : i32
    %dma_start3A_544 = arith.constant 0 : i32
    %dma_start3A_545 = arith.constant 0 : i32
    %dma_start3A_546 = tpu.memref_slice %arg7[%dma_start3A_542, %dma_start3A_544, %dma_start3A_545] : memref<4x80x128xf32, #tpu.memory_space<vmem>> -> memref<1x80x128xf32, #tpu.memory_space<vmem>>
    %dma_start3A_547 = tpu.memref_squeeze %dma_start3A_546 : memref<1x80x128xf32, #tpu.memory_space<vmem>> -> memref<80x128xf32, #tpu.memory_space<vmem>>
    %dma_start3A_548 = arith.constant 0 : i32
    %dma_start3A_549 = tpu.memref_slice %arg5[%dma_start3A_541, %dma_start3A_548] : memref<44x80xi32, #tpu.memory_space<vmem>> -> memref<1x80xi32, #tpu.memory_space<vmem>>
    %dma_start3A_550 = tpu.memref_squeeze %dma_start3A_549 : memref<1x80xi32, #tpu.memory_space<vmem>> -> memref<80xi32, #tpu.memory_space<vmem>>
    %dma_start3A_551 = arith.constant 0 : i32
    %dma_start3A_552 = arith.constant 0 : i32
    %dma_start3A_553 = tpu.memref_slice %arg3[%dma_start3A_551, %dma_start3A_552] : memref<100000x128xf32, #tpu.memory_space<hbm>> -> memref<100000x128xf32, #tpu.memory_space<hbm>>
    %dma_start3A_554 = tpu.memref_slice %arg10[%dma_start3A_543] : memref<4x!tpu.dma_semaphore, #tpu.memory_space<semaphore_mem>> -> memref<1x!tpu.dma_semaphore, #tpu.memory_space<semaphore_mem>>
    %dma_start3A_555 = tpu.memref_squeeze %dma_start3A_554 : memref<1x!tpu.dma_semaphore, #tpu.memory_space<semaphore_mem>> -> memref<!tpu.dma_semaphore, #tpu.memory_space<semaphore_mem>>
    tpu.enqueue_indirect_dma source(%dma_start3A_553 : memref<100000x128xf32, #tpu.memory_space<hbm>>) target(%dma_start3A_547 : memref<80x128xf32, #tpu.memory_space<vmem>>) offsets(%dma_start3A_550 : memref<80xi32, #tpu.memory_space<vmem>>) semaphore(%dma_start3A_555 : memref<!tpu.dma_semaphore, #tpu.memory_space<semaphore_mem>>) {add = true}
    %dma_start3A_556 = arith.constant 32 : i32
    %dma_start3A_557 = arith.constant 2 : i32
    %dma_start3A_558 = arith.constant 2 : i32
    %dma_start3A_559 = arith.constant 0 : i32
    %dma_start3A_560 = arith.constant 0 : i32
    %dma_start3A_561 = tpu.memref_slice %arg7[%dma_start3A_557, %dma_start3A_559, %dma_start3A_560] : memref<4x80x128xf32, #tpu.memory_space<vmem>> -> memref<1x80x128xf32, #tpu.memory_space<vmem>>
    %dma_start3A_562 = tpu.memref_squeeze %dma_start3A_561 : memref<1x80x128xf32, #tpu.memory_space<vmem>> -> memref<80x128xf32, #tpu.memory_space<vmem>>
    %dma_start3A_563 = arith.constant 0 : i32
    %dma_start3A_564 = tpu.memref_slice %arg5[%dma_start3A_556, %dma_start3A_563] : memref<44x80xi32, #tpu.memory_space<vmem>> -> memref<1x80xi32, #tpu.memory_space<vmem>>
    %dma_start3A_565 = tpu.memref_squeeze %dma_start3A_564 : memref<1x80xi32, #tpu.memory_space<vmem>> -> memref<80xi32, #tpu.memory_space<vmem>>
    %dma_start3A_566 = arith.constant 0 : i32
    %dma_start3A_567 = arith.constant 0 : i32
    %dma_start3A_568 = tpu.memref_slice %arg3[%dma_start3A_566, %dma_start3A_567] : memref<100000x128xf32, #tpu.memory_space<hbm>> -> memref<100000x128xf32, #tpu.memory_space<hbm>>
    %dma_start3A_569 = tpu.memref_slice %arg10[%dma_start3A_558] : memref<4x!tpu.dma_semaphore, #tpu.memory_space<semaphore_mem>> -> memref<1x!tpu.dma_semaphore, #tpu.memory_space<semaphore_mem>>
    %dma_start3A_570 = tpu.memref_squeeze %dma_start3A_569 : memref<1x!tpu.dma_semaphore, #tpu.memory_space<semaphore_mem>> -> memref<!tpu.dma_semaphore, #tpu.memory_space<semaphore_mem>>
    tpu.enqueue_indirect_dma source(%dma_start3A_568 : memref<100000x128xf32, #tpu.memory_space<hbm>>) target(%dma_start3A_562 : memref<80x128xf32, #tpu.memory_space<vmem>>) offsets(%dma_start3A_565 : memref<80xi32, #tpu.memory_space<vmem>>) semaphore(%dma_start3A_570 : memref<!tpu.dma_semaphore, #tpu.memory_space<semaphore_mem>>) {add = true}
    %dma_wait3A_571 = arith.constant 34 : i32
    %dma_wait3A_572 = arith.constant 3 : i32
    %dma_wait3A_573 = arith.constant 3 : i32
    %dma_wait3A_574 = arith.constant 0 : i32
    %dma_wait3A_575 = arith.constant 0 : i32
    %dma_wait3A_576 = tpu.memref_slice %arg7[%dma_wait3A_572, %dma_wait3A_574, %dma_wait3A_575] : memref<4x80x128xf32, #tpu.memory_space<vmem>> -> memref<1x80x128xf32, #tpu.memory_space<vmem>>
    %dma_wait3A_577 = tpu.memref_squeeze %dma_wait3A_576 : memref<1x80x128xf32, #tpu.memory_space<vmem>> -> memref<80x128xf32, #tpu.memory_space<vmem>>
    %dma_wait3A_578 = arith.constant 0 : i32
    %dma_wait3A_579 = tpu.memref_slice %arg5[%dma_wait3A_571, %dma_wait3A_578] : memref<44x80xi32, #tpu.memory_space<vmem>> -> memref<1x80xi32, #tpu.memory_space<vmem>>
    %dma_wait3A_580 = tpu.memref_squeeze %dma_wait3A_579 : memref<1x80xi32, #tpu.memory_space<vmem>> -> memref<80xi32, #tpu.memory_space<vmem>>
    %dma_wait3A_581 = arith.constant 0 : i32
    %dma_wait3A_582 = arith.constant 0 : i32
    %dma_wait3A_583 = tpu.memref_slice %arg3[%dma_wait3A_581, %dma_wait3A_582] : memref<100000x128xf32, #tpu.memory_space<hbm>> -> memref<100000x128xf32, #tpu.memory_space<hbm>>
    %dma_wait3A_584 = tpu.memref_slice %arg10[%dma_wait3A_573] : memref<4x!tpu.dma_semaphore, #tpu.memory_space<semaphore_mem>> -> memref<1x!tpu.dma_semaphore, #tpu.memory_space<semaphore_mem>>
    %dma_wait3A_585 = tpu.memref_squeeze %dma_wait3A_584 : memref<1x!tpu.dma_semaphore, #tpu.memory_space<semaphore_mem>> -> memref<!tpu.dma_semaphore, #tpu.memory_space<semaphore_mem>>
    tpu.wait_indirect_dma semaphore(%dma_wait3A_585 : memref<!tpu.dma_semaphore, #tpu.memory_space<semaphore_mem>>) src(%dma_wait3A_583 : memref<100000x128xf32, #tpu.memory_space<hbm>>) dst(%dma_wait3A_577 : memref<80x128xf32, #tpu.memory_space<vmem>>)
    %dma_start3A_586 = arith.constant 35 : i32
    %dma_start3A_587 = arith.constant 3 : i32
    %dma_start3A_588 = arith.constant 3 : i32
    %dma_start3A_589 = arith.constant 0 : i32
    %dma_start3A_590 = arith.constant 0 : i32
    %dma_start3A_591 = tpu.memref_slice %arg7[%dma_start3A_587, %dma_start3A_589, %dma_start3A_590] : memref<4x80x128xf32, #tpu.memory_space<vmem>> -> memref<1x80x128xf32, #tpu.memory_space<vmem>>
    %dma_start3A_592 = tpu.memref_squeeze %dma_start3A_591 : memref<1x80x128xf32, #tpu.memory_space<vmem>> -> memref<80x128xf32, #tpu.memory_space<vmem>>
    %dma_start3A_593 = arith.constant 0 : i32
    %dma_start3A_594 = tpu.memref_slice %arg5[%dma_start3A_586, %dma_start3A_593] : memref<44x80xi32, #tpu.memory_space<vmem>> -> memref<1x80xi32, #tpu.memory_space<vmem>>
    %dma_start3A_595 = tpu.memref_squeeze %dma_start3A_594 : memref<1x80xi32, #tpu.memory_space<vmem>> -> memref<80xi32, #tpu.memory_space<vmem>>
    %dma_start3A_596 = arith.constant 0 : i32
    %dma_start3A_597 = arith.constant 0 : i32
    %dma_start3A_598 = tpu.memref_slice %arg3[%dma_start3A_596, %dma_start3A_597] : memref<100000x128xf32, #tpu.memory_space<hbm>> -> memref<100000x128xf32, #tpu.memory_space<hbm>>
    %dma_start3A_599 = tpu.memref_slice %arg10[%dma_start3A_588] : memref<4x!tpu.dma_semaphore, #tpu.memory_space<semaphore_mem>> -> memref<1x!tpu.dma_semaphore, #tpu.memory_space<semaphore_mem>>
    %dma_start3A_600 = tpu.memref_squeeze %dma_start3A_599 : memref<1x!tpu.dma_semaphore, #tpu.memory_space<semaphore_mem>> -> memref<!tpu.dma_semaphore, #tpu.memory_space<semaphore_mem>>
    tpu.enqueue_indirect_dma source(%dma_start3A_598 : memref<100000x128xf32, #tpu.memory_space<hbm>>) target(%dma_start3A_592 : memref<80x128xf32, #tpu.memory_space<vmem>>) offsets(%dma_start3A_595 : memref<80xi32, #tpu.memory_space<vmem>>) semaphore(%dma_start3A_600 : memref<!tpu.dma_semaphore, #tpu.memory_space<semaphore_mem>>) {add = true}
    %dma_start3A_601 = arith.constant 36 : i32
    %dma_start3A_602 = arith.constant 3 : i32
    %dma_start3A_603 = arith.constant 3 : i32
    %dma_start3A_604 = arith.constant 0 : i32
    %dma_start3A_605 = arith.constant 0 : i32
    %dma_start3A_606 = tpu.memref_slice %arg7[%dma_start3A_602, %dma_start3A_604, %dma_start3A_605] : memref<4x80x128xf32, #tpu.memory_space<vmem>> -> memref<1x80x128xf32, #tpu.memory_space<vmem>>
    %dma_start3A_607 = tpu.memref_squeeze %dma_start3A_606 : memref<1x80x128xf32, #tpu.memory_space<vmem>> -> memref<80x128xf32, #tpu.memory_space<vmem>>
    %dma_start3A_608 = arith.constant 0 : i32
    %dma_start3A_609 = tpu.memref_slice %arg5[%dma_start3A_601, %dma_start3A_608] : memref<44x80xi32, #tpu.memory_space<vmem>> -> memref<1x80xi32, #tpu.memory_space<vmem>>
    %dma_start3A_610 = tpu.memref_squeeze %dma_start3A_609 : memref<1x80xi32, #tpu.memory_space<vmem>> -> memref<80xi32, #tpu.memory_space<vmem>>
    %dma_start3A_611 = arith.constant 0 : i32
    %dma_start3A_612 = arith.constant 0 : i32
    %dma_start3A_613 = tpu.memref_slice %arg3[%dma_start3A_611, %dma_start3A_612] : memref<100000x128xf32, #tpu.memory_space<hbm>> -> memref<100000x128xf32, #tpu.memory_space<hbm>>
    %dma_start3A_614 = tpu.memref_slice %arg10[%dma_start3A_603] : memref<4x!tpu.dma_semaphore, #tpu.memory_space<semaphore_mem>> -> memref<1x!tpu.dma_semaphore, #tpu.memory_space<semaphore_mem>>
    %dma_start3A_615 = tpu.memref_squeeze %dma_start3A_614 : memref<1x!tpu.dma_semaphore, #tpu.memory_space<semaphore_mem>> -> memref<!tpu.dma_semaphore, #tpu.memory_space<semaphore_mem>>
    tpu.enqueue_indirect_dma source(%dma_start3A_613 : memref<100000x128xf32, #tpu.memory_space<hbm>>) target(%dma_start3A_607 : memref<80x128xf32, #tpu.memory_space<vmem>>) offsets(%dma_start3A_610 : memref<80xi32, #tpu.memory_space<vmem>>) semaphore(%dma_start3A_615 : memref<!tpu.dma_semaphore, #tpu.memory_space<semaphore_mem>>) {add = true}
    %dma_start3A_616 = arith.constant 37 : i32
    %dma_start3A_617 = arith.constant 3 : i32
    %dma_start3A_618 = arith.constant 3 : i32
    %dma_start3A_619 = arith.constant 0 : i32
    %dma_start3A_620 = arith.constant 0 : i32
    %dma_start3A_621 = tpu.memref_slice %arg7[%dma_start3A_617, %dma_start3A_619, %dma_start3A_620] : memref<4x80x128xf32, #tpu.memory_space<vmem>> -> memref<1x80x128xf32, #tpu.memory_space<vmem>>
    %dma_start3A_622 = tpu.memref_squeeze %dma_start3A_621 : memref<1x80x128xf32, #tpu.memory_space<vmem>> -> memref<80x128xf32, #tpu.memory_space<vmem>>
    %dma_start3A_623 = arith.constant 0 : i32
    %dma_start3A_624 = tpu.memref_slice %arg5[%dma_start3A_616, %dma_start3A_623] : memref<44x80xi32, #tpu.memory_space<vmem>> -> memref<1x80xi32, #tpu.memory_space<vmem>>
    %dma_start3A_625 = tpu.memref_squeeze %dma_start3A_624 : memref<1x80xi32, #tpu.memory_space<vmem>> -> memref<80xi32, #tpu.memory_space<vmem>>
    %dma_start3A_626 = arith.constant 0 : i32
    %dma_start3A_627 = arith.constant 0 : i32
    %dma_start3A_628 = tpu.memref_slice %arg3[%dma_start3A_626, %dma_start3A_627] : memref<100000x128xf32, #tpu.memory_space<hbm>> -> memref<100000x128xf32, #tpu.memory_space<hbm>>
    %dma_start3A_629 = tpu.memref_slice %arg10[%dma_start3A_618] : memref<4x!tpu.dma_semaphore, #tpu.memory_space<semaphore_mem>> -> memref<1x!tpu.dma_semaphore, #tpu.memory_space<semaphore_mem>>
    %dma_start3A_630 = tpu.memref_squeeze %dma_start3A_629 : memref<1x!tpu.dma_semaphore, #tpu.memory_space<semaphore_mem>> -> memref<!tpu.dma_semaphore, #tpu.memory_space<semaphore_mem>>
    tpu.enqueue_indirect_dma source(%dma_start3A_628 : memref<100000x128xf32, #tpu.memory_space<hbm>>) target(%dma_start3A_622 : memref<80x128xf32, #tpu.memory_space<vmem>>) offsets(%dma_start3A_625 : memref<80xi32, #tpu.memory_space<vmem>>) semaphore(%dma_start3A_630 : memref<!tpu.dma_semaphore, #tpu.memory_space<semaphore_mem>>) {add = true}
    %dma_start3A_631 = arith.constant 38 : i32
    %dma_start3A_632 = arith.constant 3 : i32
    %dma_start3A_633 = arith.constant 3 : i32
    %dma_start3A_634 = arith.constant 0 : i32
    %dma_start3A_635 = arith.constant 0 : i32
    %dma_start3A_636 = tpu.memref_slice %arg7[%dma_start3A_632, %dma_start3A_634, %dma_start3A_635] : memref<4x80x128xf32, #tpu.memory_space<vmem>> -> memref<1x80x128xf32, #tpu.memory_space<vmem>>
    %dma_start3A_637 = tpu.memref_squeeze %dma_start3A_636 : memref<1x80x128xf32, #tpu.memory_space<vmem>> -> memref<80x128xf32, #tpu.memory_space<vmem>>
    %dma_start3A_638 = arith.constant 0 : i32
    %dma_start3A_639 = tpu.memref_slice %arg5[%dma_start3A_631, %dma_start3A_638] : memref<44x80xi32, #tpu.memory_space<vmem>> -> memref<1x80xi32, #tpu.memory_space<vmem>>
    %dma_start3A_640 = tpu.memref_squeeze %dma_start3A_639 : memref<1x80xi32, #tpu.memory_space<vmem>> -> memref<80xi32, #tpu.memory_space<vmem>>
    %dma_start3A_641 = arith.constant 0 : i32
    %dma_start3A_642 = arith.constant 0 : i32
    %dma_start3A_643 = tpu.memref_slice %arg3[%dma_start3A_641, %dma_start3A_642] : memref<100000x128xf32, #tpu.memory_space<hbm>> -> memref<100000x128xf32, #tpu.memory_space<hbm>>
    %dma_start3A_644 = tpu.memref_slice %arg10[%dma_start3A_633] : memref<4x!tpu.dma_semaphore, #tpu.memory_space<semaphore_mem>> -> memref<1x!tpu.dma_semaphore, #tpu.memory_space<semaphore_mem>>
    %dma_start3A_645 = tpu.memref_squeeze %dma_start3A_644 : memref<1x!tpu.dma_semaphore, #tpu.memory_space<semaphore_mem>> -> memref<!tpu.dma_semaphore, #tpu.memory_space<semaphore_mem>>
    tpu.enqueue_indirect_dma source(%dma_start3A_643 : memref<100000x128xf32, #tpu.memory_space<hbm>>) target(%dma_start3A_637 : memref<80x128xf32, #tpu.memory_space<vmem>>) offsets(%dma_start3A_640 : memref<80xi32, #tpu.memory_space<vmem>>) semaphore(%dma_start3A_645 : memref<!tpu.dma_semaphore, #tpu.memory_space<semaphore_mem>>) {add = true}
    %dma_start3A_646 = arith.constant 39 : i32
    %dma_start3A_647 = arith.constant 3 : i32
    %dma_start3A_648 = arith.constant 3 : i32
    %dma_start3A_649 = arith.constant 0 : i32
    %dma_start3A_650 = arith.constant 0 : i32
    %dma_start3A_651 = tpu.memref_slice %arg7[%dma_start3A_647, %dma_start3A_649, %dma_start3A_650] : memref<4x80x128xf32, #tpu.memory_space<vmem>> -> memref<1x80x128xf32, #tpu.memory_space<vmem>>
    %dma_start3A_652 = tpu.memref_squeeze %dma_start3A_651 : memref<1x80x128xf32, #tpu.memory_space<vmem>> -> memref<80x128xf32, #tpu.memory_space<vmem>>
    %dma_start3A_653 = arith.constant 0 : i32
    %dma_start3A_654 = tpu.memref_slice %arg5[%dma_start3A_646, %dma_start3A_653] : memref<44x80xi32, #tpu.memory_space<vmem>> -> memref<1x80xi32, #tpu.memory_space<vmem>>
    %dma_start3A_655 = tpu.memref_squeeze %dma_start3A_654 : memref<1x80xi32, #tpu.memory_space<vmem>> -> memref<80xi32, #tpu.memory_space<vmem>>
    %dma_start3A_656 = arith.constant 0 : i32
    %dma_start3A_657 = arith.constant 0 : i32
    %dma_start3A_658 = tpu.memref_slice %arg3[%dma_start3A_656, %dma_start3A_657] : memref<100000x128xf32, #tpu.memory_space<hbm>> -> memref<100000x128xf32, #tpu.memory_space<hbm>>
    %dma_start3A_659 = tpu.memref_slice %arg10[%dma_start3A_648] : memref<4x!tpu.dma_semaphore, #tpu.memory_space<semaphore_mem>> -> memref<1x!tpu.dma_semaphore, #tpu.memory_space<semaphore_mem>>
    %dma_start3A_660 = tpu.memref_squeeze %dma_start3A_659 : memref<1x!tpu.dma_semaphore, #tpu.memory_space<semaphore_mem>> -> memref<!tpu.dma_semaphore, #tpu.memory_space<semaphore_mem>>
    tpu.enqueue_indirect_dma source(%dma_start3A_658 : memref<100000x128xf32, #tpu.memory_space<hbm>>) target(%dma_start3A_652 : memref<80x128xf32, #tpu.memory_space<vmem>>) offsets(%dma_start3A_655 : memref<80xi32, #tpu.memory_space<vmem>>) semaphore(%dma_start3A_660 : memref<!tpu.dma_semaphore, #tpu.memory_space<semaphore_mem>>) {add = true}
    %dma_start3A_661 = arith.constant 40 : i32
    %dma_start3A_662 = arith.constant 3 : i32
    %dma_start3A_663 = arith.constant 3 : i32
    %dma_start3A_664 = arith.constant 0 : i32
    %dma_start3A_665 = arith.constant 0 : i32
    %dma_start3A_666 = tpu.memref_slice %arg7[%dma_start3A_662, %dma_start3A_664, %dma_start3A_665] : memref<4x80x128xf32, #tpu.memory_space<vmem>> -> memref<1x80x128xf32, #tpu.memory_space<vmem>>
    %dma_start3A_667 = tpu.memref_squeeze %dma_start3A_666 : memref<1x80x128xf32, #tpu.memory_space<vmem>> -> memref<80x128xf32, #tpu.memory_space<vmem>>
    %dma_start3A_668 = arith.constant 0 : i32
    %dma_start3A_669 = tpu.memref_slice %arg5[%dma_start3A_661, %dma_start3A_668] : memref<44x80xi32, #tpu.memory_space<vmem>> -> memref<1x80xi32, #tpu.memory_space<vmem>>
    %dma_start3A_670 = tpu.memref_squeeze %dma_start3A_669 : memref<1x80xi32, #tpu.memory_space<vmem>> -> memref<80xi32, #tpu.memory_space<vmem>>
    %dma_start3A_671 = arith.constant 0 : i32
    %dma_start3A_672 = arith.constant 0 : i32
    %dma_start3A_673 = tpu.memref_slice %arg3[%dma_start3A_671, %dma_start3A_672] : memref<100000x128xf32, #tpu.memory_space<hbm>> -> memref<100000x128xf32, #tpu.memory_space<hbm>>
    %dma_start3A_674 = tpu.memref_slice %arg10[%dma_start3A_663] : memref<4x!tpu.dma_semaphore, #tpu.memory_space<semaphore_mem>> -> memref<1x!tpu.dma_semaphore, #tpu.memory_space<semaphore_mem>>
    %dma_start3A_675 = tpu.memref_squeeze %dma_start3A_674 : memref<1x!tpu.dma_semaphore, #tpu.memory_space<semaphore_mem>> -> memref<!tpu.dma_semaphore, #tpu.memory_space<semaphore_mem>>
    tpu.enqueue_indirect_dma source(%dma_start3A_673 : memref<100000x128xf32, #tpu.memory_space<hbm>>) target(%dma_start3A_667 : memref<80x128xf32, #tpu.memory_space<vmem>>) offsets(%dma_start3A_670 : memref<80xi32, #tpu.memory_space<vmem>>) semaphore(%dma_start3A_675 : memref<!tpu.dma_semaphore, #tpu.memory_space<semaphore_mem>>) {add = true}
    %dma_start3A_676 = arith.constant 41 : i32
    %dma_start3A_677 = arith.constant 3 : i32
    %dma_start3A_678 = arith.constant 3 : i32
    %dma_start3A_679 = arith.constant 0 : i32
    %dma_start3A_680 = arith.constant 0 : i32
    %dma_start3A_681 = tpu.memref_slice %arg7[%dma_start3A_677, %dma_start3A_679, %dma_start3A_680] : memref<4x80x128xf32, #tpu.memory_space<vmem>> -> memref<1x80x128xf32, #tpu.memory_space<vmem>>
    %dma_start3A_682 = tpu.memref_squeeze %dma_start3A_681 : memref<1x80x128xf32, #tpu.memory_space<vmem>> -> memref<80x128xf32, #tpu.memory_space<vmem>>
    %dma_start3A_683 = arith.constant 0 : i32
    %dma_start3A_684 = tpu.memref_slice %arg5[%dma_start3A_676, %dma_start3A_683] : memref<44x80xi32, #tpu.memory_space<vmem>> -> memref<1x80xi32, #tpu.memory_space<vmem>>
    %dma_start3A_685 = tpu.memref_squeeze %dma_start3A_684 : memref<1x80xi32, #tpu.memory_space<vmem>> -> memref<80xi32, #tpu.memory_space<vmem>>
    %dma_start3A_686 = arith.constant 0 : i32
    %dma_start3A_687 = arith.constant 0 : i32
    %dma_start3A_688 = tpu.memref_slice %arg3[%dma_start3A_686, %dma_start3A_687] : memref<100000x128xf32, #tpu.memory_space<hbm>> -> memref<100000x128xf32, #tpu.memory_space<hbm>>
    %dma_start3A_689 = tpu.memref_slice %arg10[%dma_start3A_678] : memref<4x!tpu.dma_semaphore, #tpu.memory_space<semaphore_mem>> -> memref<1x!tpu.dma_semaphore, #tpu.memory_space<semaphore_mem>>
    %dma_start3A_690 = tpu.memref_squeeze %dma_start3A_689 : memref<1x!tpu.dma_semaphore, #tpu.memory_space<semaphore_mem>> -> memref<!tpu.dma_semaphore, #tpu.memory_space<semaphore_mem>>
    tpu.enqueue_indirect_dma source(%dma_start3A_688 : memref<100000x128xf32, #tpu.memory_space<hbm>>) target(%dma_start3A_682 : memref<80x128xf32, #tpu.memory_space<vmem>>) offsets(%dma_start3A_685 : memref<80xi32, #tpu.memory_space<vmem>>) semaphore(%dma_start3A_690 : memref<!tpu.dma_semaphore, #tpu.memory_space<semaphore_mem>>) {add = true}
    %dma_start3A_691 = arith.constant 42 : i32
    %dma_start3A_692 = arith.constant 3 : i32
    %dma_start3A_693 = arith.constant 3 : i32
    %dma_start3A_694 = arith.constant 0 : i32
    %dma_start3A_695 = arith.constant 0 : i32
    %dma_start3A_696 = tpu.memref_slice %arg7[%dma_start3A_692, %dma_start3A_694, %dma_start3A_695] : memref<4x80x128xf32, #tpu.memory_space<vmem>> -> memref<1x80x128xf32, #tpu.memory_space<vmem>>
    %dma_start3A_697 = tpu.memref_squeeze %dma_start3A_696 : memref<1x80x128xf32, #tpu.memory_space<vmem>> -> memref<80x128xf32, #tpu.memory_space<vmem>>
    %dma_start3A_698 = arith.constant 0 : i32
    %dma_start3A_699 = tpu.memref_slice %arg5[%dma_start3A_691, %dma_start3A_698] : memref<44x80xi32, #tpu.memory_space<vmem>> -> memref<1x80xi32, #tpu.memory_space<vmem>>
    %dma_start3A_700 = tpu.memref_squeeze %dma_start3A_699 : memref<1x80xi32, #tpu.memory_space<vmem>> -> memref<80xi32, #tpu.memory_space<vmem>>
    %dma_start3A_701 = arith.constant 0 : i32
    %dma_start3A_702 = arith.constant 0 : i32
    %dma_start3A_703 = tpu.memref_slice %arg3[%dma_start3A_701, %dma_start3A_702] : memref<100000x128xf32, #tpu.memory_space<hbm>> -> memref<100000x128xf32, #tpu.memory_space<hbm>>
    %dma_start3A_704 = tpu.memref_slice %arg10[%dma_start3A_693] : memref<4x!tpu.dma_semaphore, #tpu.memory_space<semaphore_mem>> -> memref<1x!tpu.dma_semaphore, #tpu.memory_space<semaphore_mem>>
    %dma_start3A_705 = tpu.memref_squeeze %dma_start3A_704 : memref<1x!tpu.dma_semaphore, #tpu.memory_space<semaphore_mem>> -> memref<!tpu.dma_semaphore, #tpu.memory_space<semaphore_mem>>
    tpu.enqueue_indirect_dma source(%dma_start3A_703 : memref<100000x128xf32, #tpu.memory_space<hbm>>) target(%dma_start3A_697 : memref<80x128xf32, #tpu.memory_space<vmem>>) offsets(%dma_start3A_700 : memref<80xi32, #tpu.memory_space<vmem>>) semaphore(%dma_start3A_705 : memref<!tpu.dma_semaphore, #tpu.memory_space<semaphore_mem>>) {add = true}
    %dma_start3A_706 = arith.constant 43 : i32
    %dma_start3A_707 = arith.constant 3 : i32
    %dma_start3A_708 = arith.constant 3 : i32
    %dma_start3A_709 = arith.constant 0 : i32
    %dma_start3A_710 = arith.constant 0 : i32
    %dma_start3A_711 = tpu.memref_slice %arg7[%dma_start3A_707, %dma_start3A_709, %dma_start3A_710] : memref<4x80x128xf32, #tpu.memory_space<vmem>> -> memref<1x80x128xf32, #tpu.memory_space<vmem>>
    %dma_start3A_712 = tpu.memref_squeeze %dma_start3A_711 : memref<1x80x128xf32, #tpu.memory_space<vmem>> -> memref<80x128xf32, #tpu.memory_space<vmem>>
    %dma_start3A_713 = arith.constant 0 : i32
    %dma_start3A_714 = tpu.memref_slice %arg5[%dma_start3A_706, %dma_start3A_713] : memref<44x80xi32, #tpu.memory_space<vmem>> -> memref<1x80xi32, #tpu.memory_space<vmem>>
    %dma_start3A_715 = tpu.memref_squeeze %dma_start3A_714 : memref<1x80xi32, #tpu.memory_space<vmem>> -> memref<80xi32, #tpu.memory_space<vmem>>
    %dma_start3A_716 = arith.constant 0 : i32
    %dma_start3A_717 = arith.constant 0 : i32
    %dma_start3A_718 = tpu.memref_slice %arg3[%dma_start3A_716, %dma_start3A_717] : memref<100000x128xf32, #tpu.memory_space<hbm>> -> memref<100000x128xf32, #tpu.memory_space<hbm>>
    %dma_start3A_719 = tpu.memref_slice %arg10[%dma_start3A_708] : memref<4x!tpu.dma_semaphore, #tpu.memory_space<semaphore_mem>> -> memref<1x!tpu.dma_semaphore, #tpu.memory_space<semaphore_mem>>
    %dma_start3A_720 = tpu.memref_squeeze %dma_start3A_719 : memref<1x!tpu.dma_semaphore, #tpu.memory_space<semaphore_mem>> -> memref<!tpu.dma_semaphore, #tpu.memory_space<semaphore_mem>>
    tpu.enqueue_indirect_dma source(%dma_start3A_718 : memref<100000x128xf32, #tpu.memory_space<hbm>>) target(%dma_start3A_712 : memref<80x128xf32, #tpu.memory_space<vmem>>) offsets(%dma_start3A_715 : memref<80xi32, #tpu.memory_space<vmem>>) semaphore(%dma_start3A_720 : memref<!tpu.dma_semaphore, #tpu.memory_space<semaphore_mem>>) {add = true}
    %add3A_721 = arith.constant 0 : i32
    %add3A_722 = arith.addi %mul3A_2, %add3A_721 : i32
    %dma_wait3A_723 = arith.constant 0 : i32
    %dma_wait3A_724 = arith.constant 0 : i32
    %dma_wait3A_725 = arith.constant 0 : i32
    %dma_wait3A_726 = arith.constant 0 : i32
    %dma_wait3A_727 = arith.constant 0 : i32
    %dma_wait3A_728 = tpu.memref_slice %arg6[%dma_wait3A_724, %dma_wait3A_726, %dma_wait3A_727] : memref<4x80x128xf32, #tpu.memory_space<vmem>> -> memref<1x80x128xf32, #tpu.memory_space<vmem>>
    %dma_wait3A_729 = tpu.memref_squeeze %dma_wait3A_728 : memref<1x80x128xf32, #tpu.memory_space<vmem>> -> memref<80x128xf32, #tpu.memory_space<vmem>>
    %dma_wait3A_730 = arith.constant 0 : i32
    %dma_wait3A_731 = tpu.memref_slice %arg5[%dma_wait3A_723, %dma_wait3A_730] : memref<44x80xi32, #tpu.memory_space<vmem>> -> memref<1x80xi32, #tpu.memory_space<vmem>>
    %dma_wait3A_732 = tpu.memref_squeeze %dma_wait3A_731 : memref<1x80xi32, #tpu.memory_space<vmem>> -> memref<80xi32, #tpu.memory_space<vmem>>
    %dma_wait3A_733 = arith.constant 0 : i32
    %dma_wait3A_734 = arith.constant 0 : i32
    %dma_wait3A_735 = tpu.memref_slice %arg3[%dma_wait3A_733, %dma_wait3A_734] : memref<100000x128xf32, #tpu.memory_space<hbm>> -> memref<100000x128xf32, #tpu.memory_space<hbm>>
    %dma_wait3A_736 = tpu.memref_slice %arg9[%dma_wait3A_725] : memref<4x!tpu.dma_semaphore, #tpu.memory_space<semaphore_mem>> -> memref<1x!tpu.dma_semaphore, #tpu.memory_space<semaphore_mem>>
    %dma_wait3A_737 = tpu.memref_squeeze %dma_wait3A_736 : memref<1x!tpu.dma_semaphore, #tpu.memory_space<semaphore_mem>> -> memref<!tpu.dma_semaphore, #tpu.memory_space<semaphore_mem>>
    tpu.wait_indirect_dma semaphore(%dma_wait3A_737 : memref<!tpu.dma_semaphore, #tpu.memory_space<semaphore_mem>>) src(%dma_wait3A_735 : memref<100000x128xf32, #tpu.memory_space<hbm>>) dst(%dma_wait3A_729 : memref<80x128xf32, #tpu.memory_space<vmem>>)
    %dma_start3A_738 = arith.constant 0 : i32
    %dma_start3A_739 = arith.constant 0 : i32
    %dma_start3A_740 = arith.constant 0 : i32
    %dma_start3A_741 = arith.constant 0 : i32
    %dma_start3A_742 = tpu.memref_slice %arg6[%dma_start3A_738, %dma_start3A_740, %dma_start3A_741] : memref<4x80x128xf32, #tpu.memory_space<vmem>> -> memref<1x80x128xf32, #tpu.memory_space<vmem>>
    %dma_start3A_743 = tpu.memref_squeeze %dma_start3A_742 : memref<1x80x128xf32, #tpu.memory_space<vmem>> -> memref<80x128xf32, #tpu.memory_space<vmem>>
    %dma_start3A_744 = arith.constant 0 : i32
    %dma_start3A_745 = tpu.memref_slice %arg4[%add3A_722, %dma_start3A_744] : memref<10240x256xf32, #tpu.memory_space<hbm>> -> memref<80x128xf32, #tpu.memory_space<hbm>>
    %dma_start3A_746 = tpu.memref_slice %arg11[%dma_start3A_739] : memref<4x!tpu.dma_semaphore, #tpu.memory_space<semaphore_mem>> -> memref<1x!tpu.dma_semaphore, #tpu.memory_space<semaphore_mem>>
    %dma_start3A_747 = tpu.memref_squeeze %dma_start3A_746 : memref<1x!tpu.dma_semaphore, #tpu.memory_space<semaphore_mem>> -> memref<!tpu.dma_semaphore, #tpu.memory_space<semaphore_mem>>
    %dma_start3A_748 = arith.constant 0 : i32
    %dma_start3A_749 = tpu.memref_slice %arg4[%add3A_722, %dma_start3A_748] : memref<10240x256xf32, #tpu.memory_space<hbm>> -> memref<80x128xf32, #tpu.memory_space<hbm>>
    %dma_start3A_750 = arith.constant 0 : i32
    %dma_start3A_751 = arith.constant 0 : i32
    %dma_start3A_752 = tpu.memref_slice %arg6[%dma_start3A_738, %dma_start3A_750, %dma_start3A_751] : memref<4x80x128xf32, #tpu.memory_space<vmem>> -> memref<1x80x128xf32, #tpu.memory_space<vmem>>
    %dma_start3A_753 = tpu.memref_squeeze %dma_start3A_752 : memref<1x80x128xf32, #tpu.memory_space<vmem>> -> memref<80x128xf32, #tpu.memory_space<vmem>>
    tpu.enqueue_dma source(%dma_start3A_753 : memref<80x128xf32, #tpu.memory_space<vmem>>) target(%dma_start3A_749 : memref<80x128xf32, #tpu.memory_space<hbm>>) target_semaphore(%dma_start3A_747 : memref<!tpu.dma_semaphore, #tpu.memory_space<semaphore_mem>>)
    %add3A_754 = arith.constant 80 : i32
    %add3A_755 = arith.addi %mul3A_2, %add3A_754 : i32
    %dma_wait3A_756 = arith.constant 11 : i32
    %dma_wait3A_757 = arith.constant 1 : i32
    %dma_wait3A_758 = arith.constant 1 : i32
    %dma_wait3A_759 = arith.constant 0 : i32
    %dma_wait3A_760 = arith.constant 0 : i32
    %dma_wait3A_761 = tpu.memref_slice %arg6[%dma_wait3A_757, %dma_wait3A_759, %dma_wait3A_760] : memref<4x80x128xf32, #tpu.memory_space<vmem>> -> memref<1x80x128xf32, #tpu.memory_space<vmem>>
    %dma_wait3A_762 = tpu.memref_squeeze %dma_wait3A_761 : memref<1x80x128xf32, #tpu.memory_space<vmem>> -> memref<80x128xf32, #tpu.memory_space<vmem>>
    %dma_wait3A_763 = arith.constant 0 : i32
    %dma_wait3A_764 = tpu.memref_slice %arg5[%dma_wait3A_756, %dma_wait3A_763] : memref<44x80xi32, #tpu.memory_space<vmem>> -> memref<1x80xi32, #tpu.memory_space<vmem>>
    %dma_wait3A_765 = tpu.memref_squeeze %dma_wait3A_764 : memref<1x80xi32, #tpu.memory_space<vmem>> -> memref<80xi32, #tpu.memory_space<vmem>>
    %dma_wait3A_766 = arith.constant 0 : i32
    %dma_wait3A_767 = arith.constant 0 : i32
    %dma_wait3A_768 = tpu.memref_slice %arg3[%dma_wait3A_766, %dma_wait3A_767] : memref<100000x128xf32, #tpu.memory_space<hbm>> -> memref<100000x128xf32, #tpu.memory_space<hbm>>
    %dma_wait3A_769 = tpu.memref_slice %arg9[%dma_wait3A_758] : memref<4x!tpu.dma_semaphore, #tpu.memory_space<semaphore_mem>> -> memref<1x!tpu.dma_semaphore, #tpu.memory_space<semaphore_mem>>
    %dma_wait3A_770 = tpu.memref_squeeze %dma_wait3A_769 : memref<1x!tpu.dma_semaphore, #tpu.memory_space<semaphore_mem>> -> memref<!tpu.dma_semaphore, #tpu.memory_space<semaphore_mem>>
    tpu.wait_indirect_dma semaphore(%dma_wait3A_770 : memref<!tpu.dma_semaphore, #tpu.memory_space<semaphore_mem>>) src(%dma_wait3A_768 : memref<100000x128xf32, #tpu.memory_space<hbm>>) dst(%dma_wait3A_762 : memref<80x128xf32, #tpu.memory_space<vmem>>)
    %dma_start3A_771 = arith.constant 1 : i32
    %dma_start3A_772 = arith.constant 1 : i32
    %dma_start3A_773 = arith.constant 0 : i32
    %dma_start3A_774 = arith.constant 0 : i32
    %dma_start3A_775 = tpu.memref_slice %arg6[%dma_start3A_771, %dma_start3A_773, %dma_start3A_774] : memref<4x80x128xf32, #tpu.memory_space<vmem>> -> memref<1x80x128xf32, #tpu.memory_space<vmem>>
    %dma_start3A_776 = tpu.memref_squeeze %dma_start3A_775 : memref<1x80x128xf32, #tpu.memory_space<vmem>> -> memref<80x128xf32, #tpu.memory_space<vmem>>
    %dma_start3A_777 = arith.constant 0 : i32
    %dma_start3A_778 = tpu.memref_slice %arg4[%add3A_755, %dma_start3A_777] : memref<10240x256xf32, #tpu.memory_space<hbm>> -> memref<80x128xf32, #tpu.memory_space<hbm>>
    %dma_start3A_779 = tpu.memref_slice %arg11[%dma_start3A_772] : memref<4x!tpu.dma_semaphore, #tpu.memory_space<semaphore_mem>> -> memref<1x!tpu.dma_semaphore, #tpu.memory_space<semaphore_mem>>
    %dma_start3A_780 = tpu.memref_squeeze %dma_start3A_779 : memref<1x!tpu.dma_semaphore, #tpu.memory_space<semaphore_mem>> -> memref<!tpu.dma_semaphore, #tpu.memory_space<semaphore_mem>>
    %dma_start3A_781 = arith.constant 0 : i32
    %dma_start3A_782 = tpu.memref_slice %arg4[%add3A_755, %dma_start3A_781] : memref<10240x256xf32, #tpu.memory_space<hbm>> -> memref<80x128xf32, #tpu.memory_space<hbm>>
    %dma_start3A_783 = arith.constant 0 : i32
    %dma_start3A_784 = arith.constant 0 : i32
    %dma_start3A_785 = tpu.memref_slice %arg6[%dma_start3A_771, %dma_start3A_783, %dma_start3A_784] : memref<4x80x128xf32, #tpu.memory_space<vmem>> -> memref<1x80x128xf32, #tpu.memory_space<vmem>>
    %dma_start3A_786 = tpu.memref_squeeze %dma_start3A_785 : memref<1x80x128xf32, #tpu.memory_space<vmem>> -> memref<80x128xf32, #tpu.memory_space<vmem>>
    tpu.enqueue_dma source(%dma_start3A_786 : memref<80x128xf32, #tpu.memory_space<vmem>>) target(%dma_start3A_782 : memref<80x128xf32, #tpu.memory_space<hbm>>) target_semaphore(%dma_start3A_780 : memref<!tpu.dma_semaphore, #tpu.memory_space<semaphore_mem>>)
    %add3A_787 = arith.constant 160 : i32
    %add3A_788 = arith.addi %mul3A_2, %add3A_787 : i32
    %dma_wait3A_789 = arith.constant 22 : i32
    %dma_wait3A_790 = arith.constant 2 : i32
    %dma_wait3A_791 = arith.constant 2 : i32
    %dma_wait3A_792 = arith.constant 0 : i32
    %dma_wait3A_793 = arith.constant 0 : i32
    %dma_wait3A_794 = tpu.memref_slice %arg6[%dma_wait3A_790, %dma_wait3A_792, %dma_wait3A_793] : memref<4x80x128xf32, #tpu.memory_space<vmem>> -> memref<1x80x128xf32, #tpu.memory_space<vmem>>
    %dma_wait3A_795 = tpu.memref_squeeze %dma_wait3A_794 : memref<1x80x128xf32, #tpu.memory_space<vmem>> -> memref<80x128xf32, #tpu.memory_space<vmem>>
    %dma_wait3A_796 = arith.constant 0 : i32
    %dma_wait3A_797 = tpu.memref_slice %arg5[%dma_wait3A_789, %dma_wait3A_796] : memref<44x80xi32, #tpu.memory_space<vmem>> -> memref<1x80xi32, #tpu.memory_space<vmem>>
    %dma_wait3A_798 = tpu.memref_squeeze %dma_wait3A_797 : memref<1x80xi32, #tpu.memory_space<vmem>> -> memref<80xi32, #tpu.memory_space<vmem>>
    %dma_wait3A_799 = arith.constant 0 : i32
    %dma_wait3A_800 = arith.constant 0 : i32
    %dma_wait3A_801 = tpu.memref_slice %arg3[%dma_wait3A_799, %dma_wait3A_800] : memref<100000x128xf32, #tpu.memory_space<hbm>> -> memref<100000x128xf32, #tpu.memory_space<hbm>>
    %dma_wait3A_802 = tpu.memref_slice %arg9[%dma_wait3A_791] : memref<4x!tpu.dma_semaphore, #tpu.memory_space<semaphore_mem>> -> memref<1x!tpu.dma_semaphore, #tpu.memory_space<semaphore_mem>>
    %dma_wait3A_803 = tpu.memref_squeeze %dma_wait3A_802 : memref<1x!tpu.dma_semaphore, #tpu.memory_space<semaphore_mem>> -> memref<!tpu.dma_semaphore, #tpu.memory_space<semaphore_mem>>
    tpu.wait_indirect_dma semaphore(%dma_wait3A_803 : memref<!tpu.dma_semaphore, #tpu.memory_space<semaphore_mem>>) src(%dma_wait3A_801 : memref<100000x128xf32, #tpu.memory_space<hbm>>) dst(%dma_wait3A_795 : memref<80x128xf32, #tpu.memory_space<vmem>>)
    %dma_start3A_804 = arith.constant 2 : i32
    %dma_start3A_805 = arith.constant 2 : i32
    %dma_start3A_806 = arith.constant 0 : i32
    %dma_start3A_807 = arith.constant 0 : i32
    %dma_start3A_808 = tpu.memref_slice %arg6[%dma_start3A_804, %dma_start3A_806, %dma_start3A_807] : memref<4x80x128xf32, #tpu.memory_space<vmem>> -> memref<1x80x128xf32, #tpu.memory_space<vmem>>
    %dma_start3A_809 = tpu.memref_squeeze %dma_start3A_808 : memref<1x80x128xf32, #tpu.memory_space<vmem>> -> memref<80x128xf32, #tpu.memory_space<vmem>>
    %dma_start3A_810 = arith.constant 0 : i32
    %dma_start3A_811 = tpu.memref_slice %arg4[%add3A_788, %dma_start3A_810] : memref<10240x256xf32, #tpu.memory_space<hbm>> -> memref<80x128xf32, #tpu.memory_space<hbm>>
    %dma_start3A_812 = tpu.memref_slice %arg11[%dma_start3A_805] : memref<4x!tpu.dma_semaphore, #tpu.memory_space<semaphore_mem>> -> memref<1x!tpu.dma_semaphore, #tpu.memory_space<semaphore_mem>>
    %dma_start3A_813 = tpu.memref_squeeze %dma_start3A_812 : memref<1x!tpu.dma_semaphore, #tpu.memory_space<semaphore_mem>> -> memref<!tpu.dma_semaphore, #tpu.memory_space<semaphore_mem>>
    %dma_start3A_814 = arith.constant 0 : i32
    %dma_start3A_815 = tpu.memref_slice %arg4[%add3A_788, %dma_start3A_814] : memref<10240x256xf32, #tpu.memory_space<hbm>> -> memref<80x128xf32, #tpu.memory_space<hbm>>
    %dma_start3A_816 = arith.constant 0 : i32
    %dma_start3A_817 = arith.constant 0 : i32
    %dma_start3A_818 = tpu.memref_slice %arg6[%dma_start3A_804, %dma_start3A_816, %dma_start3A_817] : memref<4x80x128xf32, #tpu.memory_space<vmem>> -> memref<1x80x128xf32, #tpu.memory_space<vmem>>
    %dma_start3A_819 = tpu.memref_squeeze %dma_start3A_818 : memref<1x80x128xf32, #tpu.memory_space<vmem>> -> memref<80x128xf32, #tpu.memory_space<vmem>>
    tpu.enqueue_dma source(%dma_start3A_819 : memref<80x128xf32, #tpu.memory_space<vmem>>) target(%dma_start3A_815 : memref<80x128xf32, #tpu.memory_space<hbm>>) target_semaphore(%dma_start3A_813 : memref<!tpu.dma_semaphore, #tpu.memory_space<semaphore_mem>>)
    %add3A_820 = arith.constant 240 : i32
    %add3A_821 = arith.addi %mul3A_2, %add3A_820 : i32
    %dma_wait3A_822 = arith.constant 33 : i32
    %dma_wait3A_823 = arith.constant 3 : i32
    %dma_wait3A_824 = arith.constant 3 : i32
    %dma_wait3A_825 = arith.constant 0 : i32
    %dma_wait3A_826 = arith.constant 0 : i32
    %dma_wait3A_827 = tpu.memref_slice %arg6[%dma_wait3A_823, %dma_wait3A_825, %dma_wait3A_826] : memref<4x80x128xf32, #tpu.memory_space<vmem>> -> memref<1x80x128xf32, #tpu.memory_space<vmem>>
    %dma_wait3A_828 = tpu.memref_squeeze %dma_wait3A_827 : memref<1x80x128xf32, #tpu.memory_space<vmem>> -> memref<80x128xf32, #tpu.memory_space<vmem>>
    %dma_wait3A_829 = arith.constant 0 : i32
    %dma_wait3A_830 = tpu.memref_slice %arg5[%dma_wait3A_822, %dma_wait3A_829] : memref<44x80xi32, #tpu.memory_space<vmem>> -> memref<1x80xi32, #tpu.memory_space<vmem>>
    %dma_wait3A_831 = tpu.memref_squeeze %dma_wait3A_830 : memref<1x80xi32, #tpu.memory_space<vmem>> -> memref<80xi32, #tpu.memory_space<vmem>>
    %dma_wait3A_832 = arith.constant 0 : i32
    %dma_wait3A_833 = arith.constant 0 : i32
    %dma_wait3A_834 = tpu.memref_slice %arg3[%dma_wait3A_832, %dma_wait3A_833] : memref<100000x128xf32, #tpu.memory_space<hbm>> -> memref<100000x128xf32, #tpu.memory_space<hbm>>
    %dma_wait3A_835 = tpu.memref_slice %arg9[%dma_wait3A_824] : memref<4x!tpu.dma_semaphore, #tpu.memory_space<semaphore_mem>> -> memref<1x!tpu.dma_semaphore, #tpu.memory_space<semaphore_mem>>
    %dma_wait3A_836 = tpu.memref_squeeze %dma_wait3A_835 : memref<1x!tpu.dma_semaphore, #tpu.memory_space<semaphore_mem>> -> memref<!tpu.dma_semaphore, #tpu.memory_space<semaphore_mem>>
    tpu.wait_indirect_dma semaphore(%dma_wait3A_836 : memref<!tpu.dma_semaphore, #tpu.memory_space<semaphore_mem>>) src(%dma_wait3A_834 : memref<100000x128xf32, #tpu.memory_space<hbm>>) dst(%dma_wait3A_828 : memref<80x128xf32, #tpu.memory_space<vmem>>)
    %dma_start3A_837 = arith.constant 3 : i32
    %dma_start3A_838 = arith.constant 3 : i32
    %dma_start3A_839 = arith.constant 0 : i32
    %dma_start3A_840 = arith.constant 0 : i32
    %dma_start3A_841 = tpu.memref_slice %arg6[%dma_start3A_837, %dma_start3A_839, %dma_start3A_840] : memref<4x80x128xf32, #tpu.memory_space<vmem>> -> memref<1x80x128xf32, #tpu.memory_space<vmem>>
    %dma_start3A_842 = tpu.memref_squeeze %dma_start3A_841 : memref<1x80x128xf32, #tpu.memory_space<vmem>> -> memref<80x128xf32, #tpu.memory_space<vmem>>
    %dma_start3A_843 = arith.constant 0 : i32
    %dma_start3A_844 = tpu.memref_slice %arg4[%add3A_821, %dma_start3A_843] : memref<10240x256xf32, #tpu.memory_space<hbm>> -> memref<80x128xf32, #tpu.memory_space<hbm>>
    %dma_start3A_845 = tpu.memref_slice %arg11[%dma_start3A_838] : memref<4x!tpu.dma_semaphore, #tpu.memory_space<semaphore_mem>> -> memref<1x!tpu.dma_semaphore, #tpu.memory_space<semaphore_mem>>
    %dma_start3A_846 = tpu.memref_squeeze %dma_start3A_845 : memref<1x!tpu.dma_semaphore, #tpu.memory_space<semaphore_mem>> -> memref<!tpu.dma_semaphore, #tpu.memory_space<semaphore_mem>>
    %dma_start3A_847 = arith.constant 0 : i32
    %dma_start3A_848 = tpu.memref_slice %arg4[%add3A_821, %dma_start3A_847] : memref<10240x256xf32, #tpu.memory_space<hbm>> -> memref<80x128xf32, #tpu.memory_space<hbm>>
    %dma_start3A_849 = arith.constant 0 : i32
    %dma_start3A_850 = arith.constant 0 : i32
    %dma_start3A_851 = tpu.memref_slice %arg6[%dma_start3A_837, %dma_start3A_849, %dma_start3A_850] : memref<4x80x128xf32, #tpu.memory_space<vmem>> -> memref<1x80x128xf32, #tpu.memory_space<vmem>>
    %dma_start3A_852 = tpu.memref_squeeze %dma_start3A_851 : memref<1x80x128xf32, #tpu.memory_space<vmem>> -> memref<80x128xf32, #tpu.memory_space<vmem>>
    tpu.enqueue_dma source(%dma_start3A_852 : memref<80x128xf32, #tpu.memory_space<vmem>>) target(%dma_start3A_848 : memref<80x128xf32, #tpu.memory_space<hbm>>) target_semaphore(%dma_start3A_846 : memref<!tpu.dma_semaphore, #tpu.memory_space<semaphore_mem>>)
    %dma_wait3A_853 = arith.constant 2 : i32
    %dma_wait3A_854 = arith.constant 0 : i32
    %dma_wait3A_855 = arith.constant 0 : i32
    %dma_wait3A_856 = arith.constant 0 : i32
    %dma_wait3A_857 = arith.constant 0 : i32
    %dma_wait3A_858 = tpu.memref_slice %arg7[%dma_wait3A_854, %dma_wait3A_856, %dma_wait3A_857] : memref<4x80x128xf32, #tpu.memory_space<vmem>> -> memref<1x80x128xf32, #tpu.memory_space<vmem>>
    %dma_wait3A_859 = tpu.memref_squeeze %dma_wait3A_858 : memref<1x80x128xf32, #tpu.memory_space<vmem>> -> memref<80x128xf32, #tpu.memory_space<vmem>>
    %dma_wait3A_860 = arith.constant 0 : i32
    %dma_wait3A_861 = tpu.memref_slice %arg5[%dma_wait3A_853, %dma_wait3A_860] : memref<44x80xi32, #tpu.memory_space<vmem>> -> memref<1x80xi32, #tpu.memory_space<vmem>>
    %dma_wait3A_862 = tpu.memref_squeeze %dma_wait3A_861 : memref<1x80xi32, #tpu.memory_space<vmem>> -> memref<80xi32, #tpu.memory_space<vmem>>
    %dma_wait3A_863 = arith.constant 0 : i32
    %dma_wait3A_864 = arith.constant 0 : i32
    %dma_wait3A_865 = tpu.memref_slice %arg3[%dma_wait3A_863, %dma_wait3A_864] : memref<100000x128xf32, #tpu.memory_space<hbm>> -> memref<100000x128xf32, #tpu.memory_space<hbm>>
    %dma_wait3A_866 = tpu.memref_slice %arg10[%dma_wait3A_855] : memref<4x!tpu.dma_semaphore, #tpu.memory_space<semaphore_mem>> -> memref<1x!tpu.dma_semaphore, #tpu.memory_space<semaphore_mem>>
    %dma_wait3A_867 = tpu.memref_squeeze %dma_wait3A_866 : memref<1x!tpu.dma_semaphore, #tpu.memory_space<semaphore_mem>> -> memref<!tpu.dma_semaphore, #tpu.memory_space<semaphore_mem>>
    tpu.wait_indirect_dma semaphore(%dma_wait3A_867 : memref<!tpu.dma_semaphore, #tpu.memory_space<semaphore_mem>>) src(%dma_wait3A_865 : memref<100000x128xf32, #tpu.memory_space<hbm>>) dst(%dma_wait3A_859 : memref<80x128xf32, #tpu.memory_space<vmem>>)
    %dma_wait3A_868 = arith.constant 3 : i32
    %dma_wait3A_869 = arith.constant 0 : i32
    %dma_wait3A_870 = arith.constant 0 : i32
    %dma_wait3A_871 = arith.constant 0 : i32
    %dma_wait3A_872 = arith.constant 0 : i32
    %dma_wait3A_873 = tpu.memref_slice %arg7[%dma_wait3A_869, %dma_wait3A_871, %dma_wait3A_872] : memref<4x80x128xf32, #tpu.memory_space<vmem>> -> memref<1x80x128xf32, #tpu.memory_space<vmem>>
    %dma_wait3A_874 = tpu.memref_squeeze %dma_wait3A_873 : memref<1x80x128xf32, #tpu.memory_space<vmem>> -> memref<80x128xf32, #tpu.memory_space<vmem>>
    %dma_wait3A_875 = arith.constant 0 : i32
    %dma_wait3A_876 = tpu.memref_slice %arg5[%dma_wait3A_868, %dma_wait3A_875] : memref<44x80xi32, #tpu.memory_space<vmem>> -> memref<1x80xi32, #tpu.memory_space<vmem>>
    %dma_wait3A_877 = tpu.memref_squeeze %dma_wait3A_876 : memref<1x80xi32, #tpu.memory_space<vmem>> -> memref<80xi32, #tpu.memory_space<vmem>>
    %dma_wait3A_878 = arith.constant 0 : i32
    %dma_wait3A_879 = arith.constant 0 : i32
    %dma_wait3A_880 = tpu.memref_slice %arg3[%dma_wait3A_878, %dma_wait3A_879] : memref<100000x128xf32, #tpu.memory_space<hbm>> -> memref<100000x128xf32, #tpu.memory_space<hbm>>
    %dma_wait3A_881 = tpu.memref_slice %arg10[%dma_wait3A_870] : memref<4x!tpu.dma_semaphore, #tpu.memory_space<semaphore_mem>> -> memref<1x!tpu.dma_semaphore, #tpu.memory_space<semaphore_mem>>
    %dma_wait3A_882 = tpu.memref_squeeze %dma_wait3A_881 : memref<1x!tpu.dma_semaphore, #tpu.memory_space<semaphore_mem>> -> memref<!tpu.dma_semaphore, #tpu.memory_space<semaphore_mem>>
    tpu.wait_indirect_dma semaphore(%dma_wait3A_882 : memref<!tpu.dma_semaphore, #tpu.memory_space<semaphore_mem>>) src(%dma_wait3A_880 : memref<100000x128xf32, #tpu.memory_space<hbm>>) dst(%dma_wait3A_874 : memref<80x128xf32, #tpu.memory_space<vmem>>)
    %dma_wait3A_883 = arith.constant 4 : i32
    %dma_wait3A_884 = arith.constant 0 : i32
    %dma_wait3A_885 = arith.constant 0 : i32
    %dma_wait3A_886 = arith.constant 0 : i32
    %dma_wait3A_887 = arith.constant 0 : i32
    %dma_wait3A_888 = tpu.memref_slice %arg7[%dma_wait3A_884, %dma_wait3A_886, %dma_wait3A_887] : memref<4x80x128xf32, #tpu.memory_space<vmem>> -> memref<1x80x128xf32, #tpu.memory_space<vmem>>
    %dma_wait3A_889 = tpu.memref_squeeze %dma_wait3A_888 : memref<1x80x128xf32, #tpu.memory_space<vmem>> -> memref<80x128xf32, #tpu.memory_space<vmem>>
    %dma_wait3A_890 = arith.constant 0 : i32
    %dma_wait3A_891 = tpu.memref_slice %arg5[%dma_wait3A_883, %dma_wait3A_890] : memref<44x80xi32, #tpu.memory_space<vmem>> -> memref<1x80xi32, #tpu.memory_space<vmem>>
    %dma_wait3A_892 = tpu.memref_squeeze %dma_wait3A_891 : memref<1x80xi32, #tpu.memory_space<vmem>> -> memref<80xi32, #tpu.memory_space<vmem>>
    %dma_wait3A_893 = arith.constant 0 : i32
    %dma_wait3A_894 = arith.constant 0 : i32
    %dma_wait3A_895 = tpu.memref_slice %arg3[%dma_wait3A_893, %dma_wait3A_894] : memref<100000x128xf32, #tpu.memory_space<hbm>> -> memref<100000x128xf32, #tpu.memory_space<hbm>>
    %dma_wait3A_896 = tpu.memref_slice %arg10[%dma_wait3A_885] : memref<4x!tpu.dma_semaphore, #tpu.memory_space<semaphore_mem>> -> memref<1x!tpu.dma_semaphore, #tpu.memory_space<semaphore_mem>>
    %dma_wait3A_897 = tpu.memref_squeeze %dma_wait3A_896 : memref<1x!tpu.dma_semaphore, #tpu.memory_space<semaphore_mem>> -> memref<!tpu.dma_semaphore, #tpu.memory_space<semaphore_mem>>
    tpu.wait_indirect_dma semaphore(%dma_wait3A_897 : memref<!tpu.dma_semaphore, #tpu.memory_space<semaphore_mem>>) src(%dma_wait3A_895 : memref<100000x128xf32, #tpu.memory_space<hbm>>) dst(%dma_wait3A_889 : memref<80x128xf32, #tpu.memory_space<vmem>>)
    %dma_wait3A_898 = arith.constant 5 : i32
    %dma_wait3A_899 = arith.constant 0 : i32
    %dma_wait3A_900 = arith.constant 0 : i32
    %dma_wait3A_901 = arith.constant 0 : i32
    %dma_wait3A_902 = arith.constant 0 : i32
    %dma_wait3A_903 = tpu.memref_slice %arg7[%dma_wait3A_899, %dma_wait3A_901, %dma_wait3A_902] : memref<4x80x128xf32, #tpu.memory_space<vmem>> -> memref<1x80x128xf32, #tpu.memory_space<vmem>>
    %dma_wait3A_904 = tpu.memref_squeeze %dma_wait3A_903 : memref<1x80x128xf32, #tpu.memory_space<vmem>> -> memref<80x128xf32, #tpu.memory_space<vmem>>
    %dma_wait3A_905 = arith.constant 0 : i32
    %dma_wait3A_906 = tpu.memref_slice %arg5[%dma_wait3A_898, %dma_wait3A_905] : memref<44x80xi32, #tpu.memory_space<vmem>> -> memref<1x80xi32, #tpu.memory_space<vmem>>
    %dma_wait3A_907 = tpu.memref_squeeze %dma_wait3A_906 : memref<1x80xi32, #tpu.memory_space<vmem>> -> memref<80xi32, #tpu.memory_space<vmem>>
    %dma_wait3A_908 = arith.constant 0 : i32
    %dma_wait3A_909 = arith.constant 0 : i32
    %dma_wait3A_910 = tpu.memref_slice %arg3[%dma_wait3A_908, %dma_wait3A_909] : memref<100000x128xf32, #tpu.memory_space<hbm>> -> memref<100000x128xf32, #tpu.memory_space<hbm>>
    %dma_wait3A_911 = tpu.memref_slice %arg10[%dma_wait3A_900] : memref<4x!tpu.dma_semaphore, #tpu.memory_space<semaphore_mem>> -> memref<1x!tpu.dma_semaphore, #tpu.memory_space<semaphore_mem>>
    %dma_wait3A_912 = tpu.memref_squeeze %dma_wait3A_911 : memref<1x!tpu.dma_semaphore, #tpu.memory_space<semaphore_mem>> -> memref<!tpu.dma_semaphore, #tpu.memory_space<semaphore_mem>>
    tpu.wait_indirect_dma semaphore(%dma_wait3A_912 : memref<!tpu.dma_semaphore, #tpu.memory_space<semaphore_mem>>) src(%dma_wait3A_910 : memref<100000x128xf32, #tpu.memory_space<hbm>>) dst(%dma_wait3A_904 : memref<80x128xf32, #tpu.memory_space<vmem>>)
    %dma_wait3A_913 = arith.constant 6 : i32
    %dma_wait3A_914 = arith.constant 0 : i32
    %dma_wait3A_915 = arith.constant 0 : i32
    %dma_wait3A_916 = arith.constant 0 : i32
    %dma_wait3A_917 = arith.constant 0 : i32
    %dma_wait3A_918 = tpu.memref_slice %arg7[%dma_wait3A_914, %dma_wait3A_916, %dma_wait3A_917] : memref<4x80x128xf32, #tpu.memory_space<vmem>> -> memref<1x80x128xf32, #tpu.memory_space<vmem>>
    %dma_wait3A_919 = tpu.memref_squeeze %dma_wait3A_918 : memref<1x80x128xf32, #tpu.memory_space<vmem>> -> memref<80x128xf32, #tpu.memory_space<vmem>>
    %dma_wait3A_920 = arith.constant 0 : i32
    %dma_wait3A_921 = tpu.memref_slice %arg5[%dma_wait3A_913, %dma_wait3A_920] : memref<44x80xi32, #tpu.memory_space<vmem>> -> memref<1x80xi32, #tpu.memory_space<vmem>>
    %dma_wait3A_922 = tpu.memref_squeeze %dma_wait3A_921 : memref<1x80xi32, #tpu.memory_space<vmem>> -> memref<80xi32, #tpu.memory_space<vmem>>
    %dma_wait3A_923 = arith.constant 0 : i32
    %dma_wait3A_924 = arith.constant 0 : i32
    %dma_wait3A_925 = tpu.memref_slice %arg3[%dma_wait3A_923, %dma_wait3A_924] : memref<100000x128xf32, #tpu.memory_space<hbm>> -> memref<100000x128xf32, #tpu.memory_space<hbm>>
    %dma_wait3A_926 = tpu.memref_slice %arg10[%dma_wait3A_915] : memref<4x!tpu.dma_semaphore, #tpu.memory_space<semaphore_mem>> -> memref<1x!tpu.dma_semaphore, #tpu.memory_space<semaphore_mem>>
    %dma_wait3A_927 = tpu.memref_squeeze %dma_wait3A_926 : memref<1x!tpu.dma_semaphore, #tpu.memory_space<semaphore_mem>> -> memref<!tpu.dma_semaphore, #tpu.memory_space<semaphore_mem>>
    tpu.wait_indirect_dma semaphore(%dma_wait3A_927 : memref<!tpu.dma_semaphore, #tpu.memory_space<semaphore_mem>>) src(%dma_wait3A_925 : memref<100000x128xf32, #tpu.memory_space<hbm>>) dst(%dma_wait3A_919 : memref<80x128xf32, #tpu.memory_space<vmem>>)
    %dma_wait3A_928 = arith.constant 7 : i32
    %dma_wait3A_929 = arith.constant 0 : i32
    %dma_wait3A_930 = arith.constant 0 : i32
    %dma_wait3A_931 = arith.constant 0 : i32
    %dma_wait3A_932 = arith.constant 0 : i32
    %dma_wait3A_933 = tpu.memref_slice %arg7[%dma_wait3A_929, %dma_wait3A_931, %dma_wait3A_932] : memref<4x80x128xf32, #tpu.memory_space<vmem>> -> memref<1x80x128xf32, #tpu.memory_space<vmem>>
    %dma_wait3A_934 = tpu.memref_squeeze %dma_wait3A_933 : memref<1x80x128xf32, #tpu.memory_space<vmem>> -> memref<80x128xf32, #tpu.memory_space<vmem>>
    %dma_wait3A_935 = arith.constant 0 : i32
    %dma_wait3A_936 = tpu.memref_slice %arg5[%dma_wait3A_928, %dma_wait3A_935] : memref<44x80xi32, #tpu.memory_space<vmem>> -> memref<1x80xi32, #tpu.memory_space<vmem>>
    %dma_wait3A_937 = tpu.memref_squeeze %dma_wait3A_936 : memref<1x80xi32, #tpu.memory_space<vmem>> -> memref<80xi32, #tpu.memory_space<vmem>>
    %dma_wait3A_938 = arith.constant 0 : i32
    %dma_wait3A_939 = arith.constant 0 : i32
    %dma_wait3A_940 = tpu.memref_slice %arg3[%dma_wait3A_938, %dma_wait3A_939] : memref<100000x128xf32, #tpu.memory_space<hbm>> -> memref<100000x128xf32, #tpu.memory_space<hbm>>
    %dma_wait3A_941 = tpu.memref_slice %arg10[%dma_wait3A_930] : memref<4x!tpu.dma_semaphore, #tpu.memory_space<semaphore_mem>> -> memref<1x!tpu.dma_semaphore, #tpu.memory_space<semaphore_mem>>
    %dma_wait3A_942 = tpu.memref_squeeze %dma_wait3A_941 : memref<1x!tpu.dma_semaphore, #tpu.memory_space<semaphore_mem>> -> memref<!tpu.dma_semaphore, #tpu.memory_space<semaphore_mem>>
    tpu.wait_indirect_dma semaphore(%dma_wait3A_942 : memref<!tpu.dma_semaphore, #tpu.memory_space<semaphore_mem>>) src(%dma_wait3A_940 : memref<100000x128xf32, #tpu.memory_space<hbm>>) dst(%dma_wait3A_934 : memref<80x128xf32, #tpu.memory_space<vmem>>)
    %dma_wait3A_943 = arith.constant 8 : i32
    %dma_wait3A_944 = arith.constant 0 : i32
    %dma_wait3A_945 = arith.constant 0 : i32
    %dma_wait3A_946 = arith.constant 0 : i32
    %dma_wait3A_947 = arith.constant 0 : i32
    %dma_wait3A_948 = tpu.memref_slice %arg7[%dma_wait3A_944, %dma_wait3A_946, %dma_wait3A_947] : memref<4x80x128xf32, #tpu.memory_space<vmem>> -> memref<1x80x128xf32, #tpu.memory_space<vmem>>
    %dma_wait3A_949 = tpu.memref_squeeze %dma_wait3A_948 : memref<1x80x128xf32, #tpu.memory_space<vmem>> -> memref<80x128xf32, #tpu.memory_space<vmem>>
    %dma_wait3A_950 = arith.constant 0 : i32
    %dma_wait3A_951 = tpu.memref_slice %arg5[%dma_wait3A_943, %dma_wait3A_950] : memref<44x80xi32, #tpu.memory_space<vmem>> -> memref<1x80xi32, #tpu.memory_space<vmem>>
    %dma_wait3A_952 = tpu.memref_squeeze %dma_wait3A_951 : memref<1x80xi32, #tpu.memory_space<vmem>> -> memref<80xi32, #tpu.memory_space<vmem>>
    %dma_wait3A_953 = arith.constant 0 : i32
    %dma_wait3A_954 = arith.constant 0 : i32
    %dma_wait3A_955 = tpu.memref_slice %arg3[%dma_wait3A_953, %dma_wait3A_954] : memref<100000x128xf32, #tpu.memory_space<hbm>> -> memref<100000x128xf32, #tpu.memory_space<hbm>>
    %dma_wait3A_956 = tpu.memref_slice %arg10[%dma_wait3A_945] : memref<4x!tpu.dma_semaphore, #tpu.memory_space<semaphore_mem>> -> memref<1x!tpu.dma_semaphore, #tpu.memory_space<semaphore_mem>>
    %dma_wait3A_957 = tpu.memref_squeeze %dma_wait3A_956 : memref<1x!tpu.dma_semaphore, #tpu.memory_space<semaphore_mem>> -> memref<!tpu.dma_semaphore, #tpu.memory_space<semaphore_mem>>
    tpu.wait_indirect_dma semaphore(%dma_wait3A_957 : memref<!tpu.dma_semaphore, #tpu.memory_space<semaphore_mem>>) src(%dma_wait3A_955 : memref<100000x128xf32, #tpu.memory_space<hbm>>) dst(%dma_wait3A_949 : memref<80x128xf32, #tpu.memory_space<vmem>>)
    %dma_wait3A_958 = arith.constant 9 : i32
    %dma_wait3A_959 = arith.constant 0 : i32
    %dma_wait3A_960 = arith.constant 0 : i32
    %dma_wait3A_961 = arith.constant 0 : i32
    %dma_wait3A_962 = arith.constant 0 : i32
    %dma_wait3A_963 = tpu.memref_slice %arg7[%dma_wait3A_959, %dma_wait3A_961, %dma_wait3A_962] : memref<4x80x128xf32, #tpu.memory_space<vmem>> -> memref<1x80x128xf32, #tpu.memory_space<vmem>>
    %dma_wait3A_964 = tpu.memref_squeeze %dma_wait3A_963 : memref<1x80x128xf32, #tpu.memory_space<vmem>> -> memref<80x128xf32, #tpu.memory_space<vmem>>
    %dma_wait3A_965 = arith.constant 0 : i32
    %dma_wait3A_966 = tpu.memref_slice %arg5[%dma_wait3A_958, %dma_wait3A_965] : memref<44x80xi32, #tpu.memory_space<vmem>> -> memref<1x80xi32, #tpu.memory_space<vmem>>
    %dma_wait3A_967 = tpu.memref_squeeze %dma_wait3A_966 : memref<1x80xi32, #tpu.memory_space<vmem>> -> memref<80xi32, #tpu.memory_space<vmem>>
    %dma_wait3A_968 = arith.constant 0 : i32
    %dma_wait3A_969 = arith.constant 0 : i32
    %dma_wait3A_970 = tpu.memref_slice %arg3[%dma_wait3A_968, %dma_wait3A_969] : memref<100000x128xf32, #tpu.memory_space<hbm>> -> memref<100000x128xf32, #tpu.memory_space<hbm>>
    %dma_wait3A_971 = tpu.memref_slice %arg10[%dma_wait3A_960] : memref<4x!tpu.dma_semaphore, #tpu.memory_space<semaphore_mem>> -> memref<1x!tpu.dma_semaphore, #tpu.memory_space<semaphore_mem>>
    %dma_wait3A_972 = tpu.memref_squeeze %dma_wait3A_971 : memref<1x!tpu.dma_semaphore, #tpu.memory_space<semaphore_mem>> -> memref<!tpu.dma_semaphore, #tpu.memory_space<semaphore_mem>>
    tpu.wait_indirect_dma semaphore(%dma_wait3A_972 : memref<!tpu.dma_semaphore, #tpu.memory_space<semaphore_mem>>) src(%dma_wait3A_970 : memref<100000x128xf32, #tpu.memory_space<hbm>>) dst(%dma_wait3A_964 : memref<80x128xf32, #tpu.memory_space<vmem>>)
    %dma_wait3A_973 = arith.constant 10 : i32
    %dma_wait3A_974 = arith.constant 0 : i32
    %dma_wait3A_975 = arith.constant 0 : i32
    %dma_wait3A_976 = arith.constant 0 : i32
    %dma_wait3A_977 = arith.constant 0 : i32
    %dma_wait3A_978 = tpu.memref_slice %arg7[%dma_wait3A_974, %dma_wait3A_976, %dma_wait3A_977] : memref<4x80x128xf32, #tpu.memory_space<vmem>> -> memref<1x80x128xf32, #tpu.memory_space<vmem>>
    %dma_wait3A_979 = tpu.memref_squeeze %dma_wait3A_978 : memref<1x80x128xf32, #tpu.memory_space<vmem>> -> memref<80x128xf32, #tpu.memory_space<vmem>>
    %dma_wait3A_980 = arith.constant 0 : i32
    %dma_wait3A_981 = tpu.memref_slice %arg5[%dma_wait3A_973, %dma_wait3A_980] : memref<44x80xi32, #tpu.memory_space<vmem>> -> memref<1x80xi32, #tpu.memory_space<vmem>>
    %dma_wait3A_982 = tpu.memref_squeeze %dma_wait3A_981 : memref<1x80xi32, #tpu.memory_space<vmem>> -> memref<80xi32, #tpu.memory_space<vmem>>
    %dma_wait3A_983 = arith.constant 0 : i32
    %dma_wait3A_984 = arith.constant 0 : i32
    %dma_wait3A_985 = tpu.memref_slice %arg3[%dma_wait3A_983, %dma_wait3A_984] : memref<100000x128xf32, #tpu.memory_space<hbm>> -> memref<100000x128xf32, #tpu.memory_space<hbm>>
    %dma_wait3A_986 = tpu.memref_slice %arg10[%dma_wait3A_975] : memref<4x!tpu.dma_semaphore, #tpu.memory_space<semaphore_mem>> -> memref<1x!tpu.dma_semaphore, #tpu.memory_space<semaphore_mem>>
    %dma_wait3A_987 = tpu.memref_squeeze %dma_wait3A_986 : memref<1x!tpu.dma_semaphore, #tpu.memory_space<semaphore_mem>> -> memref<!tpu.dma_semaphore, #tpu.memory_space<semaphore_mem>>
    tpu.wait_indirect_dma semaphore(%dma_wait3A_987 : memref<!tpu.dma_semaphore, #tpu.memory_space<semaphore_mem>>) src(%dma_wait3A_985 : memref<100000x128xf32, #tpu.memory_space<hbm>>) dst(%dma_wait3A_979 : memref<80x128xf32, #tpu.memory_space<vmem>>)
    %add3A_988 = arith.constant 0 : i32
    %add3A_989 = arith.addi %mul3A_2, %add3A_988 : i32
    %dma_start3A_990 = arith.constant 0 : i32
    %dma_start3A_991 = arith.constant 0 : i32
    %dma_start3A_992 = arith.constant 0 : i32
    %dma_start3A_993 = arith.constant 0 : i32
    %dma_start3A_994 = tpu.memref_slice %arg7[%dma_start3A_990, %dma_start3A_992, %dma_start3A_993] : memref<4x80x128xf32, #tpu.memory_space<vmem>> -> memref<1x80x128xf32, #tpu.memory_space<vmem>>
    %dma_start3A_995 = tpu.memref_squeeze %dma_start3A_994 : memref<1x80x128xf32, #tpu.memory_space<vmem>> -> memref<80x128xf32, #tpu.memory_space<vmem>>
    %dma_start3A_996 = arith.constant 128 : i32
    %dma_start3A_997 = tpu.memref_slice %arg4[%add3A_989, %dma_start3A_996] : memref<10240x256xf32, #tpu.memory_space<hbm>> -> memref<80x128xf32, #tpu.memory_space<hbm>>
    %dma_start3A_998 = tpu.memref_slice %arg12[%dma_start3A_991] : memref<4x!tpu.dma_semaphore, #tpu.memory_space<semaphore_mem>> -> memref<1x!tpu.dma_semaphore, #tpu.memory_space<semaphore_mem>>
    %dma_start3A_999 = tpu.memref_squeeze %dma_start3A_998 : memref<1x!tpu.dma_semaphore, #tpu.memory_space<semaphore_mem>> -> memref<!tpu.dma_semaphore, #tpu.memory_space<semaphore_mem>>
    %dma_start3A_1000 = arith.constant 128 : i32
    %dma_start3A_1001 = tpu.memref_slice %arg4[%add3A_989, %dma_start3A_1000] : memref<10240x256xf32, #tpu.memory_space<hbm>> -> memref<80x128xf32, #tpu.memory_space<hbm>>
    %dma_start3A_1002 = arith.constant 0 : i32
    %dma_start3A_1003 = arith.constant 0 : i32
    %dma_start3A_1004 = tpu.memref_slice %arg7[%dma_start3A_990, %dma_start3A_1002, %dma_start3A_1003] : memref<4x80x128xf32, #tpu.memory_space<vmem>> -> memref<1x80x128xf32, #tpu.memory_space<vmem>>
    %dma_start3A_1005 = tpu.memref_squeeze %dma_start3A_1004 : memref<1x80x128xf32, #tpu.memory_space<vmem>> -> memref<80x128xf32, #tpu.memory_space<vmem>>
    tpu.enqueue_dma source(%dma_start3A_1005 : memref<80x128xf32, #tpu.memory_space<vmem>>) target(%dma_start3A_1001 : memref<80x128xf32, #tpu.memory_space<hbm>>) target_semaphore(%dma_start3A_999 : memref<!tpu.dma_semaphore, #tpu.memory_space<semaphore_mem>>)
    %dma_wait3A_1006 = arith.constant 13 : i32
    %dma_wait3A_1007 = arith.constant 1 : i32
    %dma_wait3A_1008 = arith.constant 1 : i32
    %dma_wait3A_1009 = arith.constant 0 : i32
    %dma_wait3A_1010 = arith.constant 0 : i32
    %dma_wait3A_1011 = tpu.memref_slice %arg7[%dma_wait3A_1007, %dma_wait3A_1009, %dma_wait3A_1010] : memref<4x80x128xf32, #tpu.memory_space<vmem>> -> memref<1x80x128xf32, #tpu.memory_space<vmem>>
    %dma_wait3A_1012 = tpu.memref_squeeze %dma_wait3A_1011 : memref<1x80x128xf32, #tpu.memory_space<vmem>> -> memref<80x128xf32, #tpu.memory_space<vmem>>
    %dma_wait3A_1013 = arith.constant 0 : i32
    %dma_wait3A_1014 = tpu.memref_slice %arg5[%dma_wait3A_1006, %dma_wait3A_1013] : memref<44x80xi32, #tpu.memory_space<vmem>> -> memref<1x80xi32, #tpu.memory_space<vmem>>
    %dma_wait3A_1015 = tpu.memref_squeeze %dma_wait3A_1014 : memref<1x80xi32, #tpu.memory_space<vmem>> -> memref<80xi32, #tpu.memory_space<vmem>>
    %dma_wait3A_1016 = arith.constant 0 : i32
    %dma_wait3A_1017 = arith.constant 0 : i32
    %dma_wait3A_1018 = tpu.memref_slice %arg3[%dma_wait3A_1016, %dma_wait3A_1017] : memref<100000x128xf32, #tpu.memory_space<hbm>> -> memref<100000x128xf32, #tpu.memory_space<hbm>>
    %dma_wait3A_1019 = tpu.memref_slice %arg10[%dma_wait3A_1008] : memref<4x!tpu.dma_semaphore, #tpu.memory_space<semaphore_mem>> -> memref<1x!tpu.dma_semaphore, #tpu.memory_space<semaphore_mem>>
    %dma_wait3A_1020 = tpu.memref_squeeze %dma_wait3A_1019 : memref<1x!tpu.dma_semaphore, #tpu.memory_space<semaphore_mem>> -> memref<!tpu.dma_semaphore, #tpu.memory_space<semaphore_mem>>
    tpu.wait_indirect_dma semaphore(%dma_wait3A_1020 : memref<!tpu.dma_semaphore, #tpu.memory_space<semaphore_mem>>) src(%dma_wait3A_1018 : memref<100000x128xf32, #tpu.memory_space<hbm>>) dst(%dma_wait3A_1012 : memref<80x128xf32, #tpu.memory_space<vmem>>)
    %dma_wait3A_1021 = arith.constant 14 : i32
    %dma_wait3A_1022 = arith.constant 1 : i32
    %dma_wait3A_1023 = arith.constant 1 : i32
    %dma_wait3A_1024 = arith.constant 0 : i32
    %dma_wait3A_1025 = arith.constant 0 : i32
    %dma_wait3A_1026 = tpu.memref_slice %arg7[%dma_wait3A_1022, %dma_wait3A_1024, %dma_wait3A_1025] : memref<4x80x128xf32, #tpu.memory_space<vmem>> -> memref<1x80x128xf32, #tpu.memory_space<vmem>>
    %dma_wait3A_1027 = tpu.memref_squeeze %dma_wait3A_1026 : memref<1x80x128xf32, #tpu.memory_space<vmem>> -> memref<80x128xf32, #tpu.memory_space<vmem>>
    %dma_wait3A_1028 = arith.constant 0 : i32
    %dma_wait3A_1029 = tpu.memref_slice %arg5[%dma_wait3A_1021, %dma_wait3A_1028] : memref<44x80xi32, #tpu.memory_space<vmem>> -> memref<1x80xi32, #tpu.memory_space<vmem>>
    %dma_wait3A_1030 = tpu.memref_squeeze %dma_wait3A_1029 : memref<1x80xi32, #tpu.memory_space<vmem>> -> memref<80xi32, #tpu.memory_space<vmem>>
    %dma_wait3A_1031 = arith.constant 0 : i32
    %dma_wait3A_1032 = arith.constant 0 : i32
    %dma_wait3A_1033 = tpu.memref_slice %arg3[%dma_wait3A_1031, %dma_wait3A_1032] : memref<100000x128xf32, #tpu.memory_space<hbm>> -> memref<100000x128xf32, #tpu.memory_space<hbm>>
    %dma_wait3A_1034 = tpu.memref_slice %arg10[%dma_wait3A_1023] : memref<4x!tpu.dma_semaphore, #tpu.memory_space<semaphore_mem>> -> memref<1x!tpu.dma_semaphore, #tpu.memory_space<semaphore_mem>>
    %dma_wait3A_1035 = tpu.memref_squeeze %dma_wait3A_1034 : memref<1x!tpu.dma_semaphore, #tpu.memory_space<semaphore_mem>> -> memref<!tpu.dma_semaphore, #tpu.memory_space<semaphore_mem>>
    tpu.wait_indirect_dma semaphore(%dma_wait3A_1035 : memref<!tpu.dma_semaphore, #tpu.memory_space<semaphore_mem>>) src(%dma_wait3A_1033 : memref<100000x128xf32, #tpu.memory_space<hbm>>) dst(%dma_wait3A_1027 : memref<80x128xf32, #tpu.memory_space<vmem>>)
    %dma_wait3A_1036 = arith.constant 15 : i32
    %dma_wait3A_1037 = arith.constant 1 : i32
    %dma_wait3A_1038 = arith.constant 1 : i32
    %dma_wait3A_1039 = arith.constant 0 : i32
    %dma_wait3A_1040 = arith.constant 0 : i32
    %dma_wait3A_1041 = tpu.memref_slice %arg7[%dma_wait3A_1037, %dma_wait3A_1039, %dma_wait3A_1040] : memref<4x80x128xf32, #tpu.memory_space<vmem>> -> memref<1x80x128xf32, #tpu.memory_space<vmem>>
    %dma_wait3A_1042 = tpu.memref_squeeze %dma_wait3A_1041 : memref<1x80x128xf32, #tpu.memory_space<vmem>> -> memref<80x128xf32, #tpu.memory_space<vmem>>
    %dma_wait3A_1043 = arith.constant 0 : i32
    %dma_wait3A_1044 = tpu.memref_slice %arg5[%dma_wait3A_1036, %dma_wait3A_1043] : memref<44x80xi32, #tpu.memory_space<vmem>> -> memref<1x80xi32, #tpu.memory_space<vmem>>
    %dma_wait3A_1045 = tpu.memref_squeeze %dma_wait3A_1044 : memref<1x80xi32, #tpu.memory_space<vmem>> -> memref<80xi32, #tpu.memory_space<vmem>>
    %dma_wait3A_1046 = arith.constant 0 : i32
    %dma_wait3A_1047 = arith.constant 0 : i32
    %dma_wait3A_1048 = tpu.memref_slice %arg3[%dma_wait3A_1046, %dma_wait3A_1047] : memref<100000x128xf32, #tpu.memory_space<hbm>> -> memref<100000x128xf32, #tpu.memory_space<hbm>>
    %dma_wait3A_1049 = tpu.memref_slice %arg10[%dma_wait3A_1038] : memref<4x!tpu.dma_semaphore, #tpu.memory_space<semaphore_mem>> -> memref<1x!tpu.dma_semaphore, #tpu.memory_space<semaphore_mem>>
    %dma_wait3A_1050 = tpu.memref_squeeze %dma_wait3A_1049 : memref<1x!tpu.dma_semaphore, #tpu.memory_space<semaphore_mem>> -> memref<!tpu.dma_semaphore, #tpu.memory_space<semaphore_mem>>
    tpu.wait_indirect_dma semaphore(%dma_wait3A_1050 : memref<!tpu.dma_semaphore, #tpu.memory_space<semaphore_mem>>) src(%dma_wait3A_1048 : memref<100000x128xf32, #tpu.memory_space<hbm>>) dst(%dma_wait3A_1042 : memref<80x128xf32, #tpu.memory_space<vmem>>)
    %dma_wait3A_1051 = arith.constant 16 : i32
    %dma_wait3A_1052 = arith.constant 1 : i32
    %dma_wait3A_1053 = arith.constant 1 : i32
    %dma_wait3A_1054 = arith.constant 0 : i32
    %dma_wait3A_1055 = arith.constant 0 : i32
    %dma_wait3A_1056 = tpu.memref_slice %arg7[%dma_wait3A_1052, %dma_wait3A_1054, %dma_wait3A_1055] : memref<4x80x128xf32, #tpu.memory_space<vmem>> -> memref<1x80x128xf32, #tpu.memory_space<vmem>>
    %dma_wait3A_1057 = tpu.memref_squeeze %dma_wait3A_1056 : memref<1x80x128xf32, #tpu.memory_space<vmem>> -> memref<80x128xf32, #tpu.memory_space<vmem>>
    %dma_wait3A_1058 = arith.constant 0 : i32
    %dma_wait3A_1059 = tpu.memref_slice %arg5[%dma_wait3A_1051, %dma_wait3A_1058] : memref<44x80xi32, #tpu.memory_space<vmem>> -> memref<1x80xi32, #tpu.memory_space<vmem>>
    %dma_wait3A_1060 = tpu.memref_squeeze %dma_wait3A_1059 : memref<1x80xi32, #tpu.memory_space<vmem>> -> memref<80xi32, #tpu.memory_space<vmem>>
    %dma_wait3A_1061 = arith.constant 0 : i32
    %dma_wait3A_1062 = arith.constant 0 : i32
    %dma_wait3A_1063 = tpu.memref_slice %arg3[%dma_wait3A_1061, %dma_wait3A_1062] : memref<100000x128xf32, #tpu.memory_space<hbm>> -> memref<100000x128xf32, #tpu.memory_space<hbm>>
    %dma_wait3A_1064 = tpu.memref_slice %arg10[%dma_wait3A_1053] : memref<4x!tpu.dma_semaphore, #tpu.memory_space<semaphore_mem>> -> memref<1x!tpu.dma_semaphore, #tpu.memory_space<semaphore_mem>>
    %dma_wait3A_1065 = tpu.memref_squeeze %dma_wait3A_1064 : memref<1x!tpu.dma_semaphore, #tpu.memory_space<semaphore_mem>> -> memref<!tpu.dma_semaphore, #tpu.memory_space<semaphore_mem>>
    tpu.wait_indirect_dma semaphore(%dma_wait3A_1065 : memref<!tpu.dma_semaphore, #tpu.memory_space<semaphore_mem>>) src(%dma_wait3A_1063 : memref<100000x128xf32, #tpu.memory_space<hbm>>) dst(%dma_wait3A_1057 : memref<80x128xf32, #tpu.memory_space<vmem>>)
    %dma_wait3A_1066 = arith.constant 17 : i32
    %dma_wait3A_1067 = arith.constant 1 : i32
    %dma_wait3A_1068 = arith.constant 1 : i32
    %dma_wait3A_1069 = arith.constant 0 : i32
    %dma_wait3A_1070 = arith.constant 0 : i32
    %dma_wait3A_1071 = tpu.memref_slice %arg7[%dma_wait3A_1067, %dma_wait3A_1069, %dma_wait3A_1070] : memref<4x80x128xf32, #tpu.memory_space<vmem>> -> memref<1x80x128xf32, #tpu.memory_space<vmem>>
    %dma_wait3A_1072 = tpu.memref_squeeze %dma_wait3A_1071 : memref<1x80x128xf32, #tpu.memory_space<vmem>> -> memref<80x128xf32, #tpu.memory_space<vmem>>
    %dma_wait3A_1073 = arith.constant 0 : i32
    %dma_wait3A_1074 = tpu.memref_slice %arg5[%dma_wait3A_1066, %dma_wait3A_1073] : memref<44x80xi32, #tpu.memory_space<vmem>> -> memref<1x80xi32, #tpu.memory_space<vmem>>
    %dma_wait3A_1075 = tpu.memref_squeeze %dma_wait3A_1074 : memref<1x80xi32, #tpu.memory_space<vmem>> -> memref<80xi32, #tpu.memory_space<vmem>>
    %dma_wait3A_1076 = arith.constant 0 : i32
    %dma_wait3A_1077 = arith.constant 0 : i32
    %dma_wait3A_1078 = tpu.memref_slice %arg3[%dma_wait3A_1076, %dma_wait3A_1077] : memref<100000x128xf32, #tpu.memory_space<hbm>> -> memref<100000x128xf32, #tpu.memory_space<hbm>>
    %dma_wait3A_1079 = tpu.memref_slice %arg10[%dma_wait3A_1068] : memref<4x!tpu.dma_semaphore, #tpu.memory_space<semaphore_mem>> -> memref<1x!tpu.dma_semaphore, #tpu.memory_space<semaphore_mem>>
    %dma_wait3A_1080 = tpu.memref_squeeze %dma_wait3A_1079 : memref<1x!tpu.dma_semaphore, #tpu.memory_space<semaphore_mem>> -> memref<!tpu.dma_semaphore, #tpu.memory_space<semaphore_mem>>
    tpu.wait_indirect_dma semaphore(%dma_wait3A_1080 : memref<!tpu.dma_semaphore, #tpu.memory_space<semaphore_mem>>) src(%dma_wait3A_1078 : memref<100000x128xf32, #tpu.memory_space<hbm>>) dst(%dma_wait3A_1072 : memref<80x128xf32, #tpu.memory_space<vmem>>)
    %dma_wait3A_1081 = arith.constant 18 : i32
    %dma_wait3A_1082 = arith.constant 1 : i32
    %dma_wait3A_1083 = arith.constant 1 : i32
    %dma_wait3A_1084 = arith.constant 0 : i32
    %dma_wait3A_1085 = arith.constant 0 : i32
    %dma_wait3A_1086 = tpu.memref_slice %arg7[%dma_wait3A_1082, %dma_wait3A_1084, %dma_wait3A_1085] : memref<4x80x128xf32, #tpu.memory_space<vmem>> -> memref<1x80x128xf32, #tpu.memory_space<vmem>>
    %dma_wait3A_1087 = tpu.memref_squeeze %dma_wait3A_1086 : memref<1x80x128xf32, #tpu.memory_space<vmem>> -> memref<80x128xf32, #tpu.memory_space<vmem>>
    %dma_wait3A_1088 = arith.constant 0 : i32
    %dma_wait3A_1089 = tpu.memref_slice %arg5[%dma_wait3A_1081, %dma_wait3A_1088] : memref<44x80xi32, #tpu.memory_space<vmem>> -> memref<1x80xi32, #tpu.memory_space<vmem>>
    %dma_wait3A_1090 = tpu.memref_squeeze %dma_wait3A_1089 : memref<1x80xi32, #tpu.memory_space<vmem>> -> memref<80xi32, #tpu.memory_space<vmem>>
    %dma_wait3A_1091 = arith.constant 0 : i32
    %dma_wait3A_1092 = arith.constant 0 : i32
    %dma_wait3A_1093 = tpu.memref_slice %arg3[%dma_wait3A_1091, %dma_wait3A_1092] : memref<100000x128xf32, #tpu.memory_space<hbm>> -> memref<100000x128xf32, #tpu.memory_space<hbm>>
    %dma_wait3A_1094 = tpu.memref_slice %arg10[%dma_wait3A_1083] : memref<4x!tpu.dma_semaphore, #tpu.memory_space<semaphore_mem>> -> memref<1x!tpu.dma_semaphore, #tpu.memory_space<semaphore_mem>>
    %dma_wait3A_1095 = tpu.memref_squeeze %dma_wait3A_1094 : memref<1x!tpu.dma_semaphore, #tpu.memory_space<semaphore_mem>> -> memref<!tpu.dma_semaphore, #tpu.memory_space<semaphore_mem>>
    tpu.wait_indirect_dma semaphore(%dma_wait3A_1095 : memref<!tpu.dma_semaphore, #tpu.memory_space<semaphore_mem>>) src(%dma_wait3A_1093 : memref<100000x128xf32, #tpu.memory_space<hbm>>) dst(%dma_wait3A_1087 : memref<80x128xf32, #tpu.memory_space<vmem>>)
    %dma_wait3A_1096 = arith.constant 19 : i32
    %dma_wait3A_1097 = arith.constant 1 : i32
    %dma_wait3A_1098 = arith.constant 1 : i32
    %dma_wait3A_1099 = arith.constant 0 : i32
    %dma_wait3A_1100 = arith.constant 0 : i32
    %dma_wait3A_1101 = tpu.memref_slice %arg7[%dma_wait3A_1097, %dma_wait3A_1099, %dma_wait3A_1100] : memref<4x80x128xf32, #tpu.memory_space<vmem>> -> memref<1x80x128xf32, #tpu.memory_space<vmem>>
    %dma_wait3A_1102 = tpu.memref_squeeze %dma_wait3A_1101 : memref<1x80x128xf32, #tpu.memory_space<vmem>> -> memref<80x128xf32, #tpu.memory_space<vmem>>
    %dma_wait3A_1103 = arith.constant 0 : i32
    %dma_wait3A_1104 = tpu.memref_slice %arg5[%dma_wait3A_1096, %dma_wait3A_1103] : memref<44x80xi32, #tpu.memory_space<vmem>> -> memref<1x80xi32, #tpu.memory_space<vmem>>
    %dma_wait3A_1105 = tpu.memref_squeeze %dma_wait3A_1104 : memref<1x80xi32, #tpu.memory_space<vmem>> -> memref<80xi32, #tpu.memory_space<vmem>>
    %dma_wait3A_1106 = arith.constant 0 : i32
    %dma_wait3A_1107 = arith.constant 0 : i32
    %dma_wait3A_1108 = tpu.memref_slice %arg3[%dma_wait3A_1106, %dma_wait3A_1107] : memref<100000x128xf32, #tpu.memory_space<hbm>> -> memref<100000x128xf32, #tpu.memory_space<hbm>>
    %dma_wait3A_1109 = tpu.memref_slice %arg10[%dma_wait3A_1098] : memref<4x!tpu.dma_semaphore, #tpu.memory_space<semaphore_mem>> -> memref<1x!tpu.dma_semaphore, #tpu.memory_space<semaphore_mem>>
    %dma_wait3A_1110 = tpu.memref_squeeze %dma_wait3A_1109 : memref<1x!tpu.dma_semaphore, #tpu.memory_space<semaphore_mem>> -> memref<!tpu.dma_semaphore, #tpu.memory_space<semaphore_mem>>
    tpu.wait_indirect_dma semaphore(%dma_wait3A_1110 : memref<!tpu.dma_semaphore, #tpu.memory_space<semaphore_mem>>) src(%dma_wait3A_1108 : memref<100000x128xf32, #tpu.memory_space<hbm>>) dst(%dma_wait3A_1102 : memref<80x128xf32, #tpu.memory_space<vmem>>)
    %dma_wait3A_1111 = arith.constant 20 : i32
    %dma_wait3A_1112 = arith.constant 1 : i32
    %dma_wait3A_1113 = arith.constant 1 : i32
    %dma_wait3A_1114 = arith.constant 0 : i32
    %dma_wait3A_1115 = arith.constant 0 : i32
    %dma_wait3A_1116 = tpu.memref_slice %arg7[%dma_wait3A_1112, %dma_wait3A_1114, %dma_wait3A_1115] : memref<4x80x128xf32, #tpu.memory_space<vmem>> -> memref<1x80x128xf32, #tpu.memory_space<vmem>>
    %dma_wait3A_1117 = tpu.memref_squeeze %dma_wait3A_1116 : memref<1x80x128xf32, #tpu.memory_space<vmem>> -> memref<80x128xf32, #tpu.memory_space<vmem>>
    %dma_wait3A_1118 = arith.constant 0 : i32
    %dma_wait3A_1119 = tpu.memref_slice %arg5[%dma_wait3A_1111, %dma_wait3A_1118] : memref<44x80xi32, #tpu.memory_space<vmem>> -> memref<1x80xi32, #tpu.memory_space<vmem>>
    %dma_wait3A_1120 = tpu.memref_squeeze %dma_wait3A_1119 : memref<1x80xi32, #tpu.memory_space<vmem>> -> memref<80xi32, #tpu.memory_space<vmem>>
    %dma_wait3A_1121 = arith.constant 0 : i32
    %dma_wait3A_1122 = arith.constant 0 : i32
    %dma_wait3A_1123 = tpu.memref_slice %arg3[%dma_wait3A_1121, %dma_wait3A_1122] : memref<100000x128xf32, #tpu.memory_space<hbm>> -> memref<100000x128xf32, #tpu.memory_space<hbm>>
    %dma_wait3A_1124 = tpu.memref_slice %arg10[%dma_wait3A_1113] : memref<4x!tpu.dma_semaphore, #tpu.memory_space<semaphore_mem>> -> memref<1x!tpu.dma_semaphore, #tpu.memory_space<semaphore_mem>>
    %dma_wait3A_1125 = tpu.memref_squeeze %dma_wait3A_1124 : memref<1x!tpu.dma_semaphore, #tpu.memory_space<semaphore_mem>> -> memref<!tpu.dma_semaphore, #tpu.memory_space<semaphore_mem>>
    tpu.wait_indirect_dma semaphore(%dma_wait3A_1125 : memref<!tpu.dma_semaphore, #tpu.memory_space<semaphore_mem>>) src(%dma_wait3A_1123 : memref<100000x128xf32, #tpu.memory_space<hbm>>) dst(%dma_wait3A_1117 : memref<80x128xf32, #tpu.memory_space<vmem>>)
    %dma_wait3A_1126 = arith.constant 21 : i32
    %dma_wait3A_1127 = arith.constant 1 : i32
    %dma_wait3A_1128 = arith.constant 1 : i32
    %dma_wait3A_1129 = arith.constant 0 : i32
    %dma_wait3A_1130 = arith.constant 0 : i32
    %dma_wait3A_1131 = tpu.memref_slice %arg7[%dma_wait3A_1127, %dma_wait3A_1129, %dma_wait3A_1130] : memref<4x80x128xf32, #tpu.memory_space<vmem>> -> memref<1x80x128xf32, #tpu.memory_space<vmem>>
    %dma_wait3A_1132 = tpu.memref_squeeze %dma_wait3A_1131 : memref<1x80x128xf32, #tpu.memory_space<vmem>> -> memref<80x128xf32, #tpu.memory_space<vmem>>
    %dma_wait3A_1133 = arith.constant 0 : i32
    %dma_wait3A_1134 = tpu.memref_slice %arg5[%dma_wait3A_1126, %dma_wait3A_1133] : memref<44x80xi32, #tpu.memory_space<vmem>> -> memref<1x80xi32, #tpu.memory_space<vmem>>
    %dma_wait3A_1135 = tpu.memref_squeeze %dma_wait3A_1134 : memref<1x80xi32, #tpu.memory_space<vmem>> -> memref<80xi32, #tpu.memory_space<vmem>>
    %dma_wait3A_1136 = arith.constant 0 : i32
    %dma_wait3A_1137 = arith.constant 0 : i32
    %dma_wait3A_1138 = tpu.memref_slice %arg3[%dma_wait3A_1136, %dma_wait3A_1137] : memref<100000x128xf32, #tpu.memory_space<hbm>> -> memref<100000x128xf32, #tpu.memory_space<hbm>>
    %dma_wait3A_1139 = tpu.memref_slice %arg10[%dma_wait3A_1128] : memref<4x!tpu.dma_semaphore, #tpu.memory_space<semaphore_mem>> -> memref<1x!tpu.dma_semaphore, #tpu.memory_space<semaphore_mem>>
    %dma_wait3A_1140 = tpu.memref_squeeze %dma_wait3A_1139 : memref<1x!tpu.dma_semaphore, #tpu.memory_space<semaphore_mem>> -> memref<!tpu.dma_semaphore, #tpu.memory_space<semaphore_mem>>
    tpu.wait_indirect_dma semaphore(%dma_wait3A_1140 : memref<!tpu.dma_semaphore, #tpu.memory_space<semaphore_mem>>) src(%dma_wait3A_1138 : memref<100000x128xf32, #tpu.memory_space<hbm>>) dst(%dma_wait3A_1132 : memref<80x128xf32, #tpu.memory_space<vmem>>)
    %add3A_1141 = arith.constant 80 : i32
    %add3A_1142 = arith.addi %mul3A_2, %add3A_1141 : i32
    %dma_start3A_1143 = arith.constant 1 : i32
    %dma_start3A_1144 = arith.constant 1 : i32
    %dma_start3A_1145 = arith.constant 0 : i32
    %dma_start3A_1146 = arith.constant 0 : i32
    %dma_start3A_1147 = tpu.memref_slice %arg7[%dma_start3A_1143, %dma_start3A_1145, %dma_start3A_1146] : memref<4x80x128xf32, #tpu.memory_space<vmem>> -> memref<1x80x128xf32, #tpu.memory_space<vmem>>
    %dma_start3A_1148 = tpu.memref_squeeze %dma_start3A_1147 : memref<1x80x128xf32, #tpu.memory_space<vmem>> -> memref<80x128xf32, #tpu.memory_space<vmem>>
    %dma_start3A_1149 = arith.constant 128 : i32
    %dma_start3A_1150 = tpu.memref_slice %arg4[%add3A_1142, %dma_start3A_1149] : memref<10240x256xf32, #tpu.memory_space<hbm>> -> memref<80x128xf32, #tpu.memory_space<hbm>>
    %dma_start3A_1151 = tpu.memref_slice %arg12[%dma_start3A_1144] : memref<4x!tpu.dma_semaphore, #tpu.memory_space<semaphore_mem>> -> memref<1x!tpu.dma_semaphore, #tpu.memory_space<semaphore_mem>>
    %dma_start3A_1152 = tpu.memref_squeeze %dma_start3A_1151 : memref<1x!tpu.dma_semaphore, #tpu.memory_space<semaphore_mem>> -> memref<!tpu.dma_semaphore, #tpu.memory_space<semaphore_mem>>
    %dma_start3A_1153 = arith.constant 128 : i32
    %dma_start3A_1154 = tpu.memref_slice %arg4[%add3A_1142, %dma_start3A_1153] : memref<10240x256xf32, #tpu.memory_space<hbm>> -> memref<80x128xf32, #tpu.memory_space<hbm>>
    %dma_start3A_1155 = arith.constant 0 : i32
    %dma_start3A_1156 = arith.constant 0 : i32
    %dma_start3A_1157 = tpu.memref_slice %arg7[%dma_start3A_1143, %dma_start3A_1155, %dma_start3A_1156] : memref<4x80x128xf32, #tpu.memory_space<vmem>> -> memref<1x80x128xf32, #tpu.memory_space<vmem>>
    %dma_start3A_1158 = tpu.memref_squeeze %dma_start3A_1157 : memref<1x80x128xf32, #tpu.memory_space<vmem>> -> memref<80x128xf32, #tpu.memory_space<vmem>>
    tpu.enqueue_dma source(%dma_start3A_1158 : memref<80x128xf32, #tpu.memory_space<vmem>>) target(%dma_start3A_1154 : memref<80x128xf32, #tpu.memory_space<hbm>>) target_semaphore(%dma_start3A_1152 : memref<!tpu.dma_semaphore, #tpu.memory_space<semaphore_mem>>)
    %dma_wait3A_1159 = arith.constant 24 : i32
    %dma_wait3A_1160 = arith.constant 2 : i32
    %dma_wait3A_1161 = arith.constant 2 : i32
    %dma_wait3A_1162 = arith.constant 0 : i32
    %dma_wait3A_1163 = arith.constant 0 : i32
    %dma_wait3A_1164 = tpu.memref_slice %arg7[%dma_wait3A_1160, %dma_wait3A_1162, %dma_wait3A_1163] : memref<4x80x128xf32, #tpu.memory_space<vmem>> -> memref<1x80x128xf32, #tpu.memory_space<vmem>>
    %dma_wait3A_1165 = tpu.memref_squeeze %dma_wait3A_1164 : memref<1x80x128xf32, #tpu.memory_space<vmem>> -> memref<80x128xf32, #tpu.memory_space<vmem>>
    %dma_wait3A_1166 = arith.constant 0 : i32
    %dma_wait3A_1167 = tpu.memref_slice %arg5[%dma_wait3A_1159, %dma_wait3A_1166] : memref<44x80xi32, #tpu.memory_space<vmem>> -> memref<1x80xi32, #tpu.memory_space<vmem>>
    %dma_wait3A_1168 = tpu.memref_squeeze %dma_wait3A_1167 : memref<1x80xi32, #tpu.memory_space<vmem>> -> memref<80xi32, #tpu.memory_space<vmem>>
    %dma_wait3A_1169 = arith.constant 0 : i32
    %dma_wait3A_1170 = arith.constant 0 : i32
    %dma_wait3A_1171 = tpu.memref_slice %arg3[%dma_wait3A_1169, %dma_wait3A_1170] : memref<100000x128xf32, #tpu.memory_space<hbm>> -> memref<100000x128xf32, #tpu.memory_space<hbm>>
    %dma_wait3A_1172 = tpu.memref_slice %arg10[%dma_wait3A_1161] : memref<4x!tpu.dma_semaphore, #tpu.memory_space<semaphore_mem>> -> memref<1x!tpu.dma_semaphore, #tpu.memory_space<semaphore_mem>>
    %dma_wait3A_1173 = tpu.memref_squeeze %dma_wait3A_1172 : memref<1x!tpu.dma_semaphore, #tpu.memory_space<semaphore_mem>> -> memref<!tpu.dma_semaphore, #tpu.memory_space<semaphore_mem>>
    tpu.wait_indirect_dma semaphore(%dma_wait3A_1173 : memref<!tpu.dma_semaphore, #tpu.memory_space<semaphore_mem>>) src(%dma_wait3A_1171 : memref<100000x128xf32, #tpu.memory_space<hbm>>) dst(%dma_wait3A_1165 : memref<80x128xf32, #tpu.memory_space<vmem>>)
    %dma_wait3A_1174 = arith.constant 25 : i32
    %dma_wait3A_1175 = arith.constant 2 : i32
    %dma_wait3A_1176 = arith.constant 2 : i32
    %dma_wait3A_1177 = arith.constant 0 : i32
    %dma_wait3A_1178 = arith.constant 0 : i32
    %dma_wait3A_1179 = tpu.memref_slice %arg7[%dma_wait3A_1175, %dma_wait3A_1177, %dma_wait3A_1178] : memref<4x80x128xf32, #tpu.memory_space<vmem>> -> memref<1x80x128xf32, #tpu.memory_space<vmem>>
    %dma_wait3A_1180 = tpu.memref_squeeze %dma_wait3A_1179 : memref<1x80x128xf32, #tpu.memory_space<vmem>> -> memref<80x128xf32, #tpu.memory_space<vmem>>
    %dma_wait3A_1181 = arith.constant 0 : i32
    %dma_wait3A_1182 = tpu.memref_slice %arg5[%dma_wait3A_1174, %dma_wait3A_1181] : memref<44x80xi32, #tpu.memory_space<vmem>> -> memref<1x80xi32, #tpu.memory_space<vmem>>
    %dma_wait3A_1183 = tpu.memref_squeeze %dma_wait3A_1182 : memref<1x80xi32, #tpu.memory_space<vmem>> -> memref<80xi32, #tpu.memory_space<vmem>>
    %dma_wait3A_1184 = arith.constant 0 : i32
    %dma_wait3A_1185 = arith.constant 0 : i32
    %dma_wait3A_1186 = tpu.memref_slice %arg3[%dma_wait3A_1184, %dma_wait3A_1185] : memref<100000x128xf32, #tpu.memory_space<hbm>> -> memref<100000x128xf32, #tpu.memory_space<hbm>>
    %dma_wait3A_1187 = tpu.memref_slice %arg10[%dma_wait3A_1176] : memref<4x!tpu.dma_semaphore, #tpu.memory_space<semaphore_mem>> -> memref<1x!tpu.dma_semaphore, #tpu.memory_space<semaphore_mem>>
    %dma_wait3A_1188 = tpu.memref_squeeze %dma_wait3A_1187 : memref<1x!tpu.dma_semaphore, #tpu.memory_space<semaphore_mem>> -> memref<!tpu.dma_semaphore, #tpu.memory_space<semaphore_mem>>
    tpu.wait_indirect_dma semaphore(%dma_wait3A_1188 : memref<!tpu.dma_semaphore, #tpu.memory_space<semaphore_mem>>) src(%dma_wait3A_1186 : memref<100000x128xf32, #tpu.memory_space<hbm>>) dst(%dma_wait3A_1180 : memref<80x128xf32, #tpu.memory_space<vmem>>)
    %dma_wait3A_1189 = arith.constant 26 : i32
    %dma_wait3A_1190 = arith.constant 2 : i32
    %dma_wait3A_1191 = arith.constant 2 : i32
    %dma_wait3A_1192 = arith.constant 0 : i32
    %dma_wait3A_1193 = arith.constant 0 : i32
    %dma_wait3A_1194 = tpu.memref_slice %arg7[%dma_wait3A_1190, %dma_wait3A_1192, %dma_wait3A_1193] : memref<4x80x128xf32, #tpu.memory_space<vmem>> -> memref<1x80x128xf32, #tpu.memory_space<vmem>>
    %dma_wait3A_1195 = tpu.memref_squeeze %dma_wait3A_1194 : memref<1x80x128xf32, #tpu.memory_space<vmem>> -> memref<80x128xf32, #tpu.memory_space<vmem>>
    %dma_wait3A_1196 = arith.constant 0 : i32
    %dma_wait3A_1197 = tpu.memref_slice %arg5[%dma_wait3A_1189, %dma_wait3A_1196] : memref<44x80xi32, #tpu.memory_space<vmem>> -> memref<1x80xi32, #tpu.memory_space<vmem>>
    %dma_wait3A_1198 = tpu.memref_squeeze %dma_wait3A_1197 : memref<1x80xi32, #tpu.memory_space<vmem>> -> memref<80xi32, #tpu.memory_space<vmem>>
    %dma_wait3A_1199 = arith.constant 0 : i32
    %dma_wait3A_1200 = arith.constant 0 : i32
    %dma_wait3A_1201 = tpu.memref_slice %arg3[%dma_wait3A_1199, %dma_wait3A_1200] : memref<100000x128xf32, #tpu.memory_space<hbm>> -> memref<100000x128xf32, #tpu.memory_space<hbm>>
    %dma_wait3A_1202 = tpu.memref_slice %arg10[%dma_wait3A_1191] : memref<4x!tpu.dma_semaphore, #tpu.memory_space<semaphore_mem>> -> memref<1x!tpu.dma_semaphore, #tpu.memory_space<semaphore_mem>>
    %dma_wait3A_1203 = tpu.memref_squeeze %dma_wait3A_1202 : memref<1x!tpu.dma_semaphore, #tpu.memory_space<semaphore_mem>> -> memref<!tpu.dma_semaphore, #tpu.memory_space<semaphore_mem>>
    tpu.wait_indirect_dma semaphore(%dma_wait3A_1203 : memref<!tpu.dma_semaphore, #tpu.memory_space<semaphore_mem>>) src(%dma_wait3A_1201 : memref<100000x128xf32, #tpu.memory_space<hbm>>) dst(%dma_wait3A_1195 : memref<80x128xf32, #tpu.memory_space<vmem>>)
    %dma_wait3A_1204 = arith.constant 27 : i32
    %dma_wait3A_1205 = arith.constant 2 : i32
    %dma_wait3A_1206 = arith.constant 2 : i32
    %dma_wait3A_1207 = arith.constant 0 : i32
    %dma_wait3A_1208 = arith.constant 0 : i32
    %dma_wait3A_1209 = tpu.memref_slice %arg7[%dma_wait3A_1205, %dma_wait3A_1207, %dma_wait3A_1208] : memref<4x80x128xf32, #tpu.memory_space<vmem>> -> memref<1x80x128xf32, #tpu.memory_space<vmem>>
    %dma_wait3A_1210 = tpu.memref_squeeze %dma_wait3A_1209 : memref<1x80x128xf32, #tpu.memory_space<vmem>> -> memref<80x128xf32, #tpu.memory_space<vmem>>
    %dma_wait3A_1211 = arith.constant 0 : i32
    %dma_wait3A_1212 = tpu.memref_slice %arg5[%dma_wait3A_1204, %dma_wait3A_1211] : memref<44x80xi32, #tpu.memory_space<vmem>> -> memref<1x80xi32, #tpu.memory_space<vmem>>
    %dma_wait3A_1213 = tpu.memref_squeeze %dma_wait3A_1212 : memref<1x80xi32, #tpu.memory_space<vmem>> -> memref<80xi32, #tpu.memory_space<vmem>>
    %dma_wait3A_1214 = arith.constant 0 : i32
    %dma_wait3A_1215 = arith.constant 0 : i32
    %dma_wait3A_1216 = tpu.memref_slice %arg3[%dma_wait3A_1214, %dma_wait3A_1215] : memref<100000x128xf32, #tpu.memory_space<hbm>> -> memref<100000x128xf32, #tpu.memory_space<hbm>>
    %dma_wait3A_1217 = tpu.memref_slice %arg10[%dma_wait3A_1206] : memref<4x!tpu.dma_semaphore, #tpu.memory_space<semaphore_mem>> -> memref<1x!tpu.dma_semaphore, #tpu.memory_space<semaphore_mem>>
    %dma_wait3A_1218 = tpu.memref_squeeze %dma_wait3A_1217 : memref<1x!tpu.dma_semaphore, #tpu.memory_space<semaphore_mem>> -> memref<!tpu.dma_semaphore, #tpu.memory_space<semaphore_mem>>
    tpu.wait_indirect_dma semaphore(%dma_wait3A_1218 : memref<!tpu.dma_semaphore, #tpu.memory_space<semaphore_mem>>) src(%dma_wait3A_1216 : memref<100000x128xf32, #tpu.memory_space<hbm>>) dst(%dma_wait3A_1210 : memref<80x128xf32, #tpu.memory_space<vmem>>)
    %dma_wait3A_1219 = arith.constant 28 : i32
    %dma_wait3A_1220 = arith.constant 2 : i32
    %dma_wait3A_1221 = arith.constant 2 : i32
    %dma_wait3A_1222 = arith.constant 0 : i32
    %dma_wait3A_1223 = arith.constant 0 : i32
    %dma_wait3A_1224 = tpu.memref_slice %arg7[%dma_wait3A_1220, %dma_wait3A_1222, %dma_wait3A_1223] : memref<4x80x128xf32, #tpu.memory_space<vmem>> -> memref<1x80x128xf32, #tpu.memory_space<vmem>>
    %dma_wait3A_1225 = tpu.memref_squeeze %dma_wait3A_1224 : memref<1x80x128xf32, #tpu.memory_space<vmem>> -> memref<80x128xf32, #tpu.memory_space<vmem>>
    %dma_wait3A_1226 = arith.constant 0 : i32
    %dma_wait3A_1227 = tpu.memref_slice %arg5[%dma_wait3A_1219, %dma_wait3A_1226] : memref<44x80xi32, #tpu.memory_space<vmem>> -> memref<1x80xi32, #tpu.memory_space<vmem>>
    %dma_wait3A_1228 = tpu.memref_squeeze %dma_wait3A_1227 : memref<1x80xi32, #tpu.memory_space<vmem>> -> memref<80xi32, #tpu.memory_space<vmem>>
    %dma_wait3A_1229 = arith.constant 0 : i32
    %dma_wait3A_1230 = arith.constant 0 : i32
    %dma_wait3A_1231 = tpu.memref_slice %arg3[%dma_wait3A_1229, %dma_wait3A_1230] : memref<100000x128xf32, #tpu.memory_space<hbm>> -> memref<100000x128xf32, #tpu.memory_space<hbm>>
    %dma_wait3A_1232 = tpu.memref_slice %arg10[%dma_wait3A_1221] : memref<4x!tpu.dma_semaphore, #tpu.memory_space<semaphore_mem>> -> memref<1x!tpu.dma_semaphore, #tpu.memory_space<semaphore_mem>>
    %dma_wait3A_1233 = tpu.memref_squeeze %dma_wait3A_1232 : memref<1x!tpu.dma_semaphore, #tpu.memory_space<semaphore_mem>> -> memref<!tpu.dma_semaphore, #tpu.memory_space<semaphore_mem>>
    tpu.wait_indirect_dma semaphore(%dma_wait3A_1233 : memref<!tpu.dma_semaphore, #tpu.memory_space<semaphore_mem>>) src(%dma_wait3A_1231 : memref<100000x128xf32, #tpu.memory_space<hbm>>) dst(%dma_wait3A_1225 : memref<80x128xf32, #tpu.memory_space<vmem>>)
    %dma_wait3A_1234 = arith.constant 29 : i32
    %dma_wait3A_1235 = arith.constant 2 : i32
    %dma_wait3A_1236 = arith.constant 2 : i32
    %dma_wait3A_1237 = arith.constant 0 : i32
    %dma_wait3A_1238 = arith.constant 0 : i32
    %dma_wait3A_1239 = tpu.memref_slice %arg7[%dma_wait3A_1235, %dma_wait3A_1237, %dma_wait3A_1238] : memref<4x80x128xf32, #tpu.memory_space<vmem>> -> memref<1x80x128xf32, #tpu.memory_space<vmem>>
    %dma_wait3A_1240 = tpu.memref_squeeze %dma_wait3A_1239 : memref<1x80x128xf32, #tpu.memory_space<vmem>> -> memref<80x128xf32, #tpu.memory_space<vmem>>
    %dma_wait3A_1241 = arith.constant 0 : i32
    %dma_wait3A_1242 = tpu.memref_slice %arg5[%dma_wait3A_1234, %dma_wait3A_1241] : memref<44x80xi32, #tpu.memory_space<vmem>> -> memref<1x80xi32, #tpu.memory_space<vmem>>
    %dma_wait3A_1243 = tpu.memref_squeeze %dma_wait3A_1242 : memref<1x80xi32, #tpu.memory_space<vmem>> -> memref<80xi32, #tpu.memory_space<vmem>>
    %dma_wait3A_1244 = arith.constant 0 : i32
    %dma_wait3A_1245 = arith.constant 0 : i32
    %dma_wait3A_1246 = tpu.memref_slice %arg3[%dma_wait3A_1244, %dma_wait3A_1245] : memref<100000x128xf32, #tpu.memory_space<hbm>> -> memref<100000x128xf32, #tpu.memory_space<hbm>>
    %dma_wait3A_1247 = tpu.memref_slice %arg10[%dma_wait3A_1236] : memref<4x!tpu.dma_semaphore, #tpu.memory_space<semaphore_mem>> -> memref<1x!tpu.dma_semaphore, #tpu.memory_space<semaphore_mem>>
    %dma_wait3A_1248 = tpu.memref_squeeze %dma_wait3A_1247 : memref<1x!tpu.dma_semaphore, #tpu.memory_space<semaphore_mem>> -> memref<!tpu.dma_semaphore, #tpu.memory_space<semaphore_mem>>
    tpu.wait_indirect_dma semaphore(%dma_wait3A_1248 : memref<!tpu.dma_semaphore, #tpu.memory_space<semaphore_mem>>) src(%dma_wait3A_1246 : memref<100000x128xf32, #tpu.memory_space<hbm>>) dst(%dma_wait3A_1240 : memref<80x128xf32, #tpu.memory_space<vmem>>)
    %dma_wait3A_1249 = arith.constant 30 : i32
    %dma_wait3A_1250 = arith.constant 2 : i32
    %dma_wait3A_1251 = arith.constant 2 : i32
    %dma_wait3A_1252 = arith.constant 0 : i32
    %dma_wait3A_1253 = arith.constant 0 : i32
    %dma_wait3A_1254 = tpu.memref_slice %arg7[%dma_wait3A_1250, %dma_wait3A_1252, %dma_wait3A_1253] : memref<4x80x128xf32, #tpu.memory_space<vmem>> -> memref<1x80x128xf32, #tpu.memory_space<vmem>>
    %dma_wait3A_1255 = tpu.memref_squeeze %dma_wait3A_1254 : memref<1x80x128xf32, #tpu.memory_space<vmem>> -> memref<80x128xf32, #tpu.memory_space<vmem>>
    %dma_wait3A_1256 = arith.constant 0 : i32
    %dma_wait3A_1257 = tpu.memref_slice %arg5[%dma_wait3A_1249, %dma_wait3A_1256] : memref<44x80xi32, #tpu.memory_space<vmem>> -> memref<1x80xi32, #tpu.memory_space<vmem>>
    %dma_wait3A_1258 = tpu.memref_squeeze %dma_wait3A_1257 : memref<1x80xi32, #tpu.memory_space<vmem>> -> memref<80xi32, #tpu.memory_space<vmem>>
    %dma_wait3A_1259 = arith.constant 0 : i32
    %dma_wait3A_1260 = arith.constant 0 : i32
    %dma_wait3A_1261 = tpu.memref_slice %arg3[%dma_wait3A_1259, %dma_wait3A_1260] : memref<100000x128xf32, #tpu.memory_space<hbm>> -> memref<100000x128xf32, #tpu.memory_space<hbm>>
    %dma_wait3A_1262 = tpu.memref_slice %arg10[%dma_wait3A_1251] : memref<4x!tpu.dma_semaphore, #tpu.memory_space<semaphore_mem>> -> memref<1x!tpu.dma_semaphore, #tpu.memory_space<semaphore_mem>>
    %dma_wait3A_1263 = tpu.memref_squeeze %dma_wait3A_1262 : memref<1x!tpu.dma_semaphore, #tpu.memory_space<semaphore_mem>> -> memref<!tpu.dma_semaphore, #tpu.memory_space<semaphore_mem>>
    tpu.wait_indirect_dma semaphore(%dma_wait3A_1263 : memref<!tpu.dma_semaphore, #tpu.memory_space<semaphore_mem>>) src(%dma_wait3A_1261 : memref<100000x128xf32, #tpu.memory_space<hbm>>) dst(%dma_wait3A_1255 : memref<80x128xf32, #tpu.memory_space<vmem>>)
    %dma_wait3A_1264 = arith.constant 31 : i32
    %dma_wait3A_1265 = arith.constant 2 : i32
    %dma_wait3A_1266 = arith.constant 2 : i32
    %dma_wait3A_1267 = arith.constant 0 : i32
    %dma_wait3A_1268 = arith.constant 0 : i32
    %dma_wait3A_1269 = tpu.memref_slice %arg7[%dma_wait3A_1265, %dma_wait3A_1267, %dma_wait3A_1268] : memref<4x80x128xf32, #tpu.memory_space<vmem>> -> memref<1x80x128xf32, #tpu.memory_space<vmem>>
    %dma_wait3A_1270 = tpu.memref_squeeze %dma_wait3A_1269 : memref<1x80x128xf32, #tpu.memory_space<vmem>> -> memref<80x128xf32, #tpu.memory_space<vmem>>
    %dma_wait3A_1271 = arith.constant 0 : i32
    %dma_wait3A_1272 = tpu.memref_slice %arg5[%dma_wait3A_1264, %dma_wait3A_1271] : memref<44x80xi32, #tpu.memory_space<vmem>> -> memref<1x80xi32, #tpu.memory_space<vmem>>
    %dma_wait3A_1273 = tpu.memref_squeeze %dma_wait3A_1272 : memref<1x80xi32, #tpu.memory_space<vmem>> -> memref<80xi32, #tpu.memory_space<vmem>>
    %dma_wait3A_1274 = arith.constant 0 : i32
    %dma_wait3A_1275 = arith.constant 0 : i32
    %dma_wait3A_1276 = tpu.memref_slice %arg3[%dma_wait3A_1274, %dma_wait3A_1275] : memref<100000x128xf32, #tpu.memory_space<hbm>> -> memref<100000x128xf32, #tpu.memory_space<hbm>>
    %dma_wait3A_1277 = tpu.memref_slice %arg10[%dma_wait3A_1266] : memref<4x!tpu.dma_semaphore, #tpu.memory_space<semaphore_mem>> -> memref<1x!tpu.dma_semaphore, #tpu.memory_space<semaphore_mem>>
    %dma_wait3A_1278 = tpu.memref_squeeze %dma_wait3A_1277 : memref<1x!tpu.dma_semaphore, #tpu.memory_space<semaphore_mem>> -> memref<!tpu.dma_semaphore, #tpu.memory_space<semaphore_mem>>
    tpu.wait_indirect_dma semaphore(%dma_wait3A_1278 : memref<!tpu.dma_semaphore, #tpu.memory_space<semaphore_mem>>) src(%dma_wait3A_1276 : memref<100000x128xf32, #tpu.memory_space<hbm>>) dst(%dma_wait3A_1270 : memref<80x128xf32, #tpu.memory_space<vmem>>)
    %dma_wait3A_1279 = arith.constant 32 : i32
    %dma_wait3A_1280 = arith.constant 2 : i32
    %dma_wait3A_1281 = arith.constant 2 : i32
    %dma_wait3A_1282 = arith.constant 0 : i32
    %dma_wait3A_1283 = arith.constant 0 : i32
    %dma_wait3A_1284 = tpu.memref_slice %arg7[%dma_wait3A_1280, %dma_wait3A_1282, %dma_wait3A_1283] : memref<4x80x128xf32, #tpu.memory_space<vmem>> -> memref<1x80x128xf32, #tpu.memory_space<vmem>>
    %dma_wait3A_1285 = tpu.memref_squeeze %dma_wait3A_1284 : memref<1x80x128xf32, #tpu.memory_space<vmem>> -> memref<80x128xf32, #tpu.memory_space<vmem>>
    %dma_wait3A_1286 = arith.constant 0 : i32
    %dma_wait3A_1287 = tpu.memref_slice %arg5[%dma_wait3A_1279, %dma_wait3A_1286] : memref<44x80xi32, #tpu.memory_space<vmem>> -> memref<1x80xi32, #tpu.memory_space<vmem>>
    %dma_wait3A_1288 = tpu.memref_squeeze %dma_wait3A_1287 : memref<1x80xi32, #tpu.memory_space<vmem>> -> memref<80xi32, #tpu.memory_space<vmem>>
    %dma_wait3A_1289 = arith.constant 0 : i32
    %dma_wait3A_1290 = arith.constant 0 : i32
    %dma_wait3A_1291 = tpu.memref_slice %arg3[%dma_wait3A_1289, %dma_wait3A_1290] : memref<100000x128xf32, #tpu.memory_space<hbm>> -> memref<100000x128xf32, #tpu.memory_space<hbm>>
    %dma_wait3A_1292 = tpu.memref_slice %arg10[%dma_wait3A_1281] : memref<4x!tpu.dma_semaphore, #tpu.memory_space<semaphore_mem>> -> memref<1x!tpu.dma_semaphore, #tpu.memory_space<semaphore_mem>>
    %dma_wait3A_1293 = tpu.memref_squeeze %dma_wait3A_1292 : memref<1x!tpu.dma_semaphore, #tpu.memory_space<semaphore_mem>> -> memref<!tpu.dma_semaphore, #tpu.memory_space<semaphore_mem>>
    tpu.wait_indirect_dma semaphore(%dma_wait3A_1293 : memref<!tpu.dma_semaphore, #tpu.memory_space<semaphore_mem>>) src(%dma_wait3A_1291 : memref<100000x128xf32, #tpu.memory_space<hbm>>) dst(%dma_wait3A_1285 : memref<80x128xf32, #tpu.memory_space<vmem>>)
    %add3A_1294 = arith.constant 160 : i32
    %add3A_1295 = arith.addi %mul3A_2, %add3A_1294 : i32
    %dma_start3A_1296 = arith.constant 2 : i32
    %dma_start3A_1297 = arith.constant 2 : i32
    %dma_start3A_1298 = arith.constant 0 : i32
    %dma_start3A_1299 = arith.constant 0 : i32
    %dma_start3A_1300 = tpu.memref_slice %arg7[%dma_start3A_1296, %dma_start3A_1298, %dma_start3A_1299] : memref<4x80x128xf32, #tpu.memory_space<vmem>> -> memref<1x80x128xf32, #tpu.memory_space<vmem>>
    %dma_start3A_1301 = tpu.memref_squeeze %dma_start3A_1300 : memref<1x80x128xf32, #tpu.memory_space<vmem>> -> memref<80x128xf32, #tpu.memory_space<vmem>>
    %dma_start3A_1302 = arith.constant 128 : i32
    %dma_start3A_1303 = tpu.memref_slice %arg4[%add3A_1295, %dma_start3A_1302] : memref<10240x256xf32, #tpu.memory_space<hbm>> -> memref<80x128xf32, #tpu.memory_space<hbm>>
    %dma_start3A_1304 = tpu.memref_slice %arg12[%dma_start3A_1297] : memref<4x!tpu.dma_semaphore, #tpu.memory_space<semaphore_mem>> -> memref<1x!tpu.dma_semaphore, #tpu.memory_space<semaphore_mem>>
    %dma_start3A_1305 = tpu.memref_squeeze %dma_start3A_1304 : memref<1x!tpu.dma_semaphore, #tpu.memory_space<semaphore_mem>> -> memref<!tpu.dma_semaphore, #tpu.memory_space<semaphore_mem>>
    %dma_start3A_1306 = arith.constant 128 : i32
    %dma_start3A_1307 = tpu.memref_slice %arg4[%add3A_1295, %dma_start3A_1306] : memref<10240x256xf32, #tpu.memory_space<hbm>> -> memref<80x128xf32, #tpu.memory_space<hbm>>
    %dma_start3A_1308 = arith.constant 0 : i32
    %dma_start3A_1309 = arith.constant 0 : i32
    %dma_start3A_1310 = tpu.memref_slice %arg7[%dma_start3A_1296, %dma_start3A_1308, %dma_start3A_1309] : memref<4x80x128xf32, #tpu.memory_space<vmem>> -> memref<1x80x128xf32, #tpu.memory_space<vmem>>
    %dma_start3A_1311 = tpu.memref_squeeze %dma_start3A_1310 : memref<1x80x128xf32, #tpu.memory_space<vmem>> -> memref<80x128xf32, #tpu.memory_space<vmem>>
    tpu.enqueue_dma source(%dma_start3A_1311 : memref<80x128xf32, #tpu.memory_space<vmem>>) target(%dma_start3A_1307 : memref<80x128xf32, #tpu.memory_space<hbm>>) target_semaphore(%dma_start3A_1305 : memref<!tpu.dma_semaphore, #tpu.memory_space<semaphore_mem>>)
    %dma_wait3A_1312 = arith.constant 35 : i32
    %dma_wait3A_1313 = arith.constant 3 : i32
    %dma_wait3A_1314 = arith.constant 3 : i32
    %dma_wait3A_1315 = arith.constant 0 : i32
    %dma_wait3A_1316 = arith.constant 0 : i32
    %dma_wait3A_1317 = tpu.memref_slice %arg7[%dma_wait3A_1313, %dma_wait3A_1315, %dma_wait3A_1316] : memref<4x80x128xf32, #tpu.memory_space<vmem>> -> memref<1x80x128xf32, #tpu.memory_space<vmem>>
    %dma_wait3A_1318 = tpu.memref_squeeze %dma_wait3A_1317 : memref<1x80x128xf32, #tpu.memory_space<vmem>> -> memref<80x128xf32, #tpu.memory_space<vmem>>
    %dma_wait3A_1319 = arith.constant 0 : i32
    %dma_wait3A_1320 = tpu.memref_slice %arg5[%dma_wait3A_1312, %dma_wait3A_1319] : memref<44x80xi32, #tpu.memory_space<vmem>> -> memref<1x80xi32, #tpu.memory_space<vmem>>
    %dma_wait3A_1321 = tpu.memref_squeeze %dma_wait3A_1320 : memref<1x80xi32, #tpu.memory_space<vmem>> -> memref<80xi32, #tpu.memory_space<vmem>>
    %dma_wait3A_1322 = arith.constant 0 : i32
    %dma_wait3A_1323 = arith.constant 0 : i32
    %dma_wait3A_1324 = tpu.memref_slice %arg3[%dma_wait3A_1322, %dma_wait3A_1323] : memref<100000x128xf32, #tpu.memory_space<hbm>> -> memref<100000x128xf32, #tpu.memory_space<hbm>>
    %dma_wait3A_1325 = tpu.memref_slice %arg10[%dma_wait3A_1314] : memref<4x!tpu.dma_semaphore, #tpu.memory_space<semaphore_mem>> -> memref<1x!tpu.dma_semaphore, #tpu.memory_space<semaphore_mem>>
    %dma_wait3A_1326 = tpu.memref_squeeze %dma_wait3A_1325 : memref<1x!tpu.dma_semaphore, #tpu.memory_space<semaphore_mem>> -> memref<!tpu.dma_semaphore, #tpu.memory_space<semaphore_mem>>
    tpu.wait_indirect_dma semaphore(%dma_wait3A_1326 : memref<!tpu.dma_semaphore, #tpu.memory_space<semaphore_mem>>) src(%dma_wait3A_1324 : memref<100000x128xf32, #tpu.memory_space<hbm>>) dst(%dma_wait3A_1318 : memref<80x128xf32, #tpu.memory_space<vmem>>)
    %dma_wait3A_1327 = arith.constant 36 : i32
    %dma_wait3A_1328 = arith.constant 3 : i32
    %dma_wait3A_1329 = arith.constant 3 : i32
    %dma_wait3A_1330 = arith.constant 0 : i32
    %dma_wait3A_1331 = arith.constant 0 : i32
    %dma_wait3A_1332 = tpu.memref_slice %arg7[%dma_wait3A_1328, %dma_wait3A_1330, %dma_wait3A_1331] : memref<4x80x128xf32, #tpu.memory_space<vmem>> -> memref<1x80x128xf32, #tpu.memory_space<vmem>>
    %dma_wait3A_1333 = tpu.memref_squeeze %dma_wait3A_1332 : memref<1x80x128xf32, #tpu.memory_space<vmem>> -> memref<80x128xf32, #tpu.memory_space<vmem>>
    %dma_wait3A_1334 = arith.constant 0 : i32
    %dma_wait3A_1335 = tpu.memref_slice %arg5[%dma_wait3A_1327, %dma_wait3A_1334] : memref<44x80xi32, #tpu.memory_space<vmem>> -> memref<1x80xi32, #tpu.memory_space<vmem>>
    %dma_wait3A_1336 = tpu.memref_squeeze %dma_wait3A_1335 : memref<1x80xi32, #tpu.memory_space<vmem>> -> memref<80xi32, #tpu.memory_space<vmem>>
    %dma_wait3A_1337 = arith.constant 0 : i32
    %dma_wait3A_1338 = arith.constant 0 : i32
    %dma_wait3A_1339 = tpu.memref_slice %arg3[%dma_wait3A_1337, %dma_wait3A_1338] : memref<100000x128xf32, #tpu.memory_space<hbm>> -> memref<100000x128xf32, #tpu.memory_space<hbm>>
    %dma_wait3A_1340 = tpu.memref_slice %arg10[%dma_wait3A_1329] : memref<4x!tpu.dma_semaphore, #tpu.memory_space<semaphore_mem>> -> memref<1x!tpu.dma_semaphore, #tpu.memory_space<semaphore_mem>>
    %dma_wait3A_1341 = tpu.memref_squeeze %dma_wait3A_1340 : memref<1x!tpu.dma_semaphore, #tpu.memory_space<semaphore_mem>> -> memref<!tpu.dma_semaphore, #tpu.memory_space<semaphore_mem>>
    tpu.wait_indirect_dma semaphore(%dma_wait3A_1341 : memref<!tpu.dma_semaphore, #tpu.memory_space<semaphore_mem>>) src(%dma_wait3A_1339 : memref<100000x128xf32, #tpu.memory_space<hbm>>) dst(%dma_wait3A_1333 : memref<80x128xf32, #tpu.memory_space<vmem>>)
    %dma_wait3A_1342 = arith.constant 37 : i32
    %dma_wait3A_1343 = arith.constant 3 : i32
    %dma_wait3A_1344 = arith.constant 3 : i32
    %dma_wait3A_1345 = arith.constant 0 : i32
    %dma_wait3A_1346 = arith.constant 0 : i32
    %dma_wait3A_1347 = tpu.memref_slice %arg7[%dma_wait3A_1343, %dma_wait3A_1345, %dma_wait3A_1346] : memref<4x80x128xf32, #tpu.memory_space<vmem>> -> memref<1x80x128xf32, #tpu.memory_space<vmem>>
    %dma_wait3A_1348 = tpu.memref_squeeze %dma_wait3A_1347 : memref<1x80x128xf32, #tpu.memory_space<vmem>> -> memref<80x128xf32, #tpu.memory_space<vmem>>
    %dma_wait3A_1349 = arith.constant 0 : i32
    %dma_wait3A_1350 = tpu.memref_slice %arg5[%dma_wait3A_1342, %dma_wait3A_1349] : memref<44x80xi32, #tpu.memory_space<vmem>> -> memref<1x80xi32, #tpu.memory_space<vmem>>
    %dma_wait3A_1351 = tpu.memref_squeeze %dma_wait3A_1350 : memref<1x80xi32, #tpu.memory_space<vmem>> -> memref<80xi32, #tpu.memory_space<vmem>>
    %dma_wait3A_1352 = arith.constant 0 : i32
    %dma_wait3A_1353 = arith.constant 0 : i32
    %dma_wait3A_1354 = tpu.memref_slice %arg3[%dma_wait3A_1352, %dma_wait3A_1353] : memref<100000x128xf32, #tpu.memory_space<hbm>> -> memref<100000x128xf32, #tpu.memory_space<hbm>>
    %dma_wait3A_1355 = tpu.memref_slice %arg10[%dma_wait3A_1344] : memref<4x!tpu.dma_semaphore, #tpu.memory_space<semaphore_mem>> -> memref<1x!tpu.dma_semaphore, #tpu.memory_space<semaphore_mem>>
    %dma_wait3A_1356 = tpu.memref_squeeze %dma_wait3A_1355 : memref<1x!tpu.dma_semaphore, #tpu.memory_space<semaphore_mem>> -> memref<!tpu.dma_semaphore, #tpu.memory_space<semaphore_mem>>
    tpu.wait_indirect_dma semaphore(%dma_wait3A_1356 : memref<!tpu.dma_semaphore, #tpu.memory_space<semaphore_mem>>) src(%dma_wait3A_1354 : memref<100000x128xf32, #tpu.memory_space<hbm>>) dst(%dma_wait3A_1348 : memref<80x128xf32, #tpu.memory_space<vmem>>)
    %dma_wait3A_1357 = arith.constant 38 : i32
    %dma_wait3A_1358 = arith.constant 3 : i32
    %dma_wait3A_1359 = arith.constant 3 : i32
    %dma_wait3A_1360 = arith.constant 0 : i32
    %dma_wait3A_1361 = arith.constant 0 : i32
    %dma_wait3A_1362 = tpu.memref_slice %arg7[%dma_wait3A_1358, %dma_wait3A_1360, %dma_wait3A_1361] : memref<4x80x128xf32, #tpu.memory_space<vmem>> -> memref<1x80x128xf32, #tpu.memory_space<vmem>>
    %dma_wait3A_1363 = tpu.memref_squeeze %dma_wait3A_1362 : memref<1x80x128xf32, #tpu.memory_space<vmem>> -> memref<80x128xf32, #tpu.memory_space<vmem>>
    %dma_wait3A_1364 = arith.constant 0 : i32
    %dma_wait3A_1365 = tpu.memref_slice %arg5[%dma_wait3A_1357, %dma_wait3A_1364] : memref<44x80xi32, #tpu.memory_space<vmem>> -> memref<1x80xi32, #tpu.memory_space<vmem>>
    %dma_wait3A_1366 = tpu.memref_squeeze %dma_wait3A_1365 : memref<1x80xi32, #tpu.memory_space<vmem>> -> memref<80xi32, #tpu.memory_space<vmem>>
    %dma_wait3A_1367 = arith.constant 0 : i32
    %dma_wait3A_1368 = arith.constant 0 : i32
    %dma_wait3A_1369 = tpu.memref_slice %arg3[%dma_wait3A_1367, %dma_wait3A_1368] : memref<100000x128xf32, #tpu.memory_space<hbm>> -> memref<100000x128xf32, #tpu.memory_space<hbm>>
    %dma_wait3A_1370 = tpu.memref_slice %arg10[%dma_wait3A_1359] : memref<4x!tpu.dma_semaphore, #tpu.memory_space<semaphore_mem>> -> memref<1x!tpu.dma_semaphore, #tpu.memory_space<semaphore_mem>>
    %dma_wait3A_1371 = tpu.memref_squeeze %dma_wait3A_1370 : memref<1x!tpu.dma_semaphore, #tpu.memory_space<semaphore_mem>> -> memref<!tpu.dma_semaphore, #tpu.memory_space<semaphore_mem>>
    tpu.wait_indirect_dma semaphore(%dma_wait3A_1371 : memref<!tpu.dma_semaphore, #tpu.memory_space<semaphore_mem>>) src(%dma_wait3A_1369 : memref<100000x128xf32, #tpu.memory_space<hbm>>) dst(%dma_wait3A_1363 : memref<80x128xf32, #tpu.memory_space<vmem>>)
    %dma_wait3A_1372 = arith.constant 39 : i32
    %dma_wait3A_1373 = arith.constant 3 : i32
    %dma_wait3A_1374 = arith.constant 3 : i32
    %dma_wait3A_1375 = arith.constant 0 : i32
    %dma_wait3A_1376 = arith.constant 0 : i32
    %dma_wait3A_1377 = tpu.memref_slice %arg7[%dma_wait3A_1373, %dma_wait3A_1375, %dma_wait3A_1376] : memref<4x80x128xf32, #tpu.memory_space<vmem>> -> memref<1x80x128xf32, #tpu.memory_space<vmem>>
    %dma_wait3A_1378 = tpu.memref_squeeze %dma_wait3A_1377 : memref<1x80x128xf32, #tpu.memory_space<vmem>> -> memref<80x128xf32, #tpu.memory_space<vmem>>
    %dma_wait3A_1379 = arith.constant 0 : i32
    %dma_wait3A_1380 = tpu.memref_slice %arg5[%dma_wait3A_1372, %dma_wait3A_1379] : memref<44x80xi32, #tpu.memory_space<vmem>> -> memref<1x80xi32, #tpu.memory_space<vmem>>
    %dma_wait3A_1381 = tpu.memref_squeeze %dma_wait3A_1380 : memref<1x80xi32, #tpu.memory_space<vmem>> -> memref<80xi32, #tpu.memory_space<vmem>>
    %dma_wait3A_1382 = arith.constant 0 : i32
    %dma_wait3A_1383 = arith.constant 0 : i32
    %dma_wait3A_1384 = tpu.memref_slice %arg3[%dma_wait3A_1382, %dma_wait3A_1383] : memref<100000x128xf32, #tpu.memory_space<hbm>> -> memref<100000x128xf32, #tpu.memory_space<hbm>>
    %dma_wait3A_1385 = tpu.memref_slice %arg10[%dma_wait3A_1374] : memref<4x!tpu.dma_semaphore, #tpu.memory_space<semaphore_mem>> -> memref<1x!tpu.dma_semaphore, #tpu.memory_space<semaphore_mem>>
    %dma_wait3A_1386 = tpu.memref_squeeze %dma_wait3A_1385 : memref<1x!tpu.dma_semaphore, #tpu.memory_space<semaphore_mem>> -> memref<!tpu.dma_semaphore, #tpu.memory_space<semaphore_mem>>
    tpu.wait_indirect_dma semaphore(%dma_wait3A_1386 : memref<!tpu.dma_semaphore, #tpu.memory_space<semaphore_mem>>) src(%dma_wait3A_1384 : memref<100000x128xf32, #tpu.memory_space<hbm>>) dst(%dma_wait3A_1378 : memref<80x128xf32, #tpu.memory_space<vmem>>)
    %dma_wait3A_1387 = arith.constant 40 : i32
    %dma_wait3A_1388 = arith.constant 3 : i32
    %dma_wait3A_1389 = arith.constant 3 : i32
    %dma_wait3A_1390 = arith.constant 0 : i32
    %dma_wait3A_1391 = arith.constant 0 : i32
    %dma_wait3A_1392 = tpu.memref_slice %arg7[%dma_wait3A_1388, %dma_wait3A_1390, %dma_wait3A_1391] : memref<4x80x128xf32, #tpu.memory_space<vmem>> -> memref<1x80x128xf32, #tpu.memory_space<vmem>>
    %dma_wait3A_1393 = tpu.memref_squeeze %dma_wait3A_1392 : memref<1x80x128xf32, #tpu.memory_space<vmem>> -> memref<80x128xf32, #tpu.memory_space<vmem>>
    %dma_wait3A_1394 = arith.constant 0 : i32
    %dma_wait3A_1395 = tpu.memref_slice %arg5[%dma_wait3A_1387, %dma_wait3A_1394] : memref<44x80xi32, #tpu.memory_space<vmem>> -> memref<1x80xi32, #tpu.memory_space<vmem>>
    %dma_wait3A_1396 = tpu.memref_squeeze %dma_wait3A_1395 : memref<1x80xi32, #tpu.memory_space<vmem>> -> memref<80xi32, #tpu.memory_space<vmem>>
    %dma_wait3A_1397 = arith.constant 0 : i32
    %dma_wait3A_1398 = arith.constant 0 : i32
    %dma_wait3A_1399 = tpu.memref_slice %arg3[%dma_wait3A_1397, %dma_wait3A_1398] : memref<100000x128xf32, #tpu.memory_space<hbm>> -> memref<100000x128xf32, #tpu.memory_space<hbm>>
    %dma_wait3A_1400 = tpu.memref_slice %arg10[%dma_wait3A_1389] : memref<4x!tpu.dma_semaphore, #tpu.memory_space<semaphore_mem>> -> memref<1x!tpu.dma_semaphore, #tpu.memory_space<semaphore_mem>>
    %dma_wait3A_1401 = tpu.memref_squeeze %dma_wait3A_1400 : memref<1x!tpu.dma_semaphore, #tpu.memory_space<semaphore_mem>> -> memref<!tpu.dma_semaphore, #tpu.memory_space<semaphore_mem>>
    tpu.wait_indirect_dma semaphore(%dma_wait3A_1401 : memref<!tpu.dma_semaphore, #tpu.memory_space<semaphore_mem>>) src(%dma_wait3A_1399 : memref<100000x128xf32, #tpu.memory_space<hbm>>) dst(%dma_wait3A_1393 : memref<80x128xf32, #tpu.memory_space<vmem>>)
    %dma_wait3A_1402 = arith.constant 41 : i32
    %dma_wait3A_1403 = arith.constant 3 : i32
    %dma_wait3A_1404 = arith.constant 3 : i32
    %dma_wait3A_1405 = arith.constant 0 : i32
    %dma_wait3A_1406 = arith.constant 0 : i32
    %dma_wait3A_1407 = tpu.memref_slice %arg7[%dma_wait3A_1403, %dma_wait3A_1405, %dma_wait3A_1406] : memref<4x80x128xf32, #tpu.memory_space<vmem>> -> memref<1x80x128xf32, #tpu.memory_space<vmem>>
    %dma_wait3A_1408 = tpu.memref_squeeze %dma_wait3A_1407 : memref<1x80x128xf32, #tpu.memory_space<vmem>> -> memref<80x128xf32, #tpu.memory_space<vmem>>
    %dma_wait3A_1409 = arith.constant 0 : i32
    %dma_wait3A_1410 = tpu.memref_slice %arg5[%dma_wait3A_1402, %dma_wait3A_1409] : memref<44x80xi32, #tpu.memory_space<vmem>> -> memref<1x80xi32, #tpu.memory_space<vmem>>
    %dma_wait3A_1411 = tpu.memref_squeeze %dma_wait3A_1410 : memref<1x80xi32, #tpu.memory_space<vmem>> -> memref<80xi32, #tpu.memory_space<vmem>>
    %dma_wait3A_1412 = arith.constant 0 : i32
    %dma_wait3A_1413 = arith.constant 0 : i32
    %dma_wait3A_1414 = tpu.memref_slice %arg3[%dma_wait3A_1412, %dma_wait3A_1413] : memref<100000x128xf32, #tpu.memory_space<hbm>> -> memref<100000x128xf32, #tpu.memory_space<hbm>>
    %dma_wait3A_1415 = tpu.memref_slice %arg10[%dma_wait3A_1404] : memref<4x!tpu.dma_semaphore, #tpu.memory_space<semaphore_mem>> -> memref<1x!tpu.dma_semaphore, #tpu.memory_space<semaphore_mem>>
    %dma_wait3A_1416 = tpu.memref_squeeze %dma_wait3A_1415 : memref<1x!tpu.dma_semaphore, #tpu.memory_space<semaphore_mem>> -> memref<!tpu.dma_semaphore, #tpu.memory_space<semaphore_mem>>
    tpu.wait_indirect_dma semaphore(%dma_wait3A_1416 : memref<!tpu.dma_semaphore, #tpu.memory_space<semaphore_mem>>) src(%dma_wait3A_1414 : memref<100000x128xf32, #tpu.memory_space<hbm>>) dst(%dma_wait3A_1408 : memref<80x128xf32, #tpu.memory_space<vmem>>)
    %dma_wait3A_1417 = arith.constant 42 : i32
    %dma_wait3A_1418 = arith.constant 3 : i32
    %dma_wait3A_1419 = arith.constant 3 : i32
    %dma_wait3A_1420 = arith.constant 0 : i32
    %dma_wait3A_1421 = arith.constant 0 : i32
    %dma_wait3A_1422 = tpu.memref_slice %arg7[%dma_wait3A_1418, %dma_wait3A_1420, %dma_wait3A_1421] : memref<4x80x128xf32, #tpu.memory_space<vmem>> -> memref<1x80x128xf32, #tpu.memory_space<vmem>>
    %dma_wait3A_1423 = tpu.memref_squeeze %dma_wait3A_1422 : memref<1x80x128xf32, #tpu.memory_space<vmem>> -> memref<80x128xf32, #tpu.memory_space<vmem>>
    %dma_wait3A_1424 = arith.constant 0 : i32
    %dma_wait3A_1425 = tpu.memref_slice %arg5[%dma_wait3A_1417, %dma_wait3A_1424] : memref<44x80xi32, #tpu.memory_space<vmem>> -> memref<1x80xi32, #tpu.memory_space<vmem>>
    %dma_wait3A_1426 = tpu.memref_squeeze %dma_wait3A_1425 : memref<1x80xi32, #tpu.memory_space<vmem>> -> memref<80xi32, #tpu.memory_space<vmem>>
    %dma_wait3A_1427 = arith.constant 0 : i32
    %dma_wait3A_1428 = arith.constant 0 : i32
    %dma_wait3A_1429 = tpu.memref_slice %arg3[%dma_wait3A_1427, %dma_wait3A_1428] : memref<100000x128xf32, #tpu.memory_space<hbm>> -> memref<100000x128xf32, #tpu.memory_space<hbm>>
    %dma_wait3A_1430 = tpu.memref_slice %arg10[%dma_wait3A_1419] : memref<4x!tpu.dma_semaphore, #tpu.memory_space<semaphore_mem>> -> memref<1x!tpu.dma_semaphore, #tpu.memory_space<semaphore_mem>>
    %dma_wait3A_1431 = tpu.memref_squeeze %dma_wait3A_1430 : memref<1x!tpu.dma_semaphore, #tpu.memory_space<semaphore_mem>> -> memref<!tpu.dma_semaphore, #tpu.memory_space<semaphore_mem>>
    tpu.wait_indirect_dma semaphore(%dma_wait3A_1431 : memref<!tpu.dma_semaphore, #tpu.memory_space<semaphore_mem>>) src(%dma_wait3A_1429 : memref<100000x128xf32, #tpu.memory_space<hbm>>) dst(%dma_wait3A_1423 : memref<80x128xf32, #tpu.memory_space<vmem>>)
    %dma_wait3A_1432 = arith.constant 43 : i32
    %dma_wait3A_1433 = arith.constant 3 : i32
    %dma_wait3A_1434 = arith.constant 3 : i32
    %dma_wait3A_1435 = arith.constant 0 : i32
    %dma_wait3A_1436 = arith.constant 0 : i32
    %dma_wait3A_1437 = tpu.memref_slice %arg7[%dma_wait3A_1433, %dma_wait3A_1435, %dma_wait3A_1436] : memref<4x80x128xf32, #tpu.memory_space<vmem>> -> memref<1x80x128xf32, #tpu.memory_space<vmem>>
    %dma_wait3A_1438 = tpu.memref_squeeze %dma_wait3A_1437 : memref<1x80x128xf32, #tpu.memory_space<vmem>> -> memref<80x128xf32, #tpu.memory_space<vmem>>
    %dma_wait3A_1439 = arith.constant 0 : i32
    %dma_wait3A_1440 = tpu.memref_slice %arg5[%dma_wait3A_1432, %dma_wait3A_1439] : memref<44x80xi32, #tpu.memory_space<vmem>> -> memref<1x80xi32, #tpu.memory_space<vmem>>
    %dma_wait3A_1441 = tpu.memref_squeeze %dma_wait3A_1440 : memref<1x80xi32, #tpu.memory_space<vmem>> -> memref<80xi32, #tpu.memory_space<vmem>>
    %dma_wait3A_1442 = arith.constant 0 : i32
    %dma_wait3A_1443 = arith.constant 0 : i32
    %dma_wait3A_1444 = tpu.memref_slice %arg3[%dma_wait3A_1442, %dma_wait3A_1443] : memref<100000x128xf32, #tpu.memory_space<hbm>> -> memref<100000x128xf32, #tpu.memory_space<hbm>>
    %dma_wait3A_1445 = tpu.memref_slice %arg10[%dma_wait3A_1434] : memref<4x!tpu.dma_semaphore, #tpu.memory_space<semaphore_mem>> -> memref<1x!tpu.dma_semaphore, #tpu.memory_space<semaphore_mem>>
    %dma_wait3A_1446 = tpu.memref_squeeze %dma_wait3A_1445 : memref<1x!tpu.dma_semaphore, #tpu.memory_space<semaphore_mem>> -> memref<!tpu.dma_semaphore, #tpu.memory_space<semaphore_mem>>
    tpu.wait_indirect_dma semaphore(%dma_wait3A_1446 : memref<!tpu.dma_semaphore, #tpu.memory_space<semaphore_mem>>) src(%dma_wait3A_1444 : memref<100000x128xf32, #tpu.memory_space<hbm>>) dst(%dma_wait3A_1438 : memref<80x128xf32, #tpu.memory_space<vmem>>)
    %add3A_1447 = arith.constant 240 : i32
    %add3A_1448 = arith.addi %mul3A_2, %add3A_1447 : i32
    %dma_start3A_1449 = arith.constant 3 : i32
    %dma_start3A_1450 = arith.constant 3 : i32
    %dma_start3A_1451 = arith.constant 0 : i32
    %dma_start3A_1452 = arith.constant 0 : i32
    %dma_start3A_1453 = tpu.memref_slice %arg7[%dma_start3A_1449, %dma_start3A_1451, %dma_start3A_1452] : memref<4x80x128xf32, #tpu.memory_space<vmem>> -> memref<1x80x128xf32, #tpu.memory_space<vmem>>
    %dma_start3A_1454 = tpu.memref_squeeze %dma_start3A_1453 : memref<1x80x128xf32, #tpu.memory_space<vmem>> -> memref<80x128xf32, #tpu.memory_space<vmem>>
    %dma_start3A_1455 = arith.constant 128 : i32
    %dma_start3A_1456 = tpu.memref_slice %arg4[%add3A_1448, %dma_start3A_1455] : memref<10240x256xf32, #tpu.memory_space<hbm>> -> memref<80x128xf32, #tpu.memory_space<hbm>>
    %dma_start3A_1457 = tpu.memref_slice %arg12[%dma_start3A_1450] : memref<4x!tpu.dma_semaphore, #tpu.memory_space<semaphore_mem>> -> memref<1x!tpu.dma_semaphore, #tpu.memory_space<semaphore_mem>>
    %dma_start3A_1458 = tpu.memref_squeeze %dma_start3A_1457 : memref<1x!tpu.dma_semaphore, #tpu.memory_space<semaphore_mem>> -> memref<!tpu.dma_semaphore, #tpu.memory_space<semaphore_mem>>
    %dma_start3A_1459 = arith.constant 128 : i32
    %dma_start3A_1460 = tpu.memref_slice %arg4[%add3A_1448, %dma_start3A_1459] : memref<10240x256xf32, #tpu.memory_space<hbm>> -> memref<80x128xf32, #tpu.memory_space<hbm>>
    %dma_start3A_1461 = arith.constant 0 : i32
    %dma_start3A_1462 = arith.constant 0 : i32
    %dma_start3A_1463 = tpu.memref_slice %arg7[%dma_start3A_1449, %dma_start3A_1461, %dma_start3A_1462] : memref<4x80x128xf32, #tpu.memory_space<vmem>> -> memref<1x80x128xf32, #tpu.memory_space<vmem>>
    %dma_start3A_1464 = tpu.memref_squeeze %dma_start3A_1463 : memref<1x80x128xf32, #tpu.memory_space<vmem>> -> memref<80x128xf32, #tpu.memory_space<vmem>>
    tpu.enqueue_dma source(%dma_start3A_1464 : memref<80x128xf32, #tpu.memory_space<vmem>>) target(%dma_start3A_1460 : memref<80x128xf32, #tpu.memory_space<hbm>>) target_semaphore(%dma_start3A_1458 : memref<!tpu.dma_semaphore, #tpu.memory_space<semaphore_mem>>)
    %dma_wait3A_1465 = arith.constant 0 : i32
    %dma_wait3A_1466 = arith.constant 0 : i32
    %dma_wait3A_1467 = arith.constant 0 : i32
    %dma_wait3A_1468 = arith.constant 0 : i32
    %dma_wait3A_1469 = tpu.memref_slice %arg6[%dma_wait3A_1465, %dma_wait3A_1467, %dma_wait3A_1468] : memref<4x80x128xf32, #tpu.memory_space<vmem>> -> memref<1x80x128xf32, #tpu.memory_space<vmem>>
    %dma_wait3A_1470 = tpu.memref_squeeze %dma_wait3A_1469 : memref<1x80x128xf32, #tpu.memory_space<vmem>> -> memref<80x128xf32, #tpu.memory_space<vmem>>
    %dma_wait3A_1471 = arith.constant 0 : i32
    %dma_wait3A_1472 = tpu.memref_slice %arg4[%add3A_722, %dma_wait3A_1471] : memref<10240x256xf32, #tpu.memory_space<hbm>> -> memref<80x128xf32, #tpu.memory_space<hbm>>
    %dma_wait3A_1473 = tpu.memref_slice %arg11[%dma_wait3A_1466] : memref<4x!tpu.dma_semaphore, #tpu.memory_space<semaphore_mem>> -> memref<1x!tpu.dma_semaphore, #tpu.memory_space<semaphore_mem>>
    %dma_wait3A_1474 = tpu.memref_squeeze %dma_wait3A_1473 : memref<1x!tpu.dma_semaphore, #tpu.memory_space<semaphore_mem>> -> memref<!tpu.dma_semaphore, #tpu.memory_space<semaphore_mem>>
    %dma_wait3A_1475 = arith.constant 0 : i32
    %dma_wait3A_1476 = tpu.memref_slice %arg4[%add3A_722, %dma_wait3A_1475] : memref<10240x256xf32, #tpu.memory_space<hbm>> -> memref<80x128xf32, #tpu.memory_space<hbm>>
    %dma_wait3A_1477 = arith.constant 0 : i32
    %dma_wait3A_1478 = arith.constant 0 : i32
    %dma_wait3A_1479 = tpu.memref_slice %arg6[%dma_wait3A_1465, %dma_wait3A_1477, %dma_wait3A_1478] : memref<4x80x128xf32, #tpu.memory_space<vmem>> -> memref<1x80x128xf32, #tpu.memory_space<vmem>>
    %dma_wait3A_1480 = tpu.memref_squeeze %dma_wait3A_1479 : memref<1x80x128xf32, #tpu.memory_space<vmem>> -> memref<80x128xf32, #tpu.memory_space<vmem>>
    tpu.wait_dma2 semaphore(%dma_wait3A_1474 : memref<!tpu.dma_semaphore, #tpu.memory_space<semaphore_mem>>) src(%dma_wait3A_1480 : memref<80x128xf32, #tpu.memory_space<vmem>>) dst(%dma_wait3A_1476 : memref<80x128xf32, #tpu.memory_space<hbm>>)
    %dma_wait3A_1481 = arith.constant 0 : i32
    %dma_wait3A_1482 = arith.constant 0 : i32
    %dma_wait3A_1483 = arith.constant 0 : i32
    %dma_wait3A_1484 = arith.constant 0 : i32
    %dma_wait3A_1485 = tpu.memref_slice %arg7[%dma_wait3A_1481, %dma_wait3A_1483, %dma_wait3A_1484] : memref<4x80x128xf32, #tpu.memory_space<vmem>> -> memref<1x80x128xf32, #tpu.memory_space<vmem>>
    %dma_wait3A_1486 = tpu.memref_squeeze %dma_wait3A_1485 : memref<1x80x128xf32, #tpu.memory_space<vmem>> -> memref<80x128xf32, #tpu.memory_space<vmem>>
    %dma_wait3A_1487 = arith.constant 128 : i32
    %dma_wait3A_1488 = tpu.memref_slice %arg4[%add3A_989, %dma_wait3A_1487] : memref<10240x256xf32, #tpu.memory_space<hbm>> -> memref<80x128xf32, #tpu.memory_space<hbm>>
    %dma_wait3A_1489 = tpu.memref_slice %arg12[%dma_wait3A_1482] : memref<4x!tpu.dma_semaphore, #tpu.memory_space<semaphore_mem>> -> memref<1x!tpu.dma_semaphore, #tpu.memory_space<semaphore_mem>>
    %dma_wait3A_1490 = tpu.memref_squeeze %dma_wait3A_1489 : memref<1x!tpu.dma_semaphore, #tpu.memory_space<semaphore_mem>> -> memref<!tpu.dma_semaphore, #tpu.memory_space<semaphore_mem>>
    %dma_wait3A_1491 = arith.constant 128 : i32
    %dma_wait3A_1492 = tpu.memref_slice %arg4[%add3A_989, %dma_wait3A_1491] : memref<10240x256xf32, #tpu.memory_space<hbm>> -> memref<80x128xf32, #tpu.memory_space<hbm>>
    %dma_wait3A_1493 = arith.constant 0 : i32
    %dma_wait3A_1494 = arith.constant 0 : i32
    %dma_wait3A_1495 = tpu.memref_slice %arg7[%dma_wait3A_1481, %dma_wait3A_1493, %dma_wait3A_1494] : memref<4x80x128xf32, #tpu.memory_space<vmem>> -> memref<1x80x128xf32, #tpu.memory_space<vmem>>
    %dma_wait3A_1496 = tpu.memref_squeeze %dma_wait3A_1495 : memref<1x80x128xf32, #tpu.memory_space<vmem>> -> memref<80x128xf32, #tpu.memory_space<vmem>>
    tpu.wait_dma2 semaphore(%dma_wait3A_1490 : memref<!tpu.dma_semaphore, #tpu.memory_space<semaphore_mem>>) src(%dma_wait3A_1496 : memref<80x128xf32, #tpu.memory_space<vmem>>) dst(%dma_wait3A_1492 : memref<80x128xf32, #tpu.memory_space<hbm>>)
    %dma_wait3A_1497 = arith.constant 1 : i32
    %dma_wait3A_1498 = arith.constant 1 : i32
    %dma_wait3A_1499 = arith.constant 0 : i32
    %dma_wait3A_1500 = arith.constant 0 : i32
    %dma_wait3A_1501 = tpu.memref_slice %arg6[%dma_wait3A_1497, %dma_wait3A_1499, %dma_wait3A_1500] : memref<4x80x128xf32, #tpu.memory_space<vmem>> -> memref<1x80x128xf32, #tpu.memory_space<vmem>>
    %dma_wait3A_1502 = tpu.memref_squeeze %dma_wait3A_1501 : memref<1x80x128xf32, #tpu.memory_space<vmem>> -> memref<80x128xf32, #tpu.memory_space<vmem>>
    %dma_wait3A_1503 = arith.constant 0 : i32
    %dma_wait3A_1504 = tpu.memref_slice %arg4[%add3A_755, %dma_wait3A_1503] : memref<10240x256xf32, #tpu.memory_space<hbm>> -> memref<80x128xf32, #tpu.memory_space<hbm>>
    %dma_wait3A_1505 = tpu.memref_slice %arg11[%dma_wait3A_1498] : memref<4x!tpu.dma_semaphore, #tpu.memory_space<semaphore_mem>> -> memref<1x!tpu.dma_semaphore, #tpu.memory_space<semaphore_mem>>
    %dma_wait3A_1506 = tpu.memref_squeeze %dma_wait3A_1505 : memref<1x!tpu.dma_semaphore, #tpu.memory_space<semaphore_mem>> -> memref<!tpu.dma_semaphore, #tpu.memory_space<semaphore_mem>>
    %dma_wait3A_1507 = arith.constant 0 : i32
    %dma_wait3A_1508 = tpu.memref_slice %arg4[%add3A_755, %dma_wait3A_1507] : memref<10240x256xf32, #tpu.memory_space<hbm>> -> memref<80x128xf32, #tpu.memory_space<hbm>>
    %dma_wait3A_1509 = arith.constant 0 : i32
    %dma_wait3A_1510 = arith.constant 0 : i32
    %dma_wait3A_1511 = tpu.memref_slice %arg6[%dma_wait3A_1497, %dma_wait3A_1509, %dma_wait3A_1510] : memref<4x80x128xf32, #tpu.memory_space<vmem>> -> memref<1x80x128xf32, #tpu.memory_space<vmem>>
    %dma_wait3A_1512 = tpu.memref_squeeze %dma_wait3A_1511 : memref<1x80x128xf32, #tpu.memory_space<vmem>> -> memref<80x128xf32, #tpu.memory_space<vmem>>
    tpu.wait_dma2 semaphore(%dma_wait3A_1506 : memref<!tpu.dma_semaphore, #tpu.memory_space<semaphore_mem>>) src(%dma_wait3A_1512 : memref<80x128xf32, #tpu.memory_space<vmem>>) dst(%dma_wait3A_1508 : memref<80x128xf32, #tpu.memory_space<hbm>>)
    %dma_wait3A_1513 = arith.constant 1 : i32
    %dma_wait3A_1514 = arith.constant 1 : i32
    %dma_wait3A_1515 = arith.constant 0 : i32
    %dma_wait3A_1516 = arith.constant 0 : i32
    %dma_wait3A_1517 = tpu.memref_slice %arg7[%dma_wait3A_1513, %dma_wait3A_1515, %dma_wait3A_1516] : memref<4x80x128xf32, #tpu.memory_space<vmem>> -> memref<1x80x128xf32, #tpu.memory_space<vmem>>
    %dma_wait3A_1518 = tpu.memref_squeeze %dma_wait3A_1517 : memref<1x80x128xf32, #tpu.memory_space<vmem>> -> memref<80x128xf32, #tpu.memory_space<vmem>>
    %dma_wait3A_1519 = arith.constant 128 : i32
    %dma_wait3A_1520 = tpu.memref_slice %arg4[%add3A_1142, %dma_wait3A_1519] : memref<10240x256xf32, #tpu.memory_space<hbm>> -> memref<80x128xf32, #tpu.memory_space<hbm>>
    %dma_wait3A_1521 = tpu.memref_slice %arg12[%dma_wait3A_1514] : memref<4x!tpu.dma_semaphore, #tpu.memory_space<semaphore_mem>> -> memref<1x!tpu.dma_semaphore, #tpu.memory_space<semaphore_mem>>
    %dma_wait3A_1522 = tpu.memref_squeeze %dma_wait3A_1521 : memref<1x!tpu.dma_semaphore, #tpu.memory_space<semaphore_mem>> -> memref<!tpu.dma_semaphore, #tpu.memory_space<semaphore_mem>>
    %dma_wait3A_1523 = arith.constant 128 : i32
    %dma_wait3A_1524 = tpu.memref_slice %arg4[%add3A_1142, %dma_wait3A_1523] : memref<10240x256xf32, #tpu.memory_space<hbm>> -> memref<80x128xf32, #tpu.memory_space<hbm>>
    %dma_wait3A_1525 = arith.constant 0 : i32
    %dma_wait3A_1526 = arith.constant 0 : i32
    %dma_wait3A_1527 = tpu.memref_slice %arg7[%dma_wait3A_1513, %dma_wait3A_1525, %dma_wait3A_1526] : memref<4x80x128xf32, #tpu.memory_space<vmem>> -> memref<1x80x128xf32, #tpu.memory_space<vmem>>
    %dma_wait3A_1528 = tpu.memref_squeeze %dma_wait3A_1527 : memref<1x80x128xf32, #tpu.memory_space<vmem>> -> memref<80x128xf32, #tpu.memory_space<vmem>>
    tpu.wait_dma2 semaphore(%dma_wait3A_1522 : memref<!tpu.dma_semaphore, #tpu.memory_space<semaphore_mem>>) src(%dma_wait3A_1528 : memref<80x128xf32, #tpu.memory_space<vmem>>) dst(%dma_wait3A_1524 : memref<80x128xf32, #tpu.memory_space<hbm>>)
    %dma_wait3A_1529 = arith.constant 2 : i32
    %dma_wait3A_1530 = arith.constant 2 : i32
    %dma_wait3A_1531 = arith.constant 0 : i32
    %dma_wait3A_1532 = arith.constant 0 : i32
    %dma_wait3A_1533 = tpu.memref_slice %arg6[%dma_wait3A_1529, %dma_wait3A_1531, %dma_wait3A_1532] : memref<4x80x128xf32, #tpu.memory_space<vmem>> -> memref<1x80x128xf32, #tpu.memory_space<vmem>>
    %dma_wait3A_1534 = tpu.memref_squeeze %dma_wait3A_1533 : memref<1x80x128xf32, #tpu.memory_space<vmem>> -> memref<80x128xf32, #tpu.memory_space<vmem>>
    %dma_wait3A_1535 = arith.constant 0 : i32
    %dma_wait3A_1536 = tpu.memref_slice %arg4[%add3A_788, %dma_wait3A_1535] : memref<10240x256xf32, #tpu.memory_space<hbm>> -> memref<80x128xf32, #tpu.memory_space<hbm>>
    %dma_wait3A_1537 = tpu.memref_slice %arg11[%dma_wait3A_1530] : memref<4x!tpu.dma_semaphore, #tpu.memory_space<semaphore_mem>> -> memref<1x!tpu.dma_semaphore, #tpu.memory_space<semaphore_mem>>
    %dma_wait3A_1538 = tpu.memref_squeeze %dma_wait3A_1537 : memref<1x!tpu.dma_semaphore, #tpu.memory_space<semaphore_mem>> -> memref<!tpu.dma_semaphore, #tpu.memory_space<semaphore_mem>>
    %dma_wait3A_1539 = arith.constant 0 : i32
    %dma_wait3A_1540 = tpu.memref_slice %arg4[%add3A_788, %dma_wait3A_1539] : memref<10240x256xf32, #tpu.memory_space<hbm>> -> memref<80x128xf32, #tpu.memory_space<hbm>>
    %dma_wait3A_1541 = arith.constant 0 : i32
    %dma_wait3A_1542 = arith.constant 0 : i32
    %dma_wait3A_1543 = tpu.memref_slice %arg6[%dma_wait3A_1529, %dma_wait3A_1541, %dma_wait3A_1542] : memref<4x80x128xf32, #tpu.memory_space<vmem>> -> memref<1x80x128xf32, #tpu.memory_space<vmem>>
    %dma_wait3A_1544 = tpu.memref_squeeze %dma_wait3A_1543 : memref<1x80x128xf32, #tpu.memory_space<vmem>> -> memref<80x128xf32, #tpu.memory_space<vmem>>
    tpu.wait_dma2 semaphore(%dma_wait3A_1538 : memref<!tpu.dma_semaphore, #tpu.memory_space<semaphore_mem>>) src(%dma_wait3A_1544 : memref<80x128xf32, #tpu.memory_space<vmem>>) dst(%dma_wait3A_1540 : memref<80x128xf32, #tpu.memory_space<hbm>>)
    %dma_wait3A_1545 = arith.constant 2 : i32
    %dma_wait3A_1546 = arith.constant 2 : i32
    %dma_wait3A_1547 = arith.constant 0 : i32
    %dma_wait3A_1548 = arith.constant 0 : i32
    %dma_wait3A_1549 = tpu.memref_slice %arg7[%dma_wait3A_1545, %dma_wait3A_1547, %dma_wait3A_1548] : memref<4x80x128xf32, #tpu.memory_space<vmem>> -> memref<1x80x128xf32, #tpu.memory_space<vmem>>
    %dma_wait3A_1550 = tpu.memref_squeeze %dma_wait3A_1549 : memref<1x80x128xf32, #tpu.memory_space<vmem>> -> memref<80x128xf32, #tpu.memory_space<vmem>>
    %dma_wait3A_1551 = arith.constant 128 : i32
    %dma_wait3A_1552 = tpu.memref_slice %arg4[%add3A_1295, %dma_wait3A_1551] : memref<10240x256xf32, #tpu.memory_space<hbm>> -> memref<80x128xf32, #tpu.memory_space<hbm>>
    %dma_wait3A_1553 = tpu.memref_slice %arg12[%dma_wait3A_1546] : memref<4x!tpu.dma_semaphore, #tpu.memory_space<semaphore_mem>> -> memref<1x!tpu.dma_semaphore, #tpu.memory_space<semaphore_mem>>
    %dma_wait3A_1554 = tpu.memref_squeeze %dma_wait3A_1553 : memref<1x!tpu.dma_semaphore, #tpu.memory_space<semaphore_mem>> -> memref<!tpu.dma_semaphore, #tpu.memory_space<semaphore_mem>>
    %dma_wait3A_1555 = arith.constant 128 : i32
    %dma_wait3A_1556 = tpu.memref_slice %arg4[%add3A_1295, %dma_wait3A_1555] : memref<10240x256xf32, #tpu.memory_space<hbm>> -> memref<80x128xf32, #tpu.memory_space<hbm>>
    %dma_wait3A_1557 = arith.constant 0 : i32
    %dma_wait3A_1558 = arith.constant 0 : i32
    %dma_wait3A_1559 = tpu.memref_slice %arg7[%dma_wait3A_1545, %dma_wait3A_1557, %dma_wait3A_1558] : memref<4x80x128xf32, #tpu.memory_space<vmem>> -> memref<1x80x128xf32, #tpu.memory_space<vmem>>
    %dma_wait3A_1560 = tpu.memref_squeeze %dma_wait3A_1559 : memref<1x80x128xf32, #tpu.memory_space<vmem>> -> memref<80x128xf32, #tpu.memory_space<vmem>>
    tpu.wait_dma2 semaphore(%dma_wait3A_1554 : memref<!tpu.dma_semaphore, #tpu.memory_space<semaphore_mem>>) src(%dma_wait3A_1560 : memref<80x128xf32, #tpu.memory_space<vmem>>) dst(%dma_wait3A_1556 : memref<80x128xf32, #tpu.memory_space<hbm>>)
    %dma_wait3A_1561 = arith.constant 3 : i32
    %dma_wait3A_1562 = arith.constant 3 : i32
    %dma_wait3A_1563 = arith.constant 0 : i32
    %dma_wait3A_1564 = arith.constant 0 : i32
    %dma_wait3A_1565 = tpu.memref_slice %arg6[%dma_wait3A_1561, %dma_wait3A_1563, %dma_wait3A_1564] : memref<4x80x128xf32, #tpu.memory_space<vmem>> -> memref<1x80x128xf32, #tpu.memory_space<vmem>>
    %dma_wait3A_1566 = tpu.memref_squeeze %dma_wait3A_1565 : memref<1x80x128xf32, #tpu.memory_space<vmem>> -> memref<80x128xf32, #tpu.memory_space<vmem>>
    %dma_wait3A_1567 = arith.constant 0 : i32
    %dma_wait3A_1568 = tpu.memref_slice %arg4[%add3A_821, %dma_wait3A_1567] : memref<10240x256xf32, #tpu.memory_space<hbm>> -> memref<80x128xf32, #tpu.memory_space<hbm>>
    %dma_wait3A_1569 = tpu.memref_slice %arg11[%dma_wait3A_1562] : memref<4x!tpu.dma_semaphore, #tpu.memory_space<semaphore_mem>> -> memref<1x!tpu.dma_semaphore, #tpu.memory_space<semaphore_mem>>
    %dma_wait3A_1570 = tpu.memref_squeeze %dma_wait3A_1569 : memref<1x!tpu.dma_semaphore, #tpu.memory_space<semaphore_mem>> -> memref<!tpu.dma_semaphore, #tpu.memory_space<semaphore_mem>>
    %dma_wait3A_1571 = arith.constant 0 : i32
    %dma_wait3A_1572 = tpu.memref_slice %arg4[%add3A_821, %dma_wait3A_1571] : memref<10240x256xf32, #tpu.memory_space<hbm>> -> memref<80x128xf32, #tpu.memory_space<hbm>>
    %dma_wait3A_1573 = arith.constant 0 : i32
    %dma_wait3A_1574 = arith.constant 0 : i32
    %dma_wait3A_1575 = tpu.memref_slice %arg6[%dma_wait3A_1561, %dma_wait3A_1573, %dma_wait3A_1574] : memref<4x80x128xf32, #tpu.memory_space<vmem>> -> memref<1x80x128xf32, #tpu.memory_space<vmem>>
    %dma_wait3A_1576 = tpu.memref_squeeze %dma_wait3A_1575 : memref<1x80x128xf32, #tpu.memory_space<vmem>> -> memref<80x128xf32, #tpu.memory_space<vmem>>
    tpu.wait_dma2 semaphore(%dma_wait3A_1570 : memref<!tpu.dma_semaphore, #tpu.memory_space<semaphore_mem>>) src(%dma_wait3A_1576 : memref<80x128xf32, #tpu.memory_space<vmem>>) dst(%dma_wait3A_1572 : memref<80x128xf32, #tpu.memory_space<hbm>>)
    %dma_wait3A_1577 = arith.constant 3 : i32
    %dma_wait3A_1578 = arith.constant 3 : i32
    %dma_wait3A_1579 = arith.constant 0 : i32
    %dma_wait3A_1580 = arith.constant 0 : i32
    %dma_wait3A_1581 = tpu.memref_slice %arg7[%dma_wait3A_1577, %dma_wait3A_1579, %dma_wait3A_1580] : memref<4x80x128xf32, #tpu.memory_space<vmem>> -> memref<1x80x128xf32, #tpu.memory_space<vmem>>
    %dma_wait3A_1582 = tpu.memref_squeeze %dma_wait3A_1581 : memref<1x80x128xf32, #tpu.memory_space<vmem>> -> memref<80x128xf32, #tpu.memory_space<vmem>>
    %dma_wait3A_1583 = arith.constant 128 : i32
    %dma_wait3A_1584 = tpu.memref_slice %arg4[%add3A_1448, %dma_wait3A_1583] : memref<10240x256xf32, #tpu.memory_space<hbm>> -> memref<80x128xf32, #tpu.memory_space<hbm>>
    %dma_wait3A_1585 = tpu.memref_slice %arg12[%dma_wait3A_1578] : memref<4x!tpu.dma_semaphore, #tpu.memory_space<semaphore_mem>> -> memref<1x!tpu.dma_semaphore, #tpu.memory_space<semaphore_mem>>
    %dma_wait3A_1586 = tpu.memref_squeeze %dma_wait3A_1585 : memref<1x!tpu.dma_semaphore, #tpu.memory_space<semaphore_mem>> -> memref<!tpu.dma_semaphore, #tpu.memory_space<semaphore_mem>>
    %dma_wait3A_1587 = arith.constant 128 : i32
    %dma_wait3A_1588 = tpu.memref_slice %arg4[%add3A_1448, %dma_wait3A_1587] : memref<10240x256xf32, #tpu.memory_space<hbm>> -> memref<80x128xf32, #tpu.memory_space<hbm>>
    %dma_wait3A_1589 = arith.constant 0 : i32
    %dma_wait3A_1590 = arith.constant 0 : i32
    %dma_wait3A_1591 = tpu.memref_slice %arg7[%dma_wait3A_1577, %dma_wait3A_1589, %dma_wait3A_1590] : memref<4x80x128xf32, #tpu.memory_space<vmem>> -> memref<1x80x128xf32, #tpu.memory_space<vmem>>
    %dma_wait3A_1592 = tpu.memref_squeeze %dma_wait3A_1591 : memref<1x80x128xf32, #tpu.memory_space<vmem>> -> memref<80x128xf32, #tpu.memory_space<vmem>>
    tpu.wait_dma2 semaphore(%dma_wait3A_1586 : memref<!tpu.dma_semaphore, #tpu.memory_space<semaphore_mem>>) src(%dma_wait3A_1592 : memref<80x128xf32, #tpu.memory_space<vmem>>) dst(%dma_wait3A_1588 : memref<80x128xf32, #tpu.memory_space<hbm>>)
    return
  }
}

module attributes {stable_mosaic.version = 14 : i64} {
  func.func @_tc_body(%arg0: i32, %arg1: memref<2048x256xf32, #tpu.memory_space<vmem>>, %arg2: memref<128x256xf32, #tpu.memory_space<vmem>>, %arg3: memref<2048x128xf32, #tpu.memory_space<vmem>>) attributes {dimension_semantics = [#tpu.dimension_semantics<arbitrary>], iteration_bounds = array<i64: 5>, scalar_prefetch = 0 : i64, scratch_operands = 0 : i64, tpu.core_type = #tpu.core_type<tc>, window_params = [{transform_indices = @transform_0, window_bounds = array<i64: 2048, 256>}, {pipeline_mode = #tpu.pipeline_mode<synchronous>, transform_indices = @transform_1, window_bounds = array<i64: 128, 256>}, {transform_indices = @transform_2, window_bounds = array<i64: 2048, 128>}]} {
    %get3A = arith.constant 0 : index
    %get3A_0 = arith.constant 0 : index
    %get3A_1 = vector.load %arg1[%get3A, %get3A_0] : memref<2048x256xf32, #tpu.memory_space<vmem>>, vector<2048x256xf32>
    %get3A_2 = arith.constant 0 : index
    %get3A_3 = arith.constant 0 : index
    %get3A_4 = vector.load %arg2[%get3A_2, %get3A_3] : memref<128x256xf32, #tpu.memory_space<vmem>>, vector<128x256xf32>
    %dot_general3A = arith.constant dense<0.000000e+00> : vector<2048x128xf32>
    %dot_general3A_5 = tpu.matmul %get3A_1, %get3A_4, %dot_general3A {dimension_numbers = #tpu.dot_dimension_numbers<[1], [1], [0], [0], [0, 0, 1, 0], [], []>, transpose_lhs_hint = false} : vector<2048x256xf32>, vector<128x256xf32>, vector<2048x128xf32> -> vector<2048x128xf32>
    %max3A = arith.constant 0.000000e+00 : f32
    %max3A_6 = vector.broadcast %max3A : f32 to vector<2048x128xf32>
    %max3A_7 = arith.maximumf %dot_general3A_5, %max3A_6 : vector<2048x128xf32>
    %swap3A = arith.constant 0 : index
    %swap3A_8 = arith.constant 0 : index
    %swap3A_9 = vector.load %arg3[%swap3A, %swap3A_8] : memref<2048x128xf32, #tpu.memory_space<vmem>>, vector<2048x128xf32>
    tpu.vector_store %arg3[%swap3A, %swap3A_8], %max3A_7 {strides = array<i32>} : memref<2048x128xf32, #tpu.memory_space<vmem>>, vector<2048x128xf32>,
    return
  }
  func.func @transform_0(%arg0: i32) -> (i32, i32) {
    %c0_i32 = arith.constant 0 : i32
    %c0_i32_0 = arith.constant 0 : i32
    return %arg0, %c0_i32 : i32, i32
  }
  func.func @transform_1(%arg0: i32) -> (i32, i32) {
    %c0_i32 = arith.constant 0 : i32
    %c0_i32_0 = arith.constant 0 : i32
    %c0_i32_1 = arith.constant 0 : i32
    return %c0_i32, %c0_i32_0 : i32, i32
  }
  func.func @transform_2(%arg0: i32) -> (i32, i32) {
    %c0_i32 = arith.constant 0 : i32
    %c0_i32_0 = arith.constant 0 : i32
    return %arg0, %c0_i32 : i32, i32
  }
}

</mosaic_0001>

<sc_bundles>
// kernel: kernel.4.cloned.1.call-start
scs
__scs_entry_jumppad:
0x0: {  	(pc) =	sbr.rel $0x88, $3  }
0x1: {  	(tag) =	ssettag $0x0;
	lr =	simm.s32 $0x1  }
0x2: {  	[smem:$0x3F9D] =	sst lr;
	_ =	strace $0xD0000000  }
0x3: {  	_ = 	snop  }
0x4: {  	_ = 	snop  }
0x5: {  	_ = 	snop  }
0x6: {  	_ = 	snop  }
0x7: {  	_ = 	snop  }
__scs_overlays_trampoline_lowered:
0x8: {  	[smem:$0x3FAC] =	sst s0  }
0x9: {  	[smem:$0x3FAD] =	sst s1  }
0xa: {  	[smem:$0x3FAE] =	sst s2  }
0xb: {  	[smem:$0x3FAF] =	sst s3  }
0xc: {  	[smem:$0x3FB0] =	sst s4  }
0xd: {  	[smem:$0x3FB1] =	sst s5  }
0xe: {  	[smem:$0x3FB2] =	sst s6  }
0xf: {  	[smem:$0x3FB3] =	sst s7  }
0x10: {  	[smem:$0x3FB4] =	sst s8  }
0x11: {  	[smem:$0x3FB5] =	sst s9;
	s0 =	simm.s32 @!p0 $0x0  }
0x12: {  	s1 =	sld [smem:$0x3F9B];
	s0 =	simm.s32 @p0 $0x1  }
0x13: {  	[smem:$0x3FB6] =	sst s0;
	s0 =	simm.s32 @!p1 $0x0  }
0x14: {  	s2 =	sld [smem:$0x3F9A];
	s0 =	simm.s32 @p1 $0x1  }
0x15: {  	[smem:$0x3FB7] =	sst s0;
	s0 =	simm.s32 @!p2 $0x0  }
0x16: {  	s3 =	sld [smem:$0x3FDB];
	s0 =	simm.s32 @p2 $0x1  }
0x17: {  	s4 =	simm.s32 $0x1BF5;
	[smem:$0x3FB9] =	sst s0  }
0x18: {  	s0 =	sld [smem:$0x3F9C];
	_ =	swait.ge [sflag:s4], $0x0  }
0x19: {  	s7 =	sld [smem:$0x3F9D]  }
0x1a: {  	s8 =	sadd.s32 $0xFFFFE003, lr  }
0x1b: {  	s9 =	sadd.s32 $0xFFFFFEF7, lr;
	s5 =	simm.s32 $0xFFFFFFFF;
	p2 =	slt.u32 s8, $0xFFFFF086  }
0x1c: {  	p1 =	slt.u32 s9, $0xF7A;
	s5 =	simm.s32 @!p2 $0x0  }
0x1d: {  	s5 =	simm.s32 @p1 $0x1;
	p0 =	seq.s32 s7, s2  }
0x1e: {  	s7 =	smul.u32 @!p0 $0xF7A, s2;
	p2 =	seq.s32 @!p0 s5, $0x0  }
0x1f: {  	s9 =	smul.u32 $0xF7A, s1;
	s8 =	simm.s32 @!p0 $0x1BF5;
	p2 =	por !p2, p0  }
0x20: {  	[sflag:s8] =	ssyncset.s32 @!p0 $0xFFFFF086;
	s6 =	sadd.s32 @!p0 s3, s7;
	s7 =	simm.s32 @!p0 $0x108  }
0x21: {  	s3 =	sadd.s32 s3, s9;
	s6 =	sadd.s32 @!p0 $0x88, s6;
	s7 =	simm.s32 @p2 $0x1082  }
0x22: {  	[simem:s7], [sflag:s8] =	dma.local @!p0 [hbm:s6], $0xF7A  }
0x23: {  	s9 =	sor.u32 $0xD0000000, s2;
	s6 =	simm.s32 $0x108;
	_ =	swait.ge @!p0 [sflag:s8], $0x0  }
0x24: {  	s3 =	sadd.s32 $0x88, s3;
	s6 =	simm.s32 @!p1 $0x1082;
	[sflag:s4] =	ssyncset.s32 $0xFFFFF086  }
0x25: {  	[simem:s6], [sflag:s4] =	dma.local [hbm:s3], $0xF7A  }
0x26: {  	[smem:$0x3F9D] =	sst s1;
	(tag) =	ssettag s2;
	_ =	strace s9  }
0x27: {  	s1 =	sld [smem:$0x3FAD]  }
0x28: {  	s2 =	sld [smem:$0x3FAE]  }
0x29: {  	s4 =	sld [smem:$0x3FB0]  }
0x2a: {  	p0 =	seq.s32 s5, $0x0;
	s5 =	sld [smem:$0x3FB1]  }
0x2b: {  	s6 =	sld [smem:$0x3FB2]  }
0x2c: {  	s7 =	sld [smem:$0x3FB3]  }
0x2d: {  	s3 =	simm.s32 $0x108;
	s8 =	sld [smem:$0x3FB4]  }
0x2e: {  	s3 =	simm.s32 @!p0 $0x1082;
	s9 =	sld [smem:$0x3FB5]  }
0x2f: {  	lr =	sadd.s32 s0, s3;
	s0 =	sld [smem:$0x3FAC]  }
0x30: {  	s3 =	sld [smem:$0x3FAF]  }
0x31: {  	[smem:$0x3FB8] =	sst s10  }
0x32: {  	s10 =	sld [smem:$0x3FB6];
	_ =	sdelay $0x3  }
0x33: {  	p0 =	seq.s32 s10, $0x1;
	s10 =	sld [smem:$0x3FB8];
	_ =	sdelay $0x3  }
0x34: {  	[smem:$0x3FB8] =	sst s10  }
0x35: {  	s10 =	sld [smem:$0x3FB7];
	_ =	sdelay $0x3  }
0x36: {  	p1 =	seq.s32 s10, $0x1;
	s10 =	sld [smem:$0x3FB8];
	_ =	sdelay $0x3  }
0x37: {  	[smem:$0x3FB8] =	sst s10  }
0x38: {  	s10 =	sld [smem:$0x3FB9]  }
0x39: {  	_ = 	snop;
	(pc) =	sbr.ind lr, $3  }
0x3a: {  	_ = 	snop  }
0x3b: {  	_ = 	snop  }
0x3c: {  	p2 =	seq.s32 s10, $0x1;
	s10 =	sld [smem:$0x3FB8]  }
0x3d: {  	_ =	shalt  }
0x3e: {  	_ =	shalt  }
0x3f: {  	_ =	shalt  }
0x40: {  	_ =	shalt  }
0x41: {  	_ =	shalt  }
0x42: {  	_ =	shalt  }
0x43: {  	_ =	shalt  }
0x44: {  	_ =	shalt  }
0x45: {  	_ =	shalt  }
0x46: {  	_ =	shalt  }
0x47: {  	_ =	shalt  }
0x48: {  	_ =	shalt  }
0x49: {  	_ =	shalt  }
0x4a: {  	_ =	shalt  }
0x4b: {  	_ =	shalt  }
0x4c: {  	_ =	shalt  }
0x4d: {  	_ =	shalt  }
0x4e: {  	_ =	shalt  }
0x4f: {  	_ =	shalt  }
0x50: {  	_ =	shalt  }
0x51: {  	_ =	shalt  }
0x52: {  	_ =	shalt  }
0x53: {  	_ =	shalt  }
0x54: {  	_ =	shalt  }
0x55: {  	_ =	shalt  }
0x56: {  	_ =	shalt  }
0x57: {  	_ =	shalt  }
0x58: {  	_ =	shalt  }
0x59: {  	_ =	shalt  }
0x5a: {  	_ =	shalt  }
0x5b: {  	_ =	shalt  }
0x5c: {  	_ =	shalt  }
0x5d: {  	_ =	shalt  }
0x5e: {  	_ =	shalt  }
0x5f: {  	_ =	shalt  }
0x60: {  	_ =	shalt  }
0x61: {  	_ =	shalt  }
0x62: {  	_ =	shalt  }
0x63: {  	_ =	shalt  }
0x64: {  	_ =	shalt  }
0x65: {  	_ =	shalt  }
0x66: {  	_ =	shalt  }
0x67: {  	_ =	shalt  }
0x68: {  	_ =	shalt  }
0x69: {  	_ =	shalt  }
0x6a: {  	_ =	shalt  }
0x6b: {  	_ =	shalt  }
0x6c: {  	_ =	shalt  }
0x6d: {  	_ =	shalt  }
0x6e: {  	_ =	shalt  }
0x6f: {  	_ =	shalt  }
0x70: {  	_ =	shalt  }
0x71: {  	_ =	shalt  }
0x72: {  	_ =	shalt  }
0x73: {  	_ =	shalt  }
0x74: {  	_ =	shalt  }
0x75: {  	_ =	shalt  }
0x76: {  	_ =	shalt  }
0x77: {  	_ =	shalt  }
0x78: {  	_ =	shalt  }
0x79: {  	_ =	shalt  }
0x7a: {  	_ =	shalt  }
0x7b: {  	_ =	shalt  }
0x7c: {  	_ =	shalt  }
0x7d: {  	_ =	shalt  }
0x7e: {  	_ =	shalt  }
0x7f: {  	_ =	shalt  }
0x80: {  	_ =	shalt  }
0x81: {  	_ =	shalt  }
0x82: {  	_ =	shalt  }
0x83: {  	_ =	shalt  }
0x84: {  	_ =	shalt  }
0x85: {  	_ =	shalt  }
0x86: {  	_ =	shalt  }
0x87: {  	_ =	shalt  }
.Lfunc_end0:
.L_simem_size_0:
called_computation_lowered:
.L_overlay_start_0:
0x88: {  	s2 =	sld [smem:$0x3FD9]  }
0x89: {  	s3 =	sld [smem:$0x3FFE];
	_ =	sdelay $0x1  }
0x8a: {  	s1 =	srdreg.scid  }
0x8b: {  	s0 =	sand.u32 $0x1, s1  }
0x8c: {  	s17 =	sshll.u32 s0, $0xA;
	s2 =	sadd.s32 s3, s2  }
0x8d: {  	s2 =	sadd.s32 s2, s17  }
0x8e: {  	[smem:$0x3FC4] =	sst s2  }
0x8f: {  	_ = 	snop  }
0x90: {  	s2 =	sld [smem:$0x3FC8]  }
0x91: {  	s18 =	sld [smem:$0x3FD0];
	(tm) =	ssettm $0x1  }
0x92: {  	s4 =	sld [smem:$0x3FFB];
	_ =	sdelay $0x3  }
0x93: {  	_ =	strace s4  }
0x94: {  	s4 =	sld [smem:$0x3FFC];
	_ =	sdelay $0x3  }
0x95: {  	_ =	strace s4  }
0x96: {  	s4 =	sld [smem:$0x3FFD];
	_ =	sdelay $0x3  }
0x97: {  	_ =	strace s4  }
0x98: {  	_ =	strace $0x8FFFFFFF  }
0x99: {  	s19 =	sld [smem:$0x3FDB];
	_ =	sdelay $0x1  }
0x9a: {  	s5 =	simm.s32 $_scs_section_size  }
0x9b: {  	s6 =	simm.s32 $_size__tile_overlayer_lowered;
	s7 =	simm.s32 $_tile_overlayer_lowered  }
0x9c: {  	s22 =	simm.s32 $0x1BFF;
	s21 =	sshll.u32 s7, $0x1;
	s4 =	sadd.s32 s5, s19  }
0x9d: {  	s8 =	simm.s32 $0x0;
	s20 =	sshll.u32 s6, $0x1;
	s6 =	sadd.s32 s21, s4  }
0x9e: {  	[timem:s8], [sflag:s22] =	dma.local [hbm:s6], s20  }
0x9f: {  	_ =	swait.ge [sflag:s22], s20  }
0xa0: {  	s5 =	ssub.s32 $0x0, s20;
	[sflag:s22] =	ssyncset.done $0x0  }
0xa1: {  	[sflag:s22] =	ssyncadd.s32 s5;
	_ =	sdelay $0x1  }
0xa2: {  	s23 =	simm.s32 $0x1B8B  }
0xa3: {  	_ =	swait.ge [sflag:s23], $0x1  }
0xa4: {  	[sflag:s23] =	ssyncset.done $0x0  }
0xa5: {  	s25 =	simm.s32 $0x1B8E;
	s24 =	sld [smem:$0x3FFE];
	[sflag:s23] =	ssyncadd.s32 $0xFFFFFFFF  }
0xa6: {  	s26 =	simm.s32 $execute0_lowered;
	[smem:$0x3FD2] =	sst s25  }
0xa7: {  	s6 =	sshll.u32 s26, $0x1;
	_ =	strace $0x80000046;
	[dreg:$0x1] =	wrdreg $0xFFFFFFFF  }
0xa8: {  	s28 =	simm.s32 $_size_execute0_lowered;
	s4 =	sadd.s32 s4, s6;
	[dreg:$0x0] =	wrdreg $0x0  }
0xa9: {  	s6 =	sshll.u32 s28, $0x1;
	[dreg:$0x2] =	wrdreg s4  }
0xaa: {  	[dreg:$0x3] =	wrdreg s6  }
0xab: {  	[dreg:$0x4] =	wrdreg $0xC0  }
0xac: {  	_ =	task [dreg:s8], $0x5FFFF  }
0xad: {  	[dreg:$0x1] =	wrdreg $0xFFFFFFFF  }
0xae: {  	[dreg:$0x0] =	wrdreg $0x60  }
0xaf: {  	[dreg:$0x2] =	wrdreg s18  }
0xb0: {  	[dreg:$0x3] =	wrdreg s2  }
0xb1: {  	[dreg:$0x4] =	wrdreg s24  }
0xb2: {  	[dreg:$0x5] =	wrdreg $0x9  }
0xb3: {  	_ =	task.clear_ibuf [dreg:s8], $0x6FFFF;
	_ =	strace $0x90000046  }
0xb4: {  	s29 =	simm.s32 $0x9;
	_ =	strace $0x80000048  }
0xb5: {  	_ =	swait.ge [sflag:s29], $0x1  }
0xb6: {  	[sflag:s29] =	ssyncadd.s32 $0xFFFFFFFF  }
0xb7: {  	_ =	strace $0x90000048  }
0xb8: {  	_ =	sfence  }
0xb9: {  	s30 =	sld [smem:$0x0];
	_ =	sdelay $0x2  }
0xba: {  	s31 =	sshll.u32 s1, $0xD;
	s1 =	sshrl.u32 s1, $0x2  }
0xbb: {  	s3 =	sand.u32 $0x4000, s31;
	s1 =	sadd.s32 s1, s30  }
0xbc: {  	s0 =	sor.u32 s3, s0;
	s1 =	sshll.u32 s1, $0x11  }
0xbd: {  	s0 =	sor.u32 s1, s0  }
0xbe: {  	s0 =	sadd.s32 $0x8F2B, s0  }
0xbf: {  	[sflag:s0] =	ssyncadd.remote.s32 $0x1  }
0xc0: {  	_ =	sfence.sel $0xFFFF  }
0xc1: {  	[dreg:$0x0] =	wrdreg $0xFFFFFFFF;
	(pc) =	sbr.abs _section_cstart, $3  }
0xc2: {  	[dreg:$0x1] =	wrdreg $0xFFFFFFFF  }
0xc3: {  	_ =	task.clear_ibuf [dreg:s8], $0x2FFFF;
	_ =	strace $0x9FFFFFFF  }
0xc4: {  	(tm) =	ssettm $0x7FFFFFFF  }
0xc5: {  	_ =	shalt  }
tec
execute0_lowered:
.L_overlay_start_1:
0x0: {  	(tag) =	ssettag $0x1  }
0x1: {  	s1 =	rddreg [dreg:$0x0]  }
0x2: {  	s15 =	rddreg [dreg:$0x1]  }
0x3: {  	s3 =	rddreg [dreg:$0x2];
	s5 =	simm.s32 $0x0  }
0x4: {  	s21 =	simm.s32 $0x80;
	[smem:$0x7FF] =	sst s5  }
0x5: {  	s23 =	simm.s32 $0x580;
	_ =	strace $0x80000047;
	[dreg:$0xd] =	wrdreg s21  }
0x6: {  	s24 =	simm.s32 $0x600;
	[dreg:$0xe] =	wrdreg s23  }
0x7: {  	s25 =	simm.s32 $0xB00;
	[dreg:$0xf] =	wrdreg s24  }
0x8: {  	s26 =	simm.s32 $0xB80;
	[dreg:$0x10] =	wrdreg s25  }
0x9: {  	s5 =	simm.s32 $0x180;
	[dreg:$0x11] =	wrdreg s26  }
0xa: {  	s6 =	simm.s32 $0x200;
	[dreg:$0x15] =	wrdreg s5  }
0xb: {  	s7 =	simm.s32 $0x280;
	[dreg:$0x16] =	wrdreg s6  }
0xc: {  	s8 =	simm.s32 $0x300;
	[dreg:$0x17] =	wrdreg s7  }
0xd: {  	s9 =	simm.s32 $0x380;
	[dreg:$0x18] =	wrdreg s8  }
0xe: {  	s10 =	simm.s32 $0x480;
	[dreg:$0x19] =	wrdreg s9  }
0xf: {  	s11 =	simm.s32 $0x500;
	[dreg:$0x1a] =	wrdreg s10  }
0x10: {  	[dreg:$0x1b] =	wrdreg s11;
	s23 =	simm.s32 $0xC00  }
0x11: {  	s24 =	simm.s32 $0xC80;
	[smem:$0x7EC] =	sst s23  }
0x12: {  	s25 =	simm.s32 $0xD00;
	[smem:$0x7ED] =	sst s24  }
0x13: {  	s0 =	srdreg.scid;
	s26 =	simm.s32 $0xD80;
	[smem:$0x7EE] =	sst s25  }
0x14: {  	s22 =	stileid.u32;
	s5 =	simm.s32 $0xF00;
	[smem:$0x7EF] =	sst s26  }
0x15: {  	s0 =	sand.u32 $0x1, s0;
	s6 =	simm.s32 $0xF80;
	[smem:$0x7F2] =	sst s5  }
0x16: {  	s2 =	sshll.u32 s22, $0x1;
	s7 =	simm.s32 $0x1000;
	[smem:$0x7F3] =	sst s6  }
0x17: {  	s2 =	sor.u32 s0, s2;
	s8 =	simm.s32 $0x1180;
	[smem:$0x7F4] =	sst s7  }
0x18: {  	s0 =	ssub.s32 $0x2, s0;
	s9 =	simm.s32 $0x1200;
	[smem:$0x7F5] =	sst s8  }
0x19: {  	s10 =	simm.s32 $0x1280;
	s4 =	smul.u32 $0x14000, s2;
	[smem:$0x7F6] =	sst s9  }
0x1a: {  	s11 =	simm.s32 $0x1300;
	s2 =	smul.u32 $0x300, s2;
	[smem:$0x7F7] =	sst s10  }
0x1b: {  	s21 =	sshrl.u32 s0, $0x1;
	[smem:$0x7F8] =	sst s11;
	s24 =	simm.s32 $0x1580  }
0x1c: {  	s0 =	ssub.s32 s0, s21;
	s21 =	simm.s32 $0x1500;
	[smem:$0x7FD] =	sst s24  }
0x1d: {  	s1 =	sadd.s32 s1, s2;
	[smem:$0x7FC] =	sst s21  }
0x1e: {  	s4 =	sshrl.u32 s4, $0x3;
	s2 =	simm.s32 $0x1080;
	[dreg:$0x4] =	wrdreg s1  }
0x1f: {  	s3 =	sadd.s32 s4, s3;
	[dreg:$0x12] =	wrdreg s2;
	s4 =	simm.s32 $0x100  }
0x20: {  	s31 =	simm.s32 $0x1;
	[dreg:$0x14] =	wrdreg s4  }
0x21: {  	s30 =	simm.s32 $0x2;
	s12 =	sadd.s32 $0xA00, s3;
	s21 =	rddreg [dreg:$0x4]  }
0x22: {  	s29 =	simm.s32 $0x3;
	s13 =	sadd.s32 $0x1400, s3;
	[dreg:$0x5] =	wrdreg s12  }
0x23: {  	s28 =	simm.s32 $0x4;
	s14 =	sadd.s32 $0x1E00, s3;
	[dreg:$0x6] =	wrdreg s13  }
0x24: {  	p0 =	por $0x0, $0x0;
	s16 =	sadd.s32 $0x2800, s3;
	[dreg:$0x7] =	wrdreg s14  }
0x25: {  	s23 =	simm.s32 $0x50;
	s17 =	sadd.s32 $0xA80, s3;
	[dreg:$0x8] =	wrdreg s16  }
0x26: {  	s25 =	simm.s32 $0x6800;
	s18 =	sadd.s32 $0x1480, s3;
	[dreg:$0x9] =	wrdreg s17  }
0x27: {  	s26 =	simm.s32 $0x9000;
	s19 =	sadd.s32 $0x1E80, s3;
	[dreg:$0xa] =	wrdreg s18  }
0x28: {  	s5 =	simm.s32 $0x800;
	s20 =	sadd.s32 $0x2880, s3;
	[dreg:$0xb] =	wrdreg s19  }
0x29: {  	s10 =	simm.s32 $0x8;
	s3 =	simm.s32 $0x1100;
	[dreg:$0xc] =	wrdreg s20  }
0x2a: {  	s11 =	simm.s32 $0xA;
	s4 =	simm.s32 $0xE80;
	[dreg:$0x13] =	wrdreg s3  }
0x2b: {  	s9 =	simm.s32 $0xE;
	s12 =	simm.s32 $0x680;
	[smem:$0x7F1] =	sst s4  }
0x2c: {  	s8 =	simm.s32 $0xB;
	s13 =	simm.s32 $0x700;
	[dreg:$0x1c] =	wrdreg s12  }
0x2d: {  	s7 =	simm.s32 $0xF;
	s14 =	simm.s32 $0x780;
	[dreg:$0x1d] =	wrdreg s13  }
0x2e: {  	s6 =	simm.s32 $0xC;
	s16 =	simm.s32 $0x880;
	[dreg:$0x1e] =	wrdreg s14  }
0x2f: {  	s0 =	smax.u32 s0, $0x1;
	s17 =	simm.s32 $0x900;
	[dreg:$0x1f] =	wrdreg s16  }
0x30: {  	s1 =	simm.s32 $0x11;
	s18 =	simm.s32 $0x980;
	[smem:$0x7E8] =	sst s17  }
0x31: {  	s2 =	simm.s32 $0x13000;
	s19 =	simm.s32 $0xA00;
	[smem:$0x7E9] =	sst s18  }
0x32: {  	p1 =	sne.s32 s0, $0x1;
	s20 =	simm.s32 $0xA80;
	[smem:$0x7EA] =	sst s19  }
0x33: {  	s0 =	sadd.s32 $0xFFFFFFFF, s0;
	s3 =	simm.s32 $0xE00;
	[smem:$0x7EB] =	sst s20  }
0x34: {  	s4 =	simm.s32 $0x10;
	[smem:$0x7F0] =	sst s3;
	s19 =	simm.s32 $0xB800  }
.Ltmp0:
0x35: {  	s17 =	simm.s32 $0xE000;
	s12 =	simm.s32 $0x1380;
	(pc) =	sbr.rel @!p1 .LBB2_5-.Ltmp0, $4  }
0x36: {  	s14 =	simm.s32 $0x10800;
	s13 =	simm.s32 $0x1400;
	[smem:$0x7F9] =	sst s12  }
0x37: {  	s20 =	simm.s32 $0x5;
	s16 =	simm.s32 $0x1480;
	[smem:$0x7FA] =	sst s13  }
0x38: {  	s3 =	simm.s32 $0x400;
	s18 =	simm.s32 $0x6;
	[smem:$0x7FB] =	sst s16  }
0x39: {  	s16 =	simm.s32 $0x7;
	s12 =	simm.s32 $0x9;
	s13 =	simm.s32 $0xD  }
0x3a: {  	[smem:$0x7E7] =	sst s0;
	s0 =	simm.s32 $0x0  }
0x3b: {  	[tilespmem:s0], [sflag:$0x11] =	stream.linear.gather [hbm4b:s21+s0], $0x1600, $0x38;
	[tilespmem:$0x15800] =	vst v63  }
0x3c: {  	_ =	swait.ge [sflag:s1], $0x1600  }
0x3d: {  	[sflag:s1] =	ssyncset.done $0x0  }
0x3e: {  	s24 =	simm.s32 $0x1800;
	[sflag:s1] =	ssyncadd.s32 $0xFFFFEA00  }
0x3f: {  	[tilespmem:s24], [sflag:$0x1] =	stream.indirect.gather [hbm4b:s15+s23], $0x80, s0, s23, $0xb8;
	[tilespmem:$0x15800] =	vst v63  }
0x40: {  	s22 =	rddreg [dreg:$0xd]  }
0x41: {  	[tilespmem:s19], [sflag:$0x5] =	stream.indirect.gather [hbm4b:s15+s23], $0x80, s22, s23, $0xb8;
	[tilespmem:$0x15800] =	vst v63  }
0x42: {  	s0 =	rddreg [dreg:$0xe];
	s22 =	simm.s32 $0x4000  }
0x43: {  	[tilespmem:s22], [sflag:$0x2] =	stream.indirect.gather [hbm4b:s15+s23], $0x80, s0, s23, $0xb8;
	[tilespmem:$0x15800] =	vst v63  }
0x44: {  	s21 =	rddreg [dreg:$0xf]  }
0x45: {  	[tilespmem:s17], [sflag:$0x6] =	stream.indirect.gather [hbm4b:s15+s23], $0x80, s21, s23, $0xb8;
	[tilespmem:$0x15800] =	vst v63  }
0x46: {  	s0 =	rddreg [dreg:$0x10]  }
0x47: {  	[tilespmem:s25], [sflag:$0x3] =	stream.indirect.gather [hbm4b:s15+s23], $0x80, s0, s23, $0xb8;
	[tilespmem:$0x15800] =	vst v63  }
0x48: {  	s21 =	rddreg [dreg:$0x11]  }
0x49: {  	[tilespmem:s14], [sflag:$0x7] =	stream.indirect.gather [hbm4b:s15+s23], $0x80, s21, s23, $0xb8;
	[tilespmem:$0x15800] =	vst v63  }
0x4a: {  	s0 =	rddreg [dreg:$0x12]  }
0x4b: {  	[tilespmem:s26], [sflag:$0x4] =	stream.indirect.gather [hbm4b:s15+s23], $0x80, s0, s23, $0xb8;
	[tilespmem:$0x15800] =	vst v63  }
0x4c: {  	s21 =	rddreg [dreg:$0x13]  }
0x4d: {  	[tilespmem:s2], [sflag:$0x8] =	stream.indirect.gather [hbm4b:s15+s23], $0x80, s21, s23, $0xb8;
	[tilespmem:$0x15800] =	vst v63  }
0x4e: {  	_ =	swait.ge [sflag:s20], $0x2800  }
0x4f: {  	[sflag:s20] =	ssyncset.done $0x0  }
0x50: {  	s0 =	rddreg [dreg:$0x14];
	[sflag:s20] =	ssyncadd.s32 $0xFFFFD800  }
0x51: {  	[tilespmem:s19], [sflag:$0x5] =	stream.indirect.gather.add.f32 [hbm:s15], $0x80, s0, s23, $0xb8;
	[tilespmem:$0x15800] =	vst v63  }
0x52: {  	s21 =	rddreg [dreg:$0x15]  }
0x53: {  	[tilespmem:s19], [sflag:$0x5] =	stream.indirect.gather.add.f32 [hbm:s15], $0x80, s21, s23, $0xb8;
	[tilespmem:$0x15800] =	vst v63  }
0x54: {  	s0 =	rddreg [dreg:$0x16]  }
0x55: {  	[tilespmem:s19], [sflag:$0x5] =	stream.indirect.gather.add.f32 [hbm:s15], $0x80, s0, s23, $0xb8;
	[tilespmem:$0x15800] =	vst v63  }
0x56: {  	s21 =	rddreg [dreg:$0x17]  }
0x57: {  	[tilespmem:s19], [sflag:$0x5] =	stream.indirect.gather.add.f32 [hbm:s15], $0x80, s21, s23, $0xb8;
	[tilespmem:$0x15800] =	vst v63  }
0x58: {  	s0 =	rddreg [dreg:$0x18]  }
0x59: {  	[tilespmem:s19], [sflag:$0x5] =	stream.indirect.gather.add.f32 [hbm:s15], $0x80, s0, s23, $0xb8;
	[tilespmem:$0x15800] =	vst v63  }
0x5a: {  	s21 =	rddreg [dreg:$0x19]  }
0x5b: {  	[tilespmem:s19], [sflag:$0x5] =	stream.indirect.gather.add.f32 [hbm:s15], $0x80, s21, s23, $0xb8;
	[tilespmem:$0x15800] =	vst v63  }
0x5c: {  	_ = 	snop  }
0x5d: {  	[tilespmem:s19], [sflag:$0x5] =	stream.indirect.gather.add.f32 [hbm:s15], $0x80, s3, s23, $0xb8;
	[tilespmem:$0x15800] =	vst v63  }
0x5e: {  	s0 =	rddreg [dreg:$0x1a]  }
0x5f: {  	[tilespmem:s19], [sflag:$0x5] =	stream.indirect.gather.add.f32 [hbm:s15], $0x80, s0, s23, $0xb8;
	[tilespmem:$0x15800] =	vst v63  }
0x60: {  	s21 =	rddreg [dreg:$0x1b]  }
0x61: {  	[tilespmem:s19], [sflag:$0x5] =	stream.indirect.gather.add.f32 [hbm:s15], $0x80, s21, s23, $0xb8;
	[tilespmem:$0x15800] =	vst v63  }
0x62: {  	_ =	swait.ge [sflag:s18], $0x2800  }
0x63: {  	[sflag:s18] =	ssyncset.done $0x0  }
0x64: {  	s0 =	rddreg [dreg:$0x1c];
	[sflag:s18] =	ssyncadd.s32 $0xFFFFD800  }
0x65: {  	[tilespmem:s17], [sflag:$0x6] =	stream.indirect.gather.add.f32 [hbm:s15], $0x80, s0, s23, $0xb8;
	[tilespmem:$0x15800] =	vst v63  }
0x66: {  	s21 =	rddreg [dreg:$0x1d]  }
0x67: {  	[tilespmem:s17], [sflag:$0x6] =	stream.indirect.gather.add.f32 [hbm:s15], $0x80, s21, s23, $0xb8;
	[tilespmem:$0x15800] =	vst v63  }
0x68: {  	s0 =	rddreg [dreg:$0x1e]  }
0x69: {  	[tilespmem:s17], [sflag:$0x6] =	stream.indirect.gather.add.f32 [hbm:s15], $0x80, s0, s23, $0xb8;
	[tilespmem:$0x15800] =	vst v63  }
0x6a: {  	s21 =	sld [smem:$0x7E8]  }
0x6b: {  	[tilespmem:s17], [sflag:$0x6] =	stream.indirect.gather.add.f32 [hbm:s15], $0x80, s5, s23, $0xb8;
	[tilespmem:$0x15800] =	vst v63  }
0x6c: {  	s0 =	rddreg [dreg:$0x1f]  }
0x6d: {  	[tilespmem:s17], [sflag:$0x6] =	stream.indirect.gather.add.f32 [hbm:s15], $0x80, s0, s23, $0xb8;
	[tilespmem:$0x15800] =	vst v63  }
0x6e: {  	s0 =	sld [smem:$0x7E9]  }
0x6f: {  	[tilespmem:s17], [sflag:$0x6] =	stream.indirect.gather.add.f32 [hbm:s15], $0x80, s21, s23, $0xb8;
	[tilespmem:$0x15800] =	vst v63  }
0x70: {  	s21 =	sld [smem:$0x7EA]  }
0x71: {  	[tilespmem:s17], [sflag:$0x6] =	stream.indirect.gather.add.f32 [hbm:s15], $0x80, s0, s23, $0xb8;
	[tilespmem:$0x15800] =	vst v63  }
0x72: {  	s0 =	sld [smem:$0x7EB]  }
0x73: {  	[tilespmem:s17], [sflag:$0x6] =	stream.indirect.gather.add.f32 [hbm:s15], $0x80, s21, s23, $0xb8;
	[tilespmem:$0x15800] =	vst v63  }
0x74: {  	_ = 	snop  }
0x75: {  	[tilespmem:s17], [sflag:$0x6] =	stream.indirect.gather.add.f32 [hbm:s15], $0x80, s0, s23, $0xb8;
	[tilespmem:$0x15800] =	vst v63  }
0x76: {  	_ =	swait.ge [sflag:s16], $0x2800  }
0x77: {  	s0 =	sld [smem:$0x7EC]  }
0x78: {  	[sflag:s16] =	ssyncset.done $0x0  }
0x79: {  	s21 =	sld [smem:$0x7ED];
	[sflag:s16] =	ssyncadd.s32 $0xFFFFD800  }
0x7a: {  	[tilespmem:s14], [sflag:$0x7] =	stream.indirect.gather.add.f32 [hbm:s15], $0x80, s0, s23, $0xb8;
	[tilespmem:$0x15800] =	vst v63  }
0x7b: {  	s0 =	sld [smem:$0x7EE]  }
0x7c: {  	[tilespmem:s14], [sflag:$0x7] =	stream.indirect.gather.add.f32 [hbm:s15], $0x80, s21, s23, $0xb8;
	[tilespmem:$0x15800] =	vst v63  }
0x7d: {  	s21 =	sld [smem:$0x7EF]  }
0x7e: {  	[tilespmem:s14], [sflag:$0x7] =	stream.indirect.gather.add.f32 [hbm:s15], $0x80, s0, s23, $0xb8;
	[tilespmem:$0x15800] =	vst v63  }
0x7f: {  	s0 =	sld [smem:$0x7F0]  }
0x80: {  	[tilespmem:s14], [sflag:$0x7] =	stream.indirect.gather.add.f32 [hbm:s15], $0x80, s21, s23, $0xb8;
	[tilespmem:$0x15800] =	vst v63  }
0x81: {  	s21 =	sld [smem:$0x7F1]  }
0x82: {  	[tilespmem:s14], [sflag:$0x7] =	stream.indirect.gather.add.f32 [hbm:s15], $0x80, s0, s23, $0xb8;
	[tilespmem:$0x15800] =	vst v63  }
0x83: {  	s0 =	sld [smem:$0x7F2]  }
0x84: {  	[tilespmem:s14], [sflag:$0x7] =	stream.indirect.gather.add.f32 [hbm:s15], $0x80, s21, s23, $0xb8;
	[tilespmem:$0x15800] =	vst v63  }
0x85: {  	s21 =	sld [smem:$0x7F3]  }
0x86: {  	[tilespmem:s14], [sflag:$0x7] =	stream.indirect.gather.add.f32 [hbm:s15], $0x80, s0, s23, $0xb8;
	[tilespmem:$0x15800] =	vst v63  }
0x87: {  	s0 =	sld [smem:$0x7F4]  }
0x88: {  	[tilespmem:s14], [sflag:$0x7] =	stream.indirect.gather.add.f32 [hbm:s15], $0x80, s21, s23, $0xb8;
	[tilespmem:$0x15800] =	vst v63  }
0x89: {  	_ = 	snop  }
0x8a: {  	[tilespmem:s14], [sflag:$0x7] =	stream.indirect.gather.add.f32 [hbm:s15], $0x80, s0, s23, $0xb8;
	[tilespmem:$0x15800] =	vst v63  }
0x8b: {  	_ =	swait.ge [sflag:s10], $0x2800  }
0x8c: {  	s0 =	sld [smem:$0x7F5]  }
0x8d: {  	[sflag:s10] =	ssyncset.done $0x0  }
0x8e: {  	s21 =	sld [smem:$0x7F6];
	[sflag:s10] =	ssyncadd.s32 $0xFFFFD800  }
0x8f: {  	[tilespmem:s2], [sflag:$0x8] =	stream.indirect.gather.add.f32 [hbm:s15], $0x80, s0, s23, $0xb8;
	[tilespmem:$0x15800] =	vst v63  }
0x90: {  	s0 =	sld [smem:$0x7F7]  }
0x91: {  	[tilespmem:s2], [sflag:$0x8] =	stream.indirect.gather.add.f32 [hbm:s15], $0x80, s21, s23, $0xb8;
	[tilespmem:$0x15800] =	vst v63  }
0x92: {  	s21 =	sld [smem:$0x7F8]  }
0x93: {  	[tilespmem:s2], [sflag:$0x8] =	stream.indirect.gather.add.f32 [hbm:s15], $0x80, s0, s23, $0xb8;
	[tilespmem:$0x15800] =	vst v63  }
0x94: {  	s0 =	sld [smem:$0x7F9]  }
0x95: {  	[tilespmem:s2], [sflag:$0x8] =	stream.indirect.gather.add.f32 [hbm:s15], $0x80, s21, s23, $0xb8;
	[tilespmem:$0x15800] =	vst v63  }
0x96: {  	s21 =	sld [smem:$0x7FA]  }
0x97: {  	[tilespmem:s2], [sflag:$0x8] =	stream.indirect.gather.add.f32 [hbm:s15], $0x80, s0, s23, $0xb8;
	[tilespmem:$0x15800] =	vst v63  }
0x98: {  	s0 =	sld [smem:$0x7FB]  }
0x99: {  	[tilespmem:s2], [sflag:$0x8] =	stream.indirect.gather.add.f32 [hbm:s15], $0x80, s21, s23, $0xb8;
	[tilespmem:$0x15800] =	vst v63  }
0x9a: {  	s21 =	sld [smem:$0x7FC]  }
0x9b: {  	[tilespmem:s2], [sflag:$0x8] =	stream.indirect.gather.add.f32 [hbm:s15], $0x80, s0, s23, $0xb8;
	[tilespmem:$0x15800] =	vst v63  }
0x9c: {  	s0 =	sld [smem:$0x7FD]  }
0x9d: {  	[tilespmem:s2], [sflag:$0x8] =	stream.indirect.gather.add.f32 [hbm:s15], $0x80, s21, s23, $0xb8;
	[tilespmem:$0x15800] =	vst v63  }
0x9e: {  	_ = 	snop  }
0x9f: {  	[tilespmem:s2], [sflag:$0x8] =	stream.indirect.gather.add.f32 [hbm:s15], $0x80, s0, s23, $0xb8;
	[tilespmem:$0x15800] =	vst v63  }
0xa0: {  	_ =	swait.ge [sflag:s31], $0x2800  }
0xa1: {  	[sflag:s31] =	ssyncset.done $0x0  }
0xa2: {  	s21 =	rddreg [dreg:$0x5];
	[sflag:s31] =	ssyncadd.s32 $0xFFFFD800  }
0xa3: {  	[hbm4b:s21+s3] =	stream.strided.scatter [tilespmem:s24], [sflag:$0x9], $0x2800, s5, s3, $0x38;
	[tilespmem:$0x15800] =	vst v63  }
0xa4: {  	_ =	swait.ge [sflag:s30], $0x2800  }
0xa5: {  	[sflag:s30] =	ssyncset.done $0x0  }
0xa6: {  	s21 =	rddreg [dreg:$0x6];
	[sflag:s30] =	ssyncadd.s32 $0xFFFFD800  }
0xa7: {  	[hbm4b:s21+s3] =	stream.strided.scatter [tilespmem:s22], [sflag:$0xA], $0x2800, s5, s3, $0x38;
	[tilespmem:$0x15800] =	vst v63  }
0xa8: {  	_ =	swait.ge [sflag:s29], $0x2800  }
0xa9: {  	[sflag:s29] =	ssyncset.done $0x0  }
0xaa: {  	s24 =	rddreg [dreg:$0x7];
	[sflag:s29] =	ssyncadd.s32 $0xFFFFD800  }
0xab: {  	[hbm4b:s24+s3] =	stream.strided.scatter [tilespmem:s25], [sflag:$0xB], $0x2800, s5, s3, $0x38;
	[tilespmem:$0x15800] =	vst v63  }
0xac: {  	_ =	swait.ge [sflag:s28], $0x2800  }
0xad: {  	[sflag:s28] =	ssyncset.done $0x0  }
0xae: {  	s21 =	rddreg [dreg:$0x8];
	[sflag:s28] =	ssyncadd.s32 $0xFFFFD800  }
0xaf: {  	[hbm4b:s21+s3] =	stream.strided.scatter [tilespmem:s26], [sflag:$0xC], $0x2800, s5, s3, $0x38;
	[tilespmem:$0x15800] =	vst v63  }
0xb0: {  	_ =	swait.ge [sflag:s20], $0x2800  }
0xb1: {  	[sflag:s20] =	ssyncset.done $0x0  }
0xb2: {  	[sflag:s20] =	ssyncadd.s32 $0xFFFFD800  }
0xb3: {  	_ =	swait.ge [sflag:s20], $0x2800  }
0xb4: {  	[sflag:s20] =	ssyncset.done $0x0  }
0xb5: {  	[sflag:s20] =	ssyncadd.s32 $0xFFFFD800  }
0xb6: {  	_ =	swait.ge [sflag:s20], $0x2800  }
0xb7: {  	[sflag:s20] =	ssyncset.done $0x0  }
0xb8: {  	[sflag:s20] =	ssyncadd.s32 $0xFFFFD800  }
0xb9: {  	_ =	swait.ge [sflag:s20], $0x2800  }
0xba: {  	[sflag:s20] =	ssyncset.done $0x0  }
0xbb: {  	[sflag:s20] =	ssyncadd.s32 $0xFFFFD800  }
0xbc: {  	_ =	swait.ge [sflag:s20], $0x2800  }
0xbd: {  	[sflag:s20] =	ssyncset.done $0x0  }
0xbe: {  	[sflag:s20] =	ssyncadd.s32 $0xFFFFD800  }
0xbf: {  	_ =	swait.ge [sflag:s20], $0x2800  }
0xc0: {  	[sflag:s20] =	ssyncset.done $0x0  }
0xc1: {  	[sflag:s20] =	ssyncadd.s32 $0xFFFFD800  }
0xc2: {  	_ =	swait.ge [sflag:s20], $0x2800  }
0xc3: {  	[sflag:s20] =	ssyncset.done $0x0  }
0xc4: {  	[sflag:s20] =	ssyncadd.s32 $0xFFFFD800  }
0xc5: {  	_ =	swait.ge [sflag:s20], $0x2800  }
0xc6: {  	[sflag:s20] =	ssyncset.done $0x0  }
0xc7: {  	[sflag:s20] =	ssyncadd.s32 $0xFFFFD800  }
0xc8: {  	_ =	swait.ge [sflag:s20], $0x2800  }
0xc9: {  	[sflag:s20] =	ssyncset.done $0x0  }
0xca: {  	s22 =	rddreg [dreg:$0x9];
	[sflag:s20] =	ssyncadd.s32 $0xFFFFD800  }
0xcb: {  	[hbm4b:s22+s3] =	stream.strided.scatter [tilespmem:s19], [sflag:$0xD], $0x2800, s5, s3, $0x38;
	[tilespmem:$0x15800] =	vst v63  }
0xcc: {  	_ =	swait.ge [sflag:s18], $0x2800  }
0xcd: {  	[sflag:s18] =	ssyncset.done $0x0  }
0xce: {  	[sflag:s18] =	ssyncadd.s32 $0xFFFFD800  }
0xcf: {  	_ =	swait.ge [sflag:s18], $0x2800  }
0xd0: {  	[sflag:s18] =	ssyncset.done $0x0  }
0xd1: {  	[sflag:s18] =	ssyncadd.s32 $0xFFFFD800  }
0xd2: {  	_ =	swait.ge [sflag:s18], $0x2800  }
0xd3: {  	[sflag:s18] =	ssyncset.done $0x0  }
0xd4: {  	[sflag:s18] =	ssyncadd.s32 $0xFFFFD800  }
0xd5: {  	_ =	swait.ge [sflag:s18], $0x2800  }
0xd6: {  	[sflag:s18] =	ssyncset.done $0x0  }
0xd7: {  	[sflag:s18] =	ssyncadd.s32 $0xFFFFD800  }
0xd8: {  	_ =	swait.ge [sflag:s18], $0x2800  }
0xd9: {  	[sflag:s18] =	ssyncset.done $0x0  }
0xda: {  	[sflag:s18] =	ssyncadd.s32 $0xFFFFD800  }
0xdb: {  	_ =	swait.ge [sflag:s18], $0x2800  }
0xdc: {  	[sflag:s18] =	ssyncset.done $0x0  }
0xdd: {  	[sflag:s18] =	ssyncadd.s32 $0xFFFFD800  }
0xde: {  	_ =	swait.ge [sflag:s18], $0x2800  }
0xdf: {  	[sflag:s18] =	ssyncset.done $0x0  }
0xe0: {  	[sflag:s18] =	ssyncadd.s32 $0xFFFFD800  }
0xe1: {  	_ =	swait.ge [sflag:s18], $0x2800  }
0xe2: {  	[sflag:s18] =	ssyncset.done $0x0  }
0xe3: {  	[sflag:s18] =	ssyncadd.s32 $0xFFFFD800  }
0xe4: {  	_ =	swait.ge [sflag:s18], $0x2800  }
0xe5: {  	[sflag:s18] =	ssyncset.done $0x0  }
0xe6: {  	s24 =	rddreg [dreg:$0xa];
	[sflag:s18] =	ssyncadd.s32 $0xFFFFD800  }
0xe7: {  	[hbm4b:s24+s3] =	stream.strided.scatter [tilespmem:s17], [sflag:$0xE], $0x2800, s5, s3, $0x38;
	[tilespmem:$0x15800] =	vst v63  }
0xe8: {  	_ =	swait.ge [sflag:s16], $0x2800  }
0xe9: {  	[sflag:s16] =	ssyncset.done $0x0  }
0xea: {  	[sflag:s16] =	ssyncadd.s32 $0xFFFFD800  }
0xeb: {  	_ =	swait.ge [sflag:s16], $0x2800  }
0xec: {  	[sflag:s16] =	ssyncset.done $0x0  }
0xed: {  	[sflag:s16] =	ssyncadd.s32 $0xFFFFD800  }
0xee: {  	_ =	swait.ge [sflag:s16], $0x2800  }
0xef: {  	[sflag:s16] =	ssyncset.done $0x0  }
0xf0: {  	[sflag:s16] =	ssyncadd.s32 $0xFFFFD800  }
0xf1: {  	_ =	swait.ge [sflag:s16], $0x2800  }
0xf2: {  	[sflag:s16] =	ssyncset.done $0x0  }
0xf3: {  	[sflag:s16] =	ssyncadd.s32 $0xFFFFD800  }
0xf4: {  	_ =	swait.ge [sflag:s16], $0x2800  }
0xf5: {  	[sflag:s16] =	ssyncset.done $0x0  }
0xf6: {  	[sflag:s16] =	ssyncadd.s32 $0xFFFFD800  }
0xf7: {  	_ =	swait.ge [sflag:s16], $0x2800  }
0xf8: {  	[sflag:s16] =	ssyncset.done $0x0  }
0xf9: {  	[sflag:s16] =	ssyncadd.s32 $0xFFFFD800  }
0xfa: {  	_ =	swait.ge [sflag:s16], $0x2800  }
0xfb: {  	[sflag:s16] =	ssyncset.done $0x0  }
0xfc: {  	[sflag:s16] =	ssyncadd.s32 $0xFFFFD800  }
0xfd: {  	_ =	swait.ge [sflag:s16], $0x2800  }
0xfe: {  	[sflag:s16] =	ssyncset.done $0x0  }
0xff: {  	[sflag:s16] =	ssyncadd.s32 $0xFFFFD800  }
0x100: {  	_ =	swait.ge [sflag:s16], $0x2800  }
0x101: {  	[sflag:s16] =	ssyncset.done $0x0  }
0x102: {  	s21 =	rddreg [dreg:$0xb];
	[sflag:s16] =	ssyncadd.s32 $0xFFFFD800  }
0x103: {  	[hbm4b:s21+s3] =	stream.strided.scatter [tilespmem:s14], [sflag:$0xF], $0x2800, s5, s3, $0x38;
	[tilespmem:$0x15800] =	vst v63  }
0x104: {  	_ =	swait.ge [sflag:s10], $0x2800  }
0x105: {  	[sflag:s10] =	ssyncset.done $0x0  }
0x106: {  	[sflag:s10] =	ssyncadd.s32 $0xFFFFD800  }
0x107: {  	_ =	swait.ge [sflag:s10], $0x2800  }
0x108: {  	[sflag:s10] =	ssyncset.done $0x0  }
0x109: {  	[sflag:s10] =	ssyncadd.s32 $0xFFFFD800  }
0x10a: {  	_ =	swait.ge [sflag:s10], $0x2800  }
0x10b: {  	[sflag:s10] =	ssyncset.done $0x0  }
0x10c: {  	[sflag:s10] =	ssyncadd.s32 $0xFFFFD800  }
0x10d: {  	_ =	swait.ge [sflag:s10], $0x2800  }
0x10e: {  	[sflag:s10] =	ssyncset.done $0x0  }
0x10f: {  	[sflag:s10] =	ssyncadd.s32 $0xFFFFD800  }
0x110: {  	_ =	swait.ge [sflag:s10], $0x2800  }
0x111: {  	[sflag:s10] =	ssyncset.done $0x0  }
0x112: {  	[sflag:s10] =	ssyncadd.s32 $0xFFFFD800  }
0x113: {  	_ =	swait.ge [sflag:s10], $0x2800  }
0x114: {  	[sflag:s10] =	ssyncset.done $0x0  }
0x115: {  	[sflag:s10] =	ssyncadd.s32 $0xFFFFD800  }
0x116: {  	_ =	swait.ge [sflag:s10], $0x2800  }
0x117: {  	[sflag:s10] =	ssyncset.done $0x0  }
0x118: {  	[sflag:s10] =	ssyncadd.s32 $0xFFFFD800  }
0x119: {  	_ =	swait.ge [sflag:s10], $0x2800  }
0x11a: {  	[sflag:s10] =	ssyncset.done $0x0  }
0x11b: {  	[sflag:s10] =	ssyncadd.s32 $0xFFFFD800  }
0x11c: {  	_ =	swait.ge [sflag:s10], $0x2800  }
0x11d: {  	[sflag:s10] =	ssyncset.done $0x0  }
0x11e: {  	s22 =	rddreg [dreg:$0xc];
	[sflag:s10] =	ssyncadd.s32 $0xFFFFD800  }
0x11f: {  	[hbm4b:s22+s3] =	stream.strided.scatter [tilespmem:s2], [sflag:$0x10], $0x2800, s5, s3, $0x38;
	[tilespmem:$0x15800] =	vst v63  }
0x120: {  	_ =	swait.ge [sflag:s12], $0x2800  }
0x121: {  	[sflag:s12] =	ssyncset.done $0x0  }
0x122: {  	[sflag:s12] =	ssyncadd.s32 $0xFFFFD800  }
0x123: {  	_ =	swait.ge [sflag:s13], $0x2800  }
0x124: {  	[sflag:s13] =	ssyncset.done $0x0  }
0x125: {  	[sflag:s13] =	ssyncadd.s32 $0xFFFFD800  }
0x126: {  	_ =	swait.ge [sflag:s11], $0x2800  }
0x127: {  	[sflag:s11] =	ssyncset.done $0x0  }
0x128: {  	[sflag:s11] =	ssyncadd.s32 $0xFFFFD800  }
0x129: {  	_ =	swait.ge [sflag:s9], $0x2800  }
0x12a: {  	[sflag:s9] =	ssyncset.done $0x0  }
0x12b: {  	[sflag:s9] =	ssyncadd.s32 $0xFFFFD800  }
0x12c: {  	_ =	swait.ge [sflag:s8], $0x2800  }
0x12d: {  	[sflag:s8] =	ssyncset.done $0x0  }
0x12e: {  	[sflag:s8] =	ssyncadd.s32 $0xFFFFD800  }
0x12f: {  	_ =	swait.ge [sflag:s7], $0x2800  }
0x130: {  	[sflag:s7] =	ssyncset.done $0x0  }
0x131: {  	[sflag:s7] =	ssyncadd.s32 $0xFFFFD800  }
0x132: {  	_ =	swait.ge [sflag:s6], $0x2800  }
0x133: {  	s24 =	sld [smem:$0x7E7];
	_ =	sdelay $0x2  }
0x134: {  	p1 =	sne.s32 s24, $0x1  }
.Ltmp1:
0x135: {  	_ = 	snop;
	(pc) =	sbr.rel @!p1 .LBB2_2-.Ltmp1, $4  }
0x136: {  	[sflag:s6] =	ssyncset.done $0x0  }
0x137: {  	[sflag:s6] =	ssyncadd.s32 $0xFFFFD800  }
0x138: {  	p0 =	por $0x1, $0x1;
	s22 =	simm.s32 $0x1800;
	_ =	swait.ge [sflag:s4], $0x2800  }
0x139: {  	s0 =	sadd.s32 $0xFFFFFFFF, s24;
	s21 =	rddreg [dreg:$0x4];
	[sflag:s4] =	ssyncset.done $0x0  }
.LBB2_3:
0x13a: {  	[sflag:s4] =	ssyncadd.s32 $0xFFFFD800;
	s24 =	simm.s32 $0x0  }
0x13b: {  	[tilespmem:s24], [sflag:$0x11] =	stream.linear.gather [hbm4b:s21+s24], $0x1600, $0x38;
	[tilespmem:$0x15800] =	vst v63  }
0x13c: {  	_ =	swait.ge [sflag:s1], $0x1600  }
0x13d: {  	[sflag:s1] =	ssyncset.done $0x0  }
0x13e: {  	[sflag:s1] =	ssyncadd.s32 $0xFFFFEA00  }
0x13f: {  	[tilespmem:s22], [sflag:$0x1] =	stream.indirect.gather [hbm4b:s15+s23], $0x80, s24, s23, $0xb8;
	[tilespmem:$0x15800] =	vst v63  }
0x140: {  	s21 =	rddreg [dreg:$0xd]  }
0x141: {  	[tilespmem:s19], [sflag:$0x5] =	stream.indirect.gather [hbm4b:s15+s23], $0x80, s21, s23, $0xb8;
	[tilespmem:$0x15800] =	vst v63  }
0x142: {  	s22 =	rddreg [dreg:$0xe];
	s24 =	simm.s32 $0x4000  }
0x143: {  	[tilespmem:s24], [sflag:$0x2] =	stream.indirect.gather [hbm4b:s15+s23], $0x80, s22, s23, $0xb8;
	[tilespmem:$0x15800] =	vst v63  }
0x144: {  	s21 =	rddreg [dreg:$0xf]  }
0x145: {  	[tilespmem:s17], [sflag:$0x6] =	stream.indirect.gather [hbm4b:s15+s23], $0x80, s21, s23, $0xb8;
	[tilespmem:$0x15800] =	vst v63  }
0x146: {  	s22 =	rddreg [dreg:$0x10]  }
0x147: {  	[tilespmem:s25], [sflag:$0x3] =	stream.indirect.gather [hbm4b:s15+s23], $0x80, s22, s23, $0xb8;
	[tilespmem:$0x15800] =	vst v63  }
0x148: {  	s21 =	rddreg [dreg:$0x11]  }
0x149: {  	[tilespmem:s14], [sflag:$0x7] =	stream.indirect.gather [hbm4b:s15+s23], $0x80, s21, s23, $0xb8;
	[tilespmem:$0x15800] =	vst v63  }
0x14a: {  	s22 =	rddreg [dreg:$0x12]  }
0x14b: {  	[tilespmem:s26], [sflag:$0x4] =	stream.indirect.gather [hbm4b:s15+s23], $0x80, s22, s23, $0xb8;
	[tilespmem:$0x15800] =	vst v63  }
0x14c: {  	s21 =	rddreg [dreg:$0x13]  }
0x14d: {  	[tilespmem:s2], [sflag:$0x8] =	stream.indirect.gather [hbm4b:s15+s23], $0x80, s21, s23, $0xb8;
	[tilespmem:$0x15800] =	vst v63  }
0x14e: {  	_ =	swait.ge [sflag:s20], $0x2800  }
0x14f: {  	[sflag:s20] =	ssyncset.done $0x0  }
0x150: {  	s21 =	rddreg [dreg:$0x14];
	[sflag:s20] =	ssyncadd.s32 $0xFFFFD800  }
0x151: {  	[tilespmem:s19], [sflag:$0x5] =	stream.indirect.gather.add.f32 [hbm:s15], $0x80, s21, s23, $0xb8;
	[tilespmem:$0x15800] =	vst v63  }
0x152: {  	s22 =	rddreg [dreg:$0x15]  }
0x153: {  	[tilespmem:s19], [sflag:$0x5] =	stream.indirect.gather.add.f32 [hbm:s15], $0x80, s22, s23, $0xb8;
	[tilespmem:$0x15800] =	vst v63  }
0x154: {  	s21 =	rddreg [dreg:$0x16]  }
0x155: {  	[tilespmem:s19], [sflag:$0x5] =	stream.indirect.gather.add.f32 [hbm:s15], $0x80, s21, s23, $0xb8;
	[tilespmem:$0x15800] =	vst v63  }
0x156: {  	s22 =	rddreg [dreg:$0x17]  }
0x157: {  	[tilespmem:s19], [sflag:$0x5] =	stream.indirect.gather.add.f32 [hbm:s15], $0x80, s22, s23, $0xb8;
	[tilespmem:$0x15800] =	vst v63  }
0x158: {  	s21 =	rddreg [dreg:$0x18]  }
0x159: {  	[tilespmem:s19], [sflag:$0x5] =	stream.indirect.gather.add.f32 [hbm:s15], $0x80, s21, s23, $0xb8;
	[tilespmem:$0x15800] =	vst v63  }
0x15a: {  	s22 =	rddreg [dreg:$0x19]  }
0x15b: {  	[tilespmem:s19], [sflag:$0x5] =	stream.indirect.gather.add.f32 [hbm:s15], $0x80, s22, s23, $0xb8;
	[tilespmem:$0x15800] =	vst v63  }
0x15c: {  	_ = 	snop  }
0x15d: {  	[tilespmem:s19], [sflag:$0x5] =	stream.indirect.gather.add.f32 [hbm:s15], $0x80, s3, s23, $0xb8;
	[tilespmem:$0x15800] =	vst v63  }
0x15e: {  	s21 =	rddreg [dreg:$0x1a]  }
0x15f: {  	[tilespmem:s19], [sflag:$0x5] =	stream.indirect.gather.add.f32 [hbm:s15], $0x80, s21, s23, $0xb8;
	[tilespmem:$0x15800] =	vst v63  }
0x160: {  	s22 =	rddreg [dreg:$0x1b]  }
0x161: {  	[tilespmem:s19], [sflag:$0x5] =	stream.indirect.gather.add.f32 [hbm:s15], $0x80, s22, s23, $0xb8;
	[tilespmem:$0x15800] =	vst v63  }
0x162: {  	_ =	swait.ge [sflag:s18], $0x2800  }
0x163: {  	[sflag:s18] =	ssyncset.done $0x0  }
0x164: {  	s21 =	rddreg [dreg:$0x1c];
	[sflag:s18] =	ssyncadd.s32 $0xFFFFD800  }
0x165: {  	[tilespmem:s17], [sflag:$0x6] =	stream.indirect.gather.add.f32 [hbm:s15], $0x80, s21, s23, $0xb8;
	[tilespmem:$0x15800] =	vst v63  }
0x166: {  	s22 =	rddreg [dreg:$0x1d]  }
0x167: {  	[tilespmem:s17], [sflag:$0x6] =	stream.indirect.gather.add.f32 [hbm:s15], $0x80, s22, s23, $0xb8;
	[tilespmem:$0x15800] =	vst v63  }
0x168: {  	s21 =	rddreg [dreg:$0x1e]  }
0x169: {  	[tilespmem:s17], [sflag:$0x6] =	stream.indirect.gather.add.f32 [hbm:s15], $0x80, s21, s23, $0xb8;
	[tilespmem:$0x15800] =	vst v63  }
0x16a: {  	s22 =	sld [smem:$0x7E8]  }
0x16b: {  	[tilespmem:s17], [sflag:$0x6] =	stream.indirect.gather.add.f32 [hbm:s15], $0x80, s5, s23, $0xb8;
	[tilespmem:$0x15800] =	vst v63  }
0x16c: {  	s21 =	rddreg [dreg:$0x1f]  }
0x16d: {  	[tilespmem:s17], [sflag:$0x6] =	stream.indirect.gather.add.f32 [hbm:s15], $0x80, s21, s23, $0xb8;
	[tilespmem:$0x15800] =	vst v63  }
0x16e: {  	s21 =	sld [smem:$0x7E9]  }
0x16f: {  	[tilespmem:s17], [sflag:$0x6] =	stream.indirect.gather.add.f32 [hbm:s15], $0x80, s22, s23, $0xb8;
	[tilespmem:$0x15800] =	vst v63  }
0x170: {  	s22 =	sld [smem:$0x7EA]  }
0x171: {  	[tilespmem:s17], [sflag:$0x6] =	stream.indirect.gather.add.f32 [hbm:s15], $0x80, s21, s23, $0xb8;
	[tilespmem:$0x15800] =	vst v63  }
0x172: {  	s21 =	sld [smem:$0x7EB]  }
0x173: {  	[tilespmem:s17], [sflag:$0x6] =	stream.indirect.gather.add.f32 [hbm:s15], $0x80, s22, s23, $0xb8;
	[tilespmem:$0x15800] =	vst v63  }
0x174: {  	_ = 	snop  }
0x175: {  	[tilespmem:s17], [sflag:$0x6] =	stream.indirect.gather.add.f32 [hbm:s15], $0x80, s21, s23, $0xb8;
	[tilespmem:$0x15800] =	vst v63  }
0x176: {  	_ =	swait.ge [sflag:s16], $0x2800  }
0x177: {  	s21 =	sld [smem:$0x7EC]  }
0x178: {  	[sflag:s16] =	ssyncset.done $0x0  }
0x179: {  	s22 =	sld [smem:$0x7ED];
	[sflag:s16] =	ssyncadd.s32 $0xFFFFD800  }
0x17a: {  	[tilespmem:s14], [sflag:$0x7] =	stream.indirect.gather.add.f32 [hbm:s15], $0x80, s21, s23, $0xb8;
	[tilespmem:$0x15800] =	vst v63  }
0x17b: {  	s21 =	sld [smem:$0x7EE]  }
0x17c: {  	[tilespmem:s14], [sflag:$0x7] =	stream.indirect.gather.add.f32 [hbm:s15], $0x80, s22, s23, $0xb8;
	[tilespmem:$0x15800] =	vst v63  }
0x17d: {  	s22 =	sld [smem:$0x7EF]  }
0x17e: {  	[tilespmem:s14], [sflag:$0x7] =	stream.indirect.gather.add.f32 [hbm:s15], $0x80, s21, s23, $0xb8;
	[tilespmem:$0x15800] =	vst v63  }
0x17f: {  	s21 =	sld [smem:$0x7F0]  }
0x180: {  	[tilespmem:s14], [sflag:$0x7] =	stream.indirect.gather.add.f32 [hbm:s15], $0x80, s22, s23, $0xb8;
	[tilespmem:$0x15800] =	vst v63  }
0x181: {  	s22 =	sld [smem:$0x7F1]  }
0x182: {  	[tilespmem:s14], [sflag:$0x7] =	stream.indirect.gather.add.f32 [hbm:s15], $0x80, s21, s23, $0xb8;
	[tilespmem:$0x15800] =	vst v63  }
0x183: {  	s21 =	sld [smem:$0x7F2]  }
0x184: {  	[tilespmem:s14], [sflag:$0x7] =	stream.indirect.gather.add.f32 [hbm:s15], $0x80, s22, s23, $0xb8;
	[tilespmem:$0x15800] =	vst v63  }
0x185: {  	s22 =	sld [smem:$0x7F3]  }
0x186: {  	[tilespmem:s14], [sflag:$0x7] =	stream.indirect.gather.add.f32 [hbm:s15], $0x80, s21, s23, $0xb8;
	[tilespmem:$0x15800] =	vst v63  }
0x187: {  	s21 =	sld [smem:$0x7F4]  }
0x188: {  	[tilespmem:s14], [sflag:$0x7] =	stream.indirect.gather.add.f32 [hbm:s15], $0x80, s22, s23, $0xb8;
	[tilespmem:$0x15800] =	vst v63  }
0x189: {  	_ = 	snop  }
0x18a: {  	[tilespmem:s14], [sflag:$0x7] =	stream.indirect.gather.add.f32 [hbm:s15], $0x80, s21, s23, $0xb8;
	[tilespmem:$0x15800] =	vst v63  }
0x18b: {  	_ =	swait.ge [sflag:s10], $0x2800  }
0x18c: {  	s21 =	sld [smem:$0x7F5]  }
0x18d: {  	[sflag:s10] =	ssyncset.done $0x0  }
0x18e: {  	s22 =	sld [smem:$0x7F6];
	[sflag:s10] =	ssyncadd.s32 $0xFFFFD800  }
0x18f: {  	[tilespmem:s2], [sflag:$0x8] =	stream.indirect.gather.add.f32 [hbm:s15], $0x80, s21, s23, $0xb8;
	[tilespmem:$0x15800] =	vst v63  }
0x190: {  	s21 =	sld [smem:$0x7F7]  }
0x191: {  	[tilespmem:s2], [sflag:$0x8] =	stream.indirect.gather.add.f32 [hbm:s15], $0x80, s22, s23, $0xb8;
	[tilespmem:$0x15800] =	vst v63  }
0x192: {  	s22 =	sld [smem:$0x7F8]  }
0x193: {  	[tilespmem:s2], [sflag:$0x8] =	stream.indirect.gather.add.f32 [hbm:s15], $0x80, s21, s23, $0xb8;
	[tilespmem:$0x15800] =	vst v63  }
0x194: {  	s21 =	sld [smem:$0x7F9]  }
0x195: {  	[tilespmem:s2], [sflag:$0x8] =	stream.indirect.gather.add.f32 [hbm:s15], $0x80, s22, s23, $0xb8;
	[tilespmem:$0x15800] =	vst v63  }
0x196: {  	s22 =	sld [smem:$0x7FA]  }
0x197: {  	[tilespmem:s2], [sflag:$0x8] =	stream.indirect.gather.add.f32 [hbm:s15], $0x80, s21, s23, $0xb8;
	[tilespmem:$0x15800] =	vst v63  }
0x198: {  	s21 =	sld [smem:$0x7FB]  }
0x199: {  	[tilespmem:s2], [sflag:$0x8] =	stream.indirect.gather.add.f32 [hbm:s15], $0x80, s22, s23, $0xb8;
	[tilespmem:$0x15800] =	vst v63  }
0x19a: {  	s22 =	sld [smem:$0x7FC]  }
0x19b: {  	[tilespmem:s2], [sflag:$0x8] =	stream.indirect.gather.add.f32 [hbm:s15], $0x80, s21, s23, $0xb8;
	[tilespmem:$0x15800] =	vst v63  }
0x19c: {  	s21 =	sld [smem:$0x7FD]  }
0x19d: {  	[tilespmem:s2], [sflag:$0x8] =	stream.indirect.gather.add.f32 [hbm:s15], $0x80, s22, s23, $0xb8;
	[tilespmem:$0x15800] =	vst v63  }
0x19e: {  	_ = 	snop  }
0x19f: {  	[tilespmem:s2], [sflag:$0x8] =	stream.indirect.gather.add.f32 [hbm:s15], $0x80, s21, s23, $0xb8;
	[tilespmem:$0x15800] =	vst v63  }
0x1a0: {  	_ =	swait.ge [sflag:s31], $0x2800  }
0x1a1: {  	[sflag:s31] =	ssyncset.done $0x0  }
0x1a2: {  	s22 =	simm.s32 $0x1800;
	s21 =	rddreg [dreg:$0x5];
	[sflag:s31] =	ssyncadd.s32 $0xFFFFD800  }
0x1a3: {  	[hbm4b:s21+s3] =	stream.strided.scatter [tilespmem:s22], [sflag:$0x9], $0x2800, s5, s3, $0x38;
	[tilespmem:$0x15800] =	vst v63  }
0x1a4: {  	_ =	swait.ge [sflag:s30], $0x2800  }
0x1a5: {  	[sflag:s30] =	ssyncset.done $0x0  }
0x1a6: {  	s21 =	rddreg [dreg:$0x6];
	[sflag:s30] =	ssyncadd.s32 $0xFFFFD800  }
0x1a7: {  	[hbm4b:s21+s3] =	stream.strided.scatter [tilespmem:s24], [sflag:$0xA], $0x2800, s5, s3, $0x38;
	[tilespmem:$0x15800] =	vst v63  }
0x1a8: {  	_ =	swait.ge [sflag:s29], $0x2800  }
0x1a9: {  	[sflag:s29] =	ssyncset.done $0x0  }
0x1aa: {  	s24 =	rddreg [dreg:$0x7];
	[sflag:s29] =	ssyncadd.s32 $0xFFFFD800  }
0x1ab: {  	[hbm4b:s24+s3] =	stream.strided.scatter [tilespmem:s25], [sflag:$0xB], $0x2800, s5, s3, $0x38;
	[tilespmem:$0x15800] =	vst v63  }
0x1ac: {  	_ =	swait.ge [sflag:s28], $0x2800  }
0x1ad: {  	[sflag:s28] =	ssyncset.done $0x0  }
0x1ae: {  	s24 =	rddreg [dreg:$0x8];
	[sflag:s28] =	ssyncadd.s32 $0xFFFFD800  }
0x1af: {  	[hbm4b:s24+s3] =	stream.strided.scatter [tilespmem:s26], [sflag:$0xC], $0x2800, s5, s3, $0x38;
	[tilespmem:$0x15800] =	vst v63  }
0x1b0: {  	_ =	swait.ge [sflag:s20], $0x2800  }
0x1b1: {  	[sflag:s20] =	ssyncset.done $0x0  }
0x1b2: {  	[sflag:s20] =	ssyncadd.s32 $0xFFFFD800  }
0x1b3: {  	_ =	swait.ge [sflag:s20], $0x2800  }
0x1b4: {  	[sflag:s20] =	ssyncset.done $0x0  }
0x1b5: {  	[sflag:s20] =	ssyncadd.s32 $0xFFFFD800  }
0x1b6: {  	_ =	swait.ge [sflag:s20], $0x2800  }
0x1b7: {  	[sflag:s20] =	ssyncset.done $0x0  }
0x1b8: {  	[sflag:s20] =	ssyncadd.s32 $0xFFFFD800  }
0x1b9: {  	_ =	swait.ge [sflag:s20], $0x2800  }
0x1ba: {  	[sflag:s20] =	ssyncset.done $0x0  }
0x1bb: {  	[sflag:s20] =	ssyncadd.s32 $0xFFFFD800  }
0x1bc: {  	_ =	swait.ge [sflag:s20], $0x2800  }
0x1bd: {  	[sflag:s20] =	ssyncset.done $0x0  }
0x1be: {  	[sflag:s20] =	ssyncadd.s32 $0xFFFFD800  }
0x1bf: {  	_ =	swait.ge [sflag:s20], $0x2800  }
0x1c0: {  	[sflag:s20] =	ssyncset.done $0x0  }
0x1c1: {  	[sflag:s20] =	ssyncadd.s32 $0xFFFFD800  }
0x1c2: {  	_ =	swait.ge [sflag:s20], $0x2800  }
0x1c3: {  	[sflag:s20] =	ssyncset.done $0x0  }
0x1c4: {  	[sflag:s20] =	ssyncadd.s32 $0xFFFFD800  }
0x1c5: {  	_ =	swait.ge [sflag:s20], $0x2800  }
0x1c6: {  	[sflag:s20] =	ssyncset.done $0x0  }
0x1c7: {  	[sflag:s20] =	ssyncadd.s32 $0xFFFFD800  }
0x1c8: {  	_ =	swait.ge [sflag:s20], $0x2800  }
0x1c9: {  	[sflag:s20] =	ssyncset.done $0x0  }
0x1ca: {  	s24 =	rddreg [dreg:$0x9];
	[sflag:s20] =	ssyncadd.s32 $0xFFFFD800  }
0x1cb: {  	[hbm4b:s24+s3] =	stream.strided.scatter [tilespmem:s19], [sflag:$0xD], $0x2800, s5, s3, $0x38;
	[tilespmem:$0x15800] =	vst v63  }
0x1cc: {  	_ =	swait.ge [sflag:s18], $0x2800  }
0x1cd: {  	[sflag:s18] =	ssyncset.done $0x0  }
0x1ce: {  	[sflag:s18] =	ssyncadd.s32 $0xFFFFD800  }
0x1cf: {  	_ =	swait.ge [sflag:s18], $0x2800  }
0x1d0: {  	[sflag:s18] =	ssyncset.done $0x0  }
0x1d1: {  	[sflag:s18] =	ssyncadd.s32 $0xFFFFD800  }
0x1d2: {  	_ =	swait.ge [sflag:s18], $0x2800  }
0x1d3: {  	[sflag:s18] =	ssyncset.done $0x0  }
0x1d4: {  	[sflag:s18] =	ssyncadd.s32 $0xFFFFD800  }
0x1d5: {  	_ =	swait.ge [sflag:s18], $0x2800  }
0x1d6: {  	[sflag:s18] =	ssyncset.done $0x0  }
0x1d7: {  	[sflag:s18] =	ssyncadd.s32 $0xFFFFD800  }
0x1d8: {  	_ =	swait.ge [sflag:s18], $0x2800  }
0x1d9: {  	[sflag:s18] =	ssyncset.done $0x0  }
0x1da: {  	[sflag:s18] =	ssyncadd.s32 $0xFFFFD800  }
0x1db: {  	_ =	swait.ge [sflag:s18], $0x2800  }
0x1dc: {  	[sflag:s18] =	ssyncset.done $0x0  }
0x1dd: {  	[sflag:s18] =	ssyncadd.s32 $0xFFFFD800  }
0x1de: {  	_ =	swait.ge [sflag:s18], $0x2800  }
0x1df: {  	[sflag:s18] =	ssyncset.done $0x0  }
0x1e0: {  	[sflag:s18] =	ssyncadd.s32 $0xFFFFD800  }
0x1e1: {  	_ =	swait.ge [sflag:s18], $0x2800  }
0x1e2: {  	[sflag:s18] =	ssyncset.done $0x0  }
0x1e3: {  	[sflag:s18] =	ssyncadd.s32 $0xFFFFD800  }
0x1e4: {  	_ =	swait.ge [sflag:s18], $0x2800  }
0x1e5: {  	[sflag:s18] =	ssyncset.done $0x0  }
0x1e6: {  	s24 =	rddreg [dreg:$0xa];
	[sflag:s18] =	ssyncadd.s32 $0xFFFFD800  }
0x1e7: {  	[hbm4b:s24+s3] =	stream.strided.scatter [tilespmem:s17], [sflag:$0xE], $0x2800, s5, s3, $0x38;
	[tilespmem:$0x15800] =	vst v63  }
0x1e8: {  	_ =	swait.ge [sflag:s16], $0x2800  }
0x1e9: {  	[sflag:s16] =	ssyncset.done $0x0  }
0x1ea: {  	[sflag:s16] =	ssyncadd.s32 $0xFFFFD800  }
0x1eb: {  	_ =	swait.ge [sflag:s16], $0x2800  }
0x1ec: {  	[sflag:s16] =	ssyncset.done $0x0  }
0x1ed: {  	[sflag:s16] =	ssyncadd.s32 $0xFFFFD800  }
0x1ee: {  	_ =	swait.ge [sflag:s16], $0x2800  }
0x1ef: {  	[sflag:s16] =	ssyncset.done $0x0  }
0x1f0: {  	[sflag:s16] =	ssyncadd.s32 $0xFFFFD800  }
0x1f1: {  	_ =	swait.ge [sflag:s16], $0x2800  }
0x1f2: {  	[sflag:s16] =	ssyncset.done $0x0  }
0x1f3: {  	[sflag:s16] =	ssyncadd.s32 $0xFFFFD800  }
0x1f4: {  	_ =	swait.ge [sflag:s16], $0x2800  }
0x1f5: {  	[sflag:s16] =	ssyncset.done $0x0  }
0x1f6: {  	[sflag:s16] =	ssyncadd.s32 $0xFFFFD800  }
0x1f7: {  	_ =	swait.ge [sflag:s16], $0x2800  }
0x1f8: {  	[sflag:s16] =	ssyncset.done $0x0  }
0x1f9: {  	[sflag:s16] =	ssyncadd.s32 $0xFFFFD800  }
0x1fa: {  	_ =	swait.ge [sflag:s16], $0x2800  }
0x1fb: {  	[sflag:s16] =	ssyncset.done $0x0  }
0x1fc: {  	[sflag:s16] =	ssyncadd.s32 $0xFFFFD800  }
0x1fd: {  	_ =	swait.ge [sflag:s16], $0x2800  }
0x1fe: {  	[sflag:s16] =	ssyncset.done $0x0  }
0x1ff: {  	[sflag:s16] =	ssyncadd.s32 $0xFFFFD800  }
0x200: {  	_ =	swait.ge [sflag:s16], $0x2800  }
0x201: {  	[sflag:s16] =	ssyncset.done $0x0  }
0x202: {  	s24 =	rddreg [dreg:$0xb];
	[sflag:s16] =	ssyncadd.s32 $0xFFFFD800  }
0x203: {  	[hbm4b:s24+s3] =	stream.strided.scatter [tilespmem:s14], [sflag:$0xF], $0x2800, s5, s3, $0x38;
	[tilespmem:$0x15800] =	vst v63  }
0x204: {  	_ =	swait.ge [sflag:s10], $0x2800  }
0x205: {  	[sflag:s10] =	ssyncset.done $0x0  }
0x206: {  	[sflag:s10] =	ssyncadd.s32 $0xFFFFD800  }
0x207: {  	_ =	swait.ge [sflag:s10], $0x2800  }
0x208: {  	[sflag:s10] =	ssyncset.done $0x0  }
0x209: {  	[sflag:s10] =	ssyncadd.s32 $0xFFFFD800  }
0x20a: {  	_ =	swait.ge [sflag:s10], $0x2800  }
0x20b: {  	[sflag:s10] =	ssyncset.done $0x0  }
0x20c: {  	[sflag:s10] =	ssyncadd.s32 $0xFFFFD800  }
0x20d: {  	_ =	swait.ge [sflag:s10], $0x2800  }
0x20e: {  	[sflag:s10] =	ssyncset.done $0x0  }
0x20f: {  	[sflag:s10] =	ssyncadd.s32 $0xFFFFD800  }
0x210: {  	_ =	swait.ge [sflag:s10], $0x2800  }
0x211: {  	[sflag:s10] =	ssyncset.done $0x0  }
0x212: {  	[sflag:s10] =	ssyncadd.s32 $0xFFFFD800  }
0x213: {  	_ =	swait.ge [sflag:s10], $0x2800  }
0x214: {  	[sflag:s10] =	ssyncset.done $0x0  }
0x215: {  	[sflag:s10] =	ssyncadd.s32 $0xFFFFD800  }
0x216: {  	_ =	swait.ge [sflag:s10], $0x2800  }
0x217: {  	[sflag:s10] =	ssyncset.done $0x0  }
0x218: {  	[sflag:s10] =	ssyncadd.s32 $0xFFFFD800  }
0x219: {  	_ =	swait.ge [sflag:s10], $0x2800  }
0x21a: {  	[sflag:s10] =	ssyncset.done $0x0  }
0x21b: {  	[sflag:s10] =	ssyncadd.s32 $0xFFFFD800  }
0x21c: {  	_ =	swait.ge [sflag:s10], $0x2800  }
0x21d: {  	[sflag:s10] =	ssyncset.done $0x0  }
0x21e: {  	s24 =	rddreg [dreg:$0xc];
	[sflag:s10] =	ssyncadd.s32 $0xFFFFD800  }
0x21f: {  	[hbm4b:s24+s3] =	stream.strided.scatter [tilespmem:s2], [sflag:$0x10], $0x2800, s5, s3, $0x38;
	[tilespmem:$0x15800] =	vst v63  }
0x220: {  	_ =	swait.ge [sflag:s12], $0x2800  }
0x221: {  	[sflag:s12] =	ssyncset.done $0x0  }
0x222: {  	[sflag:s12] =	ssyncadd.s32 $0xFFFFD800  }
0x223: {  	_ =	swait.ge [sflag:s13], $0x2800  }
0x224: {  	[sflag:s13] =	ssyncset.done $0x0  }
0x225: {  	[sflag:s13] =	ssyncadd.s32 $0xFFFFD800  }
0x226: {  	_ =	swait.ge [sflag:s11], $0x2800  }
0x227: {  	[sflag:s11] =	ssyncset.done $0x0  }
0x228: {  	[sflag:s11] =	ssyncadd.s32 $0xFFFFD800  }
0x229: {  	_ =	swait.ge [sflag:s9], $0x2800  }
0x22a: {  	[sflag:s9] =	ssyncset.done $0x0  }
0x22b: {  	[sflag:s9] =	ssyncadd.s32 $0xFFFFD800  }
0x22c: {  	_ =	swait.ge [sflag:s8], $0x2800  }
0x22d: {  	[sflag:s8] =	ssyncset.done $0x0  }
0x22e: {  	[sflag:s8] =	ssyncadd.s32 $0xFFFFD800  }
0x22f: {  	_ =	swait.ge [sflag:s7], $0x2800  }
0x230: {  	[sflag:s7] =	ssyncset.done $0x0  }
0x231: {  	p1 =	sne.s32 s0, $0x1;
	[sflag:s7] =	ssyncadd.s32 $0xFFFFD800  }
.Ltmp2:
0x232: {  	_ =	swait.ge [sflag:s6], $0x2800;
	(pc) =	sbr.rel @p1 .LBB2_3-.Ltmp2, $4  }
0x233: {  	[sflag:s6] =	ssyncset.done $0x0  }
0x234: {  	[sflag:s6] =	ssyncadd.s32 $0xFFFFD800  }
0x235: {  	_ =	swait.ge [sflag:s4], $0x2800  }
0x236: {  	s0 =	sadd.s32 $0xFFFFFFFF, s0;
	s21 =	rddreg [dreg:$0x4];
	[sflag:s4] =	ssyncset.done $0x0  }
0x237: {  	s22 =	stileid.u32  }
.LBB2_5:
0x238: {  	[sflag:s4] =	ssyncadd.s32 @p0 $0xFFFFD800;
	s24 =	simm.s32 $0x0  }
0x239: {  	[tilespmem:s24], [sflag:$0x11] =	stream.linear.gather [hbm4b:s21+s24], $0x1600, $0x38;
	[tilespmem:$0x15800] =	vst v63  }
0x23a: {  	_ =	swait.ge [sflag:s1], $0x1600  }
0x23b: {  	[sflag:s1] =	ssyncset.done $0x0  }
0x23c: {  	s21 =	simm.s32 $0x1800;
	[sflag:s1] =	ssyncadd.s32 $0xFFFFEA00  }
0x23d: {  	[tilespmem:s21], [sflag:$0x1] =	stream.indirect.gather [hbm4b:s15+s23], $0x80, s24, s23, $0xb8;
	[tilespmem:$0x15800] =	vst v63  }
0x23e: {  	s0 =	rddreg [dreg:$0xd]  }
0x23f: {  	[tilespmem:s19], [sflag:$0x5] =	stream.indirect.gather [hbm4b:s15+s23], $0x80, s0, s23, $0xb8;
	[tilespmem:$0x15800] =	vst v63  }
0x240: {  	s26 =	rddreg [dreg:$0xe];
	s24 =	simm.s32 $0x4000  }
0x241: {  	[tilespmem:s24], [sflag:$0x2] =	stream.indirect.gather [hbm4b:s15+s23], $0x80, s26, s23, $0xb8;
	[tilespmem:$0x15800] =	vst v63  }
0x242: {  	s25 =	rddreg [dreg:$0xf]  }
0x243: {  	[tilespmem:s17], [sflag:$0x6] =	stream.indirect.gather [hbm4b:s15+s23], $0x80, s25, s23, $0xb8;
	[tilespmem:$0x15800] =	vst v63  }
0x244: {  	s1 =	rddreg [dreg:$0x10];
	s25 =	simm.s32 $0x6800  }
0x245: {  	[tilespmem:s25], [sflag:$0x3] =	stream.indirect.gather [hbm4b:s15+s23], $0x80, s1, s23, $0xb8;
	[tilespmem:$0x15800] =	vst v63  }
0x246: {  	s26 =	rddreg [dreg:$0x11]  }
0x247: {  	[tilespmem:s14], [sflag:$0x7] =	stream.indirect.gather [hbm4b:s15+s23], $0x80, s26, s23, $0xb8;
	[tilespmem:$0x15800] =	vst v63  }
0x248: {  	s1 =	rddreg [dreg:$0x12];
	s26 =	simm.s32 $0x9000  }
0x249: {  	[tilespmem:s26], [sflag:$0x4] =	stream.indirect.gather [hbm4b:s15+s23], $0x80, s1, s23, $0xb8;
	[tilespmem:$0x15800] =	vst v63  }
0x24a: {  	s0 =	rddreg [dreg:$0x13]  }
0x24b: {  	[tilespmem:s2], [sflag:$0x8] =	stream.indirect.gather [hbm4b:s15+s23], $0x80, s0, s23, $0xb8;
	[tilespmem:$0x15800] =	vst v63  }
0x24c: {  	_ =	swait.ge [sflag:s20], $0x2800  }
0x24d: {  	[sflag:s20] =	ssyncset.done $0x0  }
0x24e: {  	s0 =	rddreg [dreg:$0x14];
	[sflag:s20] =	ssyncadd.s32 $0xFFFFD800  }
0x24f: {  	[tilespmem:s19], [sflag:$0x5] =	stream.indirect.gather.add.f32 [hbm:s15], $0x80, s0, s23, $0xb8;
	[tilespmem:$0x15800] =	vst v63  }
0x250: {  	s1 =	rddreg [dreg:$0x15]  }
0x251: {  	[tilespmem:s19], [sflag:$0x5] =	stream.indirect.gather.add.f32 [hbm:s15], $0x80, s1, s23, $0xb8;
	[tilespmem:$0x15800] =	vst v63  }
0x252: {  	s0 =	rddreg [dreg:$0x16]  }
0x253: {  	[tilespmem:s19], [sflag:$0x5] =	stream.indirect.gather.add.f32 [hbm:s15], $0x80, s0, s23, $0xb8;
	[tilespmem:$0x15800] =	vst v63  }
0x254: {  	s1 =	rddreg [dreg:$0x17]  }
0x255: {  	[tilespmem:s19], [sflag:$0x5] =	stream.indirect.gather.add.f32 [hbm:s15], $0x80, s1, s23, $0xb8;
	[tilespmem:$0x15800] =	vst v63  }
0x256: {  	s0 =	rddreg [dreg:$0x18]  }
0x257: {  	[tilespmem:s19], [sflag:$0x5] =	stream.indirect.gather.add.f32 [hbm:s15], $0x80, s0, s23, $0xb8;
	[tilespmem:$0x15800] =	vst v63  }
0x258: {  	s1 =	rddreg [dreg:$0x19]  }
0x259: {  	[tilespmem:s19], [sflag:$0x5] =	stream.indirect.gather.add.f32 [hbm:s15], $0x80, s1, s23, $0xb8;
	[tilespmem:$0x15800] =	vst v63  }
0x25a: {  	_ = 	snop  }
0x25b: {  	[tilespmem:s19], [sflag:$0x5] =	stream.indirect.gather.add.f32 [hbm:s15], $0x80, s3, s23, $0xb8;
	[tilespmem:$0x15800] =	vst v63  }
0x25c: {  	s0 =	rddreg [dreg:$0x1a]  }
0x25d: {  	[tilespmem:s19], [sflag:$0x5] =	stream.indirect.gather.add.f32 [hbm:s15], $0x80, s0, s23, $0xb8;
	[tilespmem:$0x15800] =	vst v63  }
0x25e: {  	s1 =	rddreg [dreg:$0x1b]  }
0x25f: {  	[tilespmem:s19], [sflag:$0x5] =	stream.indirect.gather.add.f32 [hbm:s15], $0x80, s1, s23, $0xb8;
	[tilespmem:$0x15800] =	vst v63  }
0x260: {  	_ =	swait.ge [sflag:s18], $0x2800  }
0x261: {  	[sflag:s18] =	ssyncset.done $0x0  }
0x262: {  	s0 =	rddreg [dreg:$0x1c];
	[sflag:s18] =	ssyncadd.s32 $0xFFFFD800  }
0x263: {  	[tilespmem:s17], [sflag:$0x6] =	stream.indirect.gather.add.f32 [hbm:s15], $0x80, s0, s23, $0xb8;
	[tilespmem:$0x15800] =	vst v63  }
0x264: {  	s1 =	rddreg [dreg:$0x1d]  }
0x265: {  	[tilespmem:s17], [sflag:$0x6] =	stream.indirect.gather.add.f32 [hbm:s15], $0x80, s1, s23, $0xb8;
	[tilespmem:$0x15800] =	vst v63  }
0x266: {  	s0 =	rddreg [dreg:$0x1e]  }
0x267: {  	[tilespmem:s17], [sflag:$0x6] =	stream.indirect.gather.add.f32 [hbm:s15], $0x80, s0, s23, $0xb8;
	[tilespmem:$0x15800] =	vst v63  }
0x268: {  	s1 =	sld [smem:$0x7E8]  }
0x269: {  	[tilespmem:s17], [sflag:$0x6] =	stream.indirect.gather.add.f32 [hbm:s15], $0x80, s5, s23, $0xb8;
	[tilespmem:$0x15800] =	vst v63  }
0x26a: {  	s0 =	rddreg [dreg:$0x1f]  }
0x26b: {  	[tilespmem:s17], [sflag:$0x6] =	stream.indirect.gather.add.f32 [hbm:s15], $0x80, s0, s23, $0xb8;
	[tilespmem:$0x15800] =	vst v63  }
0x26c: {  	s0 =	sld [smem:$0x7E9]  }
0x26d: {  	[tilespmem:s17], [sflag:$0x6] =	stream.indirect.gather.add.f32 [hbm:s15], $0x80, s1, s23, $0xb8;
	[tilespmem:$0x15800] =	vst v63  }
0x26e: {  	s1 =	sld [smem:$0x7EA]  }
0x26f: {  	[tilespmem:s17], [sflag:$0x6] =	stream.indirect.gather.add.f32 [hbm:s15], $0x80, s0, s23, $0xb8;
	[tilespmem:$0x15800] =	vst v63  }
0x270: {  	s0 =	sld [smem:$0x7EB]  }
0x271: {  	[tilespmem:s17], [sflag:$0x6] =	stream.indirect.gather.add.f32 [hbm:s15], $0x80, s1, s23, $0xb8;
	[tilespmem:$0x15800] =	vst v63  }
0x272: {  	_ = 	snop  }
0x273: {  	[tilespmem:s17], [sflag:$0x6] =	stream.indirect.gather.add.f32 [hbm:s15], $0x80, s0, s23, $0xb8;
	[tilespmem:$0x15800] =	vst v63  }
0x274: {  	_ =	swait.ge [sflag:s16], $0x2800  }
0x275: {  	s0 =	sld [smem:$0x7EC]  }
0x276: {  	[sflag:s16] =	ssyncset.done $0x0  }
0x277: {  	s1 =	sld [smem:$0x7ED];
	[sflag:s16] =	ssyncadd.s32 $0xFFFFD800  }
0x278: {  	[tilespmem:s14], [sflag:$0x7] =	stream.indirect.gather.add.f32 [hbm:s15], $0x80, s0, s23, $0xb8;
	[tilespmem:$0x15800] =	vst v63  }
0x279: {  	s0 =	sld [smem:$0x7EE]  }
0x27a: {  	[tilespmem:s14], [sflag:$0x7] =	stream.indirect.gather.add.f32 [hbm:s15], $0x80, s1, s23, $0xb8;
	[tilespmem:$0x15800] =	vst v63  }
0x27b: {  	s1 =	sld [smem:$0x7EF]  }
0x27c: {  	[tilespmem:s14], [sflag:$0x7] =	stream.indirect.gather.add.f32 [hbm:s15], $0x80, s0, s23, $0xb8;
	[tilespmem:$0x15800] =	vst v63  }
0x27d: {  	s0 =	sld [smem:$0x7F0]  }
0x27e: {  	[tilespmem:s14], [sflag:$0x7] =	stream.indirect.gather.add.f32 [hbm:s15], $0x80, s1, s23, $0xb8;
	[tilespmem:$0x15800] =	vst v63  }
0x27f: {  	s1 =	sld [smem:$0x7F1]  }
0x280: {  	[tilespmem:s14], [sflag:$0x7] =	stream.indirect.gather.add.f32 [hbm:s15], $0x80, s0, s23, $0xb8;
	[tilespmem:$0x15800] =	vst v63  }
0x281: {  	s0 =	sld [smem:$0x7F2]  }
0x282: {  	[tilespmem:s14], [sflag:$0x7] =	stream.indirect.gather.add.f32 [hbm:s15], $0x80, s1, s23, $0xb8;
	[tilespmem:$0x15800] =	vst v63  }
0x283: {  	s1 =	sld [smem:$0x7F3]  }
0x284: {  	[tilespmem:s14], [sflag:$0x7] =	stream.indirect.gather.add.f32 [hbm:s15], $0x80, s0, s23, $0xb8;
	[tilespmem:$0x15800] =	vst v63  }
0x285: {  	s0 =	sld [smem:$0x7F4]  }
0x286: {  	[tilespmem:s14], [sflag:$0x7] =	stream.indirect.gather.add.f32 [hbm:s15], $0x80, s1, s23, $0xb8;
	[tilespmem:$0x15800] =	vst v63  }
0x287: {  	_ = 	snop  }
0x288: {  	[tilespmem:s14], [sflag:$0x7] =	stream.indirect.gather.add.f32 [hbm:s15], $0x80, s0, s23, $0xb8;
	[tilespmem:$0x15800] =	vst v63  }
0x289: {  	_ =	swait.ge [sflag:s10], $0x2800  }
0x28a: {  	s0 =	sld [smem:$0x7F5]  }
0x28b: {  	[sflag:s10] =	ssyncset.done $0x0  }
0x28c: {  	s1 =	sld [smem:$0x7F6];
	[sflag:s10] =	ssyncadd.s32 $0xFFFFD800  }
0x28d: {  	[tilespmem:s2], [sflag:$0x8] =	stream.indirect.gather.add.f32 [hbm:s15], $0x80, s0, s23, $0xb8;
	[tilespmem:$0x15800] =	vst v63  }
0x28e: {  	s0 =	sld [smem:$0x7F7]  }
0x28f: {  	[tilespmem:s2], [sflag:$0x8] =	stream.indirect.gather.add.f32 [hbm:s15], $0x80, s1, s23, $0xb8;
	[tilespmem:$0x15800] =	vst v63  }
0x290: {  	s1 =	sld [smem:$0x7F8]  }
0x291: {  	[tilespmem:s2], [sflag:$0x8] =	stream.indirect.gather.add.f32 [hbm:s15], $0x80, s0, s23, $0xb8;
	[tilespmem:$0x15800] =	vst v63  }
0x292: {  	s0 =	sld [smem:$0x7F9]  }
0x293: {  	[tilespmem:s2], [sflag:$0x8] =	stream.indirect.gather.add.f32 [hbm:s15], $0x80, s1, s23, $0xb8;
	[tilespmem:$0x15800] =	vst v63  }
0x294: {  	s1 =	sld [smem:$0x7FA]  }
0x295: {  	[tilespmem:s2], [sflag:$0x8] =	stream.indirect.gather.add.f32 [hbm:s15], $0x80, s0, s23, $0xb8;
	[tilespmem:$0x15800] =	vst v63  }
0x296: {  	s0 =	sld [smem:$0x7FB]  }
0x297: {  	[tilespmem:s2], [sflag:$0x8] =	stream.indirect.gather.add.f32 [hbm:s15], $0x80, s1, s23, $0xb8;
	[tilespmem:$0x15800] =	vst v63  }
0x298: {  	s1 =	sld [smem:$0x7FC]  }
0x299: {  	[tilespmem:s2], [sflag:$0x8] =	stream.indirect.gather.add.f32 [hbm:s15], $0x80, s0, s23, $0xb8;
	[tilespmem:$0x15800] =	vst v63  }
0x29a: {  	s0 =	sld [smem:$0x7FD]  }
0x29b: {  	[tilespmem:s2], [sflag:$0x8] =	stream.indirect.gather.add.f32 [hbm:s15], $0x80, s1, s23, $0xb8;
	[tilespmem:$0x15800] =	vst v63  }
0x29c: {  	_ = 	snop  }
0x29d: {  	[tilespmem:s2], [sflag:$0x8] =	stream.indirect.gather.add.f32 [hbm:s15], $0x80, s0, s23, $0xb8;
	[tilespmem:$0x15800] =	vst v63  }
0x29e: {  	_ =	swait.ge [sflag:s31], $0x2800  }
0x29f: {  	[sflag:s31] =	ssyncset.done $0x0  }
0x2a0: {  	s15 =	rddreg [dreg:$0x5];
	[sflag:s31] =	ssyncadd.s32 $0xFFFFD800  }
0x2a1: {  	[hbm4b:s15+s3] =	stream.strided.scatter [tilespmem:s21], [sflag:$0x9], $0x2800, s5, s3, $0x38;
	[tilespmem:$0x15800] =	vst v63  }
0x2a2: {  	_ =	swait.ge [sflag:s30], $0x2800  }
0x2a3: {  	[sflag:s30] =	ssyncset.done $0x0  }
0x2a4: {  	s23 =	rddreg [dreg:$0x6];
	[sflag:s30] =	ssyncadd.s32 $0xFFFFD800  }
0x2a5: {  	[hbm4b:s23+s3] =	stream.strided.scatter [tilespmem:s24], [sflag:$0xA], $0x2800, s5, s3, $0x38;
	[tilespmem:$0x15800] =	vst v63  }
0x2a6: {  	_ =	swait.ge [sflag:s29], $0x2800  }
0x2a7: {  	[sflag:s29] =	ssyncset.done $0x0  }
0x2a8: {  	s24 =	rddreg [dreg:$0x7];
	[sflag:s29] =	ssyncadd.s32 $0xFFFFD800  }
0x2a9: {  	[hbm4b:s24+s3] =	stream.strided.scatter [tilespmem:s25], [sflag:$0xB], $0x2800, s5, s3, $0x38;
	[tilespmem:$0x15800] =	vst v63  }
0x2aa: {  	_ =	swait.ge [sflag:s28], $0x2800  }
0x2ab: {  	[sflag:s28] =	ssyncset.done $0x0  }
0x2ac: {  	s25 =	rddreg [dreg:$0x8];
	[sflag:s28] =	ssyncadd.s32 $0xFFFFD800  }
0x2ad: {  	[hbm4b:s25+s3] =	stream.strided.scatter [tilespmem:s26], [sflag:$0xC], $0x2800, s5, s3, $0x38;
	[tilespmem:$0x15800] =	vst v63  }
0x2ae: {  	_ =	swait.ge [sflag:s20], $0x2800  }
0x2af: {  	[sflag:s20] =	ssyncset.done $0x0  }
0x2b0: {  	[sflag:s20] =	ssyncadd.s32 $0xFFFFD800  }
0x2b1: {  	_ =	swait.ge [sflag:s20], $0x2800  }
0x2b2: {  	[sflag:s20] =	ssyncset.done $0x0  }
0x2b3: {  	[sflag:s20] =	ssyncadd.s32 $0xFFFFD800  }
0x2b4: {  	_ =	swait.ge [sflag:s20], $0x2800  }
0x2b5: {  	[sflag:s20] =	ssyncset.done $0x0  }
0x2b6: {  	[sflag:s20] =	ssyncadd.s32 $0xFFFFD800  }
0x2b7: {  	_ =	swait.ge [sflag:s20], $0x2800  }
0x2b8: {  	[sflag:s20] =	ssyncset.done $0x0  }
0x2b9: {  	[sflag:s20] =	ssyncadd.s32 $0xFFFFD800  }
0x2ba: {  	_ =	swait.ge [sflag:s20], $0x2800  }
0x2bb: {  	[sflag:s20] =	ssyncset.done $0x0  }
0x2bc: {  	[sflag:s20] =	ssyncadd.s32 $0xFFFFD800  }
0x2bd: {  	_ =	swait.ge [sflag:s20], $0x2800  }
0x2be: {  	[sflag:s20] =	ssyncset.done $0x0  }
0x2bf: {  	[sflag:s20] =	ssyncadd.s32 $0xFFFFD800  }
0x2c0: {  	_ =	swait.ge [sflag:s20], $0x2800  }
0x2c1: {  	[sflag:s20] =	ssyncset.done $0x0  }
0x2c2: {  	[sflag:s20] =	ssyncadd.s32 $0xFFFFD800  }
0x2c3: {  	_ =	swait.ge [sflag:s20], $0x2800  }
0x2c4: {  	[sflag:s20] =	ssyncset.done $0x0  }
0x2c5: {  	[sflag:s20] =	ssyncadd.s32 $0xFFFFD800  }
0x2c6: {  	_ =	swait.ge [sflag:s20], $0x2800  }
0x2c7: {  	[sflag:s20] =	ssyncset.done $0x0  }
0x2c8: {  	s28 =	rddreg [dreg:$0x9];
	[sflag:s20] =	ssyncadd.s32 $0xFFFFD800  }
0x2c9: {  	[hbm4b:s28+s3] =	stream.strided.scatter [tilespmem:s19], [sflag:$0xD], $0x2800, s5, s3, $0x38;
	[tilespmem:$0x15800] =	vst v63  }
0x2ca: {  	_ =	swait.ge [sflag:s18], $0x2800  }
0x2cb: {  	[sflag:s18] =	ssyncset.done $0x0  }
0x2cc: {  	[sflag:s18] =	ssyncadd.s32 $0xFFFFD800  }
0x2cd: {  	_ =	swait.ge [sflag:s18], $0x2800  }
0x2ce: {  	[sflag:s18] =	ssyncset.done $0x0  }
0x2cf: {  	[sflag:s18] =	ssyncadd.s32 $0xFFFFD800  }
0x2d0: {  	_ =	swait.ge [sflag:s18], $0x2800  }
0x2d1: {  	[sflag:s18] =	ssyncset.done $0x0  }
0x2d2: {  	[sflag:s18] =	ssyncadd.s32 $0xFFFFD800  }
0x2d3: {  	_ =	swait.ge [sflag:s18], $0x2800  }
0x2d4: {  	[sflag:s18] =	ssyncset.done $0x0  }
0x2d5: {  	[sflag:s18] =	ssyncadd.s32 $0xFFFFD800  }
0x2d6: {  	_ =	swait.ge [sflag:s18], $0x2800  }
0x2d7: {  	[sflag:s18] =	ssyncset.done $0x0  }
0x2d8: {  	[sflag:s18] =	ssyncadd.s32 $0xFFFFD800  }
0x2d9: {  	_ =	swait.ge [sflag:s18], $0x2800  }
0x2da: {  	[sflag:s18] =	ssyncset.done $0x0  }
0x2db: {  	[sflag:s18] =	ssyncadd.s32 $0xFFFFD800  }
0x2dc: {  	_ =	swait.ge [sflag:s18], $0x2800  }
0x2dd: {  	[sflag:s18] =	ssyncset.done $0x0  }
0x2de: {  	[sflag:s18] =	ssyncadd.s32 $0xFFFFD800  }
0x2df: {  	_ =	swait.ge [sflag:s18], $0x2800  }
0x2e0: {  	[sflag:s18] =	ssyncset.done $0x0  }
0x2e1: {  	[sflag:s18] =	ssyncadd.s32 $0xFFFFD800  }
0x2e2: {  	_ =	swait.ge [sflag:s18], $0x2800  }
0x2e3: {  	[sflag:s18] =	ssyncset.done $0x0  }
0x2e4: {  	s29 =	rddreg [dreg:$0xa];
	[sflag:s18] =	ssyncadd.s32 $0xFFFFD800  }
0x2e5: {  	[hbm4b:s29+s3] =	stream.strided.scatter [tilespmem:s17], [sflag:$0xE], $0x2800, s5, s3, $0x38;
	[tilespmem:$0x15800] =	vst v63  }
0x2e6: {  	_ =	swait.ge [sflag:s16], $0x2800  }
0x2e7: {  	[sflag:s16] =	ssyncset.done $0x0  }
0x2e8: {  	[sflag:s16] =	ssyncadd.s32 $0xFFFFD800  }
0x2e9: {  	_ =	swait.ge [sflag:s16], $0x2800  }
0x2ea: {  	[sflag:s16] =	ssyncset.done $0x0  }
0x2eb: {  	[sflag:s16] =	ssyncadd.s32 $0xFFFFD800  }
0x2ec: {  	_ =	swait.ge [sflag:s16], $0x2800  }
0x2ed: {  	[sflag:s16] =	ssyncset.done $0x0  }
0x2ee: {  	[sflag:s16] =	ssyncadd.s32 $0xFFFFD800  }
0x2ef: {  	_ =	swait.ge [sflag:s16], $0x2800  }
0x2f0: {  	[sflag:s16] =	ssyncset.done $0x0  }
0x2f1: {  	[sflag:s16] =	ssyncadd.s32 $0xFFFFD800  }
0x2f2: {  	_ =	swait.ge [sflag:s16], $0x2800  }
0x2f3: {  	[sflag:s16] =	ssyncset.done $0x0  }
0x2f4: {  	[sflag:s16] =	ssyncadd.s32 $0xFFFFD800  }
0x2f5: {  	_ =	swait.ge [sflag:s16], $0x2800  }
0x2f6: {  	[sflag:s16] =	ssyncset.done $0x0  }
0x2f7: {  	[sflag:s16] =	ssyncadd.s32 $0xFFFFD800  }
0x2f8: {  	_ =	swait.ge [sflag:s16], $0x2800  }
0x2f9: {  	[sflag:s16] =	ssyncset.done $0x0  }
0x2fa: {  	[sflag:s16] =	ssyncadd.s32 $0xFFFFD800  }
0x2fb: {  	_ =	swait.ge [sflag:s16], $0x2800  }
0x2fc: {  	[sflag:s16] =	ssyncset.done $0x0  }
0x2fd: {  	[sflag:s16] =	ssyncadd.s32 $0xFFFFD800  }
0x2fe: {  	_ =	swait.ge [sflag:s16], $0x2800  }
0x2ff: {  	[sflag:s16] =	ssyncset.done $0x0  }
0x300: {  	s30 =	rddreg [dreg:$0xb];
	[sflag:s16] =	ssyncadd.s32 $0xFFFFD800  }
0x301: {  	[hbm4b:s30+s3] =	stream.strided.scatter [tilespmem:s14], [sflag:$0xF], $0x2800, s5, s3, $0x38;
	[tilespmem:$0x15800] =	vst v63  }
0x302: {  	_ =	swait.ge [sflag:s10], $0x2800  }
0x303: {  	[sflag:s10] =	ssyncset.done $0x0  }
0x304: {  	[sflag:s10] =	ssyncadd.s32 $0xFFFFD800  }
0x305: {  	_ =	swait.ge [sflag:s10], $0x2800  }
0x306: {  	[sflag:s10] =	ssyncset.done $0x0  }
0x307: {  	[sflag:s10] =	ssyncadd.s32 $0xFFFFD800  }
0x308: {  	_ =	swait.ge [sflag:s10], $0x2800  }
0x309: {  	[sflag:s10] =	ssyncset.done $0x0  }
0x30a: {  	[sflag:s10] =	ssyncadd.s32 $0xFFFFD800  }
0x30b: {  	_ =	swait.ge [sflag:s10], $0x2800  }
0x30c: {  	[sflag:s10] =	ssyncset.done $0x0  }
0x30d: {  	[sflag:s10] =	ssyncadd.s32 $0xFFFFD800  }
0x30e: {  	_ =	swait.ge [sflag:s10], $0x2800  }
0x30f: {  	[sflag:s10] =	ssyncset.done $0x0  }
0x310: {  	[sflag:s10] =	ssyncadd.s32 $0xFFFFD800  }
0x311: {  	_ =	swait.ge [sflag:s10], $0x2800  }
0x312: {  	[sflag:s10] =	ssyncset.done $0x0  }
0x313: {  	[sflag:s10] =	ssyncadd.s32 $0xFFFFD800  }
0x314: {  	_ =	swait.ge [sflag:s10], $0x2800  }
0x315: {  	[sflag:s10] =	ssyncset.done $0x0  }
0x316: {  	[sflag:s10] =	ssyncadd.s32 $0xFFFFD800  }
0x317: {  	_ =	swait.ge [sflag:s10], $0x2800  }
0x318: {  	[sflag:s10] =	ssyncset.done $0x0  }
0x319: {  	[sflag:s10] =	ssyncadd.s32 $0xFFFFD800  }
0x31a: {  	_ =	swait.ge [sflag:s10], $0x2800  }
0x31b: {  	[sflag:s10] =	ssyncset.done $0x0  }
0x31c: {  	s31 =	rddreg [dreg:$0xc];
	[sflag:s10] =	ssyncadd.s32 $0xFFFFD800  }
0x31d: {  	[hbm4b:s31+s3] =	stream.strided.scatter [tilespmem:s2], [sflag:$0x10], $0x2800, s5, s3, $0x38;
	[tilespmem:$0x15800] =	vst v63  }
0x31e: {  	_ =	swait.ge [sflag:s12], $0x2800  }
0x31f: {  	[sflag:s12] =	ssyncset.done $0x0  }
0x320: {  	[sflag:s12] =	ssyncadd.s32 $0xFFFFD800  }
0x321: {  	_ =	swait.ge [sflag:s13], $0x2800  }
0x322: {  	[sflag:s13] =	ssyncset.done $0x0  }
0x323: {  	[sflag:s13] =	ssyncadd.s32 $0xFFFFD800  }
0x324: {  	_ =	swait.ge [sflag:s11], $0x2800  }
0x325: {  	[sflag:s11] =	ssyncset.done $0x0  }
0x326: {  	[sflag:s11] =	ssyncadd.s32 $0xFFFFD800  }
0x327: {  	_ =	swait.ge [sflag:s9], $0x2800  }
0x328: {  	[sflag:s9] =	ssyncset.done $0x0  }
0x329: {  	[sflag:s9] =	ssyncadd.s32 $0xFFFFD800  }
0x32a: {  	_ =	swait.ge [sflag:s8], $0x2800  }
0x32b: {  	[sflag:s8] =	ssyncset.done $0x0  }
0x32c: {  	[sflag:s8] =	ssyncadd.s32 $0xFFFFD800  }
0x32d: {  	_ =	swait.ge [sflag:s7], $0x2800  }
0x32e: {  	[sflag:s7] =	ssyncset.done $0x0  }
0x32f: {  	[sflag:s7] =	ssyncadd.s32 $0xFFFFD800  }
0x330: {  	_ =	swait.ge [sflag:s6], $0x2800  }
0x331: {  	[sflag:s6] =	ssyncset.done $0x0  }
0x332: {  	[sflag:s6] =	ssyncadd.s32 $0xFFFFD800  }
0x333: {  	_ =	swait.ge [sflag:s4], $0x2800  }
0x334: {  	[sflag:s4] =	ssyncset.done $0x0  }
0x335: {  	[sflag:s4] =	ssyncadd.s32 $0xFFFFD800  }
0x336: {  	_ =	sfence.sel $0x180000  }
0x337: {  	[bflag:$0x0] =	sbarrier.arrive $0xFFFF  }
0x338: {  	_ =	strace $0x90000047  }
0x339: {  	[bflag:$0x2] =	sbarrier.arrive $0xFFFF  }
0x33a: {  	p0 =	sne.s32 s22, $0x0;
	s0 =	rddreg [dreg:$0x3]  }
0x33b: {  	s0 =	sadd.s32 @!p0 $0x100000, s0  }
0x33c: {  	[sflag:s0] =	ssyncadd.tile.s32 @!p0 $0x1;
	_ =	shalt  }
.LBB2_2:
.Ltmp3:
0x33d: {  	(pc) =	sbr.rel .LBB2_5-.Ltmp3, $2  }
0x33e: {  	_ =	sdelay $0x2  }
0x33f: {  	s22 =	stileid.u32  }
.Lfunc_end2:
_tile_overlayer_lowered:
.L_overlay_start_2:
0x340: {  	(tag) =	ssettag $0x2  }
0x341: {  	s0 =	rddreg [dreg:$0x0];
	s2 =	stileid.u32  }
0x342: {  	s1 =	rddreg [dreg:$0x1];
	p0 =	sne.s32 s2, $0x0  }
0x343: {  	s3 =	rddreg [dreg:$0x2];
	[bflag:$0x3] =	sbarrier.arrive $0xFFFF;
	s2 =	simm.s32 @!p0 $0x1C11  }
0x344: {  	[timem:s3], [sflag:s2] =	dma.local @!p0 [hbm:s0], s1  }
0x345: {  	s0 =	simm.s32 @!p0 $0x11  }
0x346: {  	_ =	swait.ge @!p0 [sflag:s0], s1  }
0x347: {  	s1 =	ssub.s32 @!p0 $0x0, s1;
	[sflag:s0] =	ssyncset.done @!p0 $0x0  }
0x348: {  	[sflag:s0] =	ssyncadd.s32 @!p0 s1  }
0x349: {  	[bflag:$0x3] =	sbarrier.arrive $0xFFFF  }
0x34a: {  	_ =	shalt  }

</sc_bundles>
